<compile_context>
chip_gen: v7x
topology: tpu7x:2x2x1
jax: 0.10.2.dev20260603
libtpu: 0.0.44.dev20260713+nightly
codegen_flags: <defaults>
</compile_context>

<pallas_src>
import functools

import jax
import jax.numpy as jnp
from jax import lax
from jax.experimental import pallas as pl
from jax.experimental.pallas import tpu as pltpu
from jax.experimental.pallas import tpu_sc as plsc

N = 10000
NP = 10240
E = 320000
EP = 327680
F_IN = 128
H2 = 256
HALF = 128
C = 2
G = 128

NC = 2
NS = 16
CHUNK = 128
ECH = EP // CHUNK
SPC = 64
ECHS = EP // SPC

NCH_DEG = ECH // (NC * NS)
NCH_SP = ECHS // NS
NSTG = 8
SCH = NCH_SP // NSTG
NBUF = 4
KPF = 3
RPT = NP // NS
CPT = NP // NS

f32 = jnp.float32


@functools.lru_cache(maxsize=None)
def _sc_kernels():
    mesh = plsc.VectorSubcoreMesh(
        core_axis_name="c", subcore_axis_name="s",
        num_cores=NC, num_subcores=NS)

    @functools.partial(
        pl.kernel,
        out_type=jax.ShapeDtypeStruct((NC, 1, NP), f32),
        mesh=mesh,
        scratch_types=[
            pltpu.VMEM((NCH_DEG, CHUNK), jnp.int32),
            pltpu.VMEM((CHUNK,), f32),
            pltpu.VMEM((CPT,), f32),
            pltpu.VMEM_SHARED((NP,), f32),
        ],
    )
    def sc_deg1(dst_hbm, part_hbm, idx_v, ones_v, zbuf, acc_sh):
        c = lax.axis_index("c")
        s = lax.axis_index("s")
        wid = c * NS + s

        one16 = jnp.ones((16,), f32)
        zero16 = jnp.zeros((16,), f32)

        def fill_ones(i, _):
            ones_v[pl.ds(i * 16, 16)] = one16
            return 0

        lax.fori_loop(0, CHUNK // 16, fill_ones, 0)

        def fill_zero(i, _):
            zbuf[pl.ds(i * 16, 16)] = zero16
            return 0

        lax.fori_loop(0, CPT // 16, fill_zero, 0)

        pltpu.sync_copy(zbuf, acc_sh.at[pl.ds(s * CPT, CPT)])
        pltpu.sync_copy(dst_hbm.at[pl.ds(wid * NCH_DEG, NCH_DEG)], idx_v)
        plsc.subcore_barrier()

        def body(j, _):
            pltpu.sync_copy(ones_v, acc_sh.at[idx_v.at[j]], add=True)
            return 0

        lax.fori_loop(0, NCH_DEG, body, 0)
        plsc.subcore_barrier()
        pltpu.sync_copy(acc_sh.at[pl.ds(s * CPT, CPT)],
                        part_hbm.at[c, 0, pl.ds(s * CPT, CPT)])

    @functools.partial(
        pl.kernel,
        out_type=jax.ShapeDtypeStruct((NP,), f32),
        mesh=mesh,
        scratch_types=[
            pltpu.VMEM((NC, CPT), f32),
            pltpu.VMEM((CPT,), f32),
        ],
    )
    def sc_deg2(part_hbm, deg_hbm, pbuf, abuf):
        c = lax.axis_index("c")
        s = lax.axis_index("s")

        @pl.when(c == 0)
        def _():
            pltpu.sync_copy(
                part_hbm.at[:, 0, pl.ds(s * CPT, CPT)], pbuf)

            def red(k, _):
                v = pbuf[0, pl.ds(k * 16, 16)]
                for i in range(1, NC):
                    v = v + pbuf[i, pl.ds(k * 16, 16)]
                abuf[pl.ds(k * 16, 16)] = v
                return 0

            lax.fori_loop(0, CPT // 16, red, 0)
            pltpu.sync_copy(abuf, deg_hbm.at[pl.ds(s * CPT, CPT)])

    @functools.partial(
        pl.kernel,
        out_type=(
            jax.ShapeDtypeStruct((NP, HALF), f32),
            jax.ShapeDtypeStruct((NP, HALF), f32),
        ),
        mesh=mesh,
        scratch_types=(
            [pltpu.VMEM((SCH, SPC), jnp.int32)] * 2
            + [pltpu.VMEM((SPC, HALF), f32)] * NBUF
            + [pltpu.VMEM_SHARED((NP, HALF), f32)]
            + [pltpu.SemaphoreType.DMA] * (2 * NBUF)
        ),
    )
    def sc_spmm(hlo_hbm, hhi_hbm, src_hbm, dst_hbm, alo_hbm, ahi_hbm,
                *scratch):
        src_v, dst_v = scratch[0], scratch[1]
        rows = scratch[2:2 + NBUF]
        acc_sh = scratch[2 + NBUF]
        gsems = scratch[3 + NBUF:3 + 2 * NBUF]
        ssems = scratch[3 + 2 * NBUF:3 + 3 * NBUF]
        c = lax.axis_index("c")
        s = lax.axis_index("s")

        def do_half(h_ref, agg_ref):
            pltpu.sync_copy(
                h_ref.at[pl.ds(s * RPT, RPT)],
                acc_sh.at[pl.ds(s * RPT, RPT)],
            )
            plsc.subcore_barrier()

            def gather(jj, b):
                pltpu.async_copy(h_ref.at[src_v.at[jj]], rows[b], gsems[b])

            def gwait(b):
                pltpu.make_async_copy(
                    h_ref.at[pl.ds(0, SPC)], rows[b], gsems[b]).wait()

            def scatter(jj, b):
                pltpu.async_copy(
                    rows[b], acc_sh.at[dst_v.at[jj]], ssems[b], add=True)

            def swait(b):
                pltpu.make_async_copy(
                    rows[b], acc_sh.at[pl.ds(0, SPC)], ssems[b]).wait()

            def stage(q):
                base = pl.multiple_of(s * NCH_SP + q * SCH, 8)
                pltpu.sync_copy(src_hbm.at[pl.ds(base, SCH)], src_v)
                pltpu.sync_copy(dst_hbm.at[pl.ds(base, SCH)], dst_v)
                for t in range(KPF):
                    gather(t, t)

                def lbody(j):
                    for bi in range(NBUF):
                        jj = j + bi
                        b = bi
                        nb = (bi + KPF) % NBUF

                        @pl.when(jj >= NBUF - KPF)
                        def _():
                            swait(nb)

                        @pl.when(jj + KPF < SCH)
                        def _():
                            gather(jj + KPF, nb)

                        gwait(b)
                        scatter(jj, b)

                pl.loop(0, SCH, step=NBUF)(lbody)
                for m in range(SCH - (NBUF - KPF), SCH):
                    swait(m % NBUF)

            pl.loop(0, NSTG)(stage)
            plsc.subcore_barrier()

            pltpu.sync_copy(
                acc_sh.at[pl.ds(s * RPT, RPT)],
                agg_ref.at[pl.ds(s * RPT, RPT)],
            )
            plsc.subcore_barrier()

        @pl.when(c == 0)
        def _():
            do_half(hlo_hbm, alo_hbm)

        @pl.when(c == 1)
        def _():
            do_half(hhi_hbm, ahi_hbm)

    return sc_deg1, sc_deg2, sc_spmm


_SELU_ALPHA = 1.6732632423543772
_SELU_SCALE = 1.0507009873554805


def _selu(x):
    return _SELU_SCALE * jnp.where(x > 0, x, _SELU_ALPHA * (jnp.exp(x) - 1.0))


RB = 5120
NSTEP = NP // RB


def _tc_pre_body(deg_ref, x_ref, w1_ref, batch_ref,
                 hlo_ref, hhi_ref, dinv_ref, fidx_ref, cnt_acc):
    j = pl.program_id(0)

    @pl.when(j == 0)
    def _():
        cnt_acc[...] = jnp.zeros_like(cnt_acc)

    deg = deg_ref[...] + 1.0
    dinv = lax.rsqrt(deg)
    dinv_ref[...] = dinv
    h = jnp.dot(x_ref[...], w1_ref[...], preferred_element_type=f32) * dinv
    hlo_ref[...] = h[:, :HALF]
    hhi_ref[...] = h[:, HALF:]

    gvec = lax.broadcasted_iota(jnp.int32, (1, G), 1)
    lt = (batch_ref[...] < gvec).astype(f32)
    cnt_acc[...] += jnp.sum(lt, axis=0, keepdims=True)

    @pl.when(j == NSTEP - 1)
    def _():
        fidx_ref[...] = jnp.minimum(cnt_acc[...], float(N - 1))


def _tc_pre(deg, x, w1, batch2):
    return pl.pallas_call(
        _tc_pre_body,
        grid=(NSTEP,),
        in_specs=[
            pl.BlockSpec((RB, 1), lambda j: (j, 0)),
            pl.BlockSpec((RB, F_IN), lambda j: (j, 0)),
            pl.BlockSpec((F_IN, H2), lambda j: (0, 0)),
            pl.BlockSpec((RB, 1), lambda j: (j, 0)),
        ],
        out_specs=[
            pl.BlockSpec((RB, HALF), lambda j: (j, 0)),
            pl.BlockSpec((RB, HALF), lambda j: (j, 0)),
            pl.BlockSpec((RB, 1), lambda j: (j, 0)),
            pl.BlockSpec((1, G), lambda j: (0, 0)),
        ],
        out_shape=[
            jax.ShapeDtypeStruct((NP, HALF), f32),
            jax.ShapeDtypeStruct((NP, HALF), f32),
            jax.ShapeDtypeStruct((NP, 1), f32),
            jax.ShapeDtypeStruct((1, G), f32),
        ],
        scratch_shapes=[pltpu.VMEM((1, G), f32)],
    )(deg, x, w1, batch2)


def _tc_mid_body(alo_ref, ahi_ref, dinv_ref, b1_ref, w2_ref,
                 hlo_ref, hhi_ref):
    dinv = dinv_ref[...]
    a = jnp.concatenate([alo_ref[...], ahi_ref[...]], axis=1)
    h1 = _selu(a * dinv + b1_ref[...])
    h2 = jnp.dot(h1, w2_ref[...], preferred_element_type=f32) * dinv
    hlo_ref[...] = h2[:, :HALF]
    hhi_ref[...] = h2[:, HALF:]


def _tc_mid(alo, ahi, dinv, b1, w2):
    return pl.pallas_call(
        _tc_mid_body,
        grid=(NSTEP,),
        in_specs=[
            pl.BlockSpec((RB, HALF), lambda j: (j, 0)),
            pl.BlockSpec((RB, HALF), lambda j: (j, 0)),
            pl.BlockSpec((RB, 1), lambda j: (j, 0)),
            pl.BlockSpec((1, H2), lambda j: (0, 0)),
            pl.BlockSpec((H2, H2), lambda j: (0, 0)),
        ],
        out_specs=[
            pl.BlockSpec((RB, HALF), lambda j: (j, 0)),
            pl.BlockSpec((RB, HALF), lambda j: (j, 0)),
        ],
        out_shape=[
            jax.ShapeDtypeStruct((NP, HALF), f32),
            jax.ShapeDtypeStruct((NP, HALF), f32),
        ],
    )(alo, ahi, dinv, b1, w2)


def _tc_head_body(alo_ref, ahi_ref, dinv_ref, b2_ref, batch_ref, x_ref,
                  fidx_ref, wf0_ref, bf0_ref, wf1_ref, bf1_ref, wf2_ref,
                  bf2_ref, out_ref, pool_acc, cnt_acc, news_acc):
    j = pl.program_id(0)

    @pl.when(j == 0)
    def _():
        pool_acc[...] = jnp.zeros_like(pool_acc)
        cnt_acc[...] = jnp.zeros_like(cnt_acc)
        news_acc[...] = jnp.zeros_like(news_acc)

    a = jnp.concatenate([alo_ref[...], ahi_ref[...]], axis=1)
    h = _selu(a * dinv_ref[...] + b2_ref[...])

    gvec = lax.broadcasted_iota(jnp.int32, (1, G), 1)
    m = (batch_ref[...] == gvec).astype(f32)
    dn = (((0,), (0,)), ((), ()))
    pool_acc[...] += lax.dot_general(m, h, dn, preferred_element_type=f32)
    cnt_acc[...] += lax.dot_general(
        m, jnp.ones((RB, 1), f32), dn, preferred_element_type=f32)

    rowid = (lax.broadcasted_iota(jnp.int32, (RB, 1), 0) + j * RB).astype(f32)
    fsel = (rowid == fidx_ref[...]).astype(f32)
    news_acc[...] += lax.dot_general(fsel, x_ref[...], dn,
                                     preferred_element_type=f32)

    @pl.when(j == NSTEP - 1)
    def _():
        cnt = jnp.maximum(cnt_acc[...], 1.0)
        pooled = _selu(pool_acc[...] / cnt)
        news = jnp.maximum(
            jnp.dot(news_acc[...], wf0_ref[...], preferred_element_type=f32)
            + bf0_ref[...], 0.0)
        z = jnp.concatenate([pooled, news], axis=1)
        z = _selu(jnp.dot(z, wf1_ref[...], preferred_element_type=f32)
                  + bf1_ref[...])
        z = jnp.dot(z, wf2_ref[...], preferred_element_type=f32) + bf2_ref[...]
        zmax = jnp.max(z, axis=-1, keepdims=True)
        lse = zmax + jnp.log(jnp.sum(jnp.exp(z - zmax), axis=-1, keepdims=True))
        out_ref[...] = z - lse


def _tc_head(alo, ahi, dinv, b2, batch2, x, fidx, wf0, bf0, wf1, bf1,
             wf2, bf2):
    full = lambda shape: pl.BlockSpec(shape, lambda j: tuple(0 for _ in shape))
    return pl.pallas_call(
        _tc_head_body,
        grid=(NSTEP,),
        in_specs=[
            pl.BlockSpec((RB, HALF), lambda j: (j, 0)),
            pl.BlockSpec((RB, HALF), lambda j: (j, 0)),
            pl.BlockSpec((RB, 1), lambda j: (j, 0)),
            full((1, H2)),
            pl.BlockSpec((RB, 1), lambda j: (j, 0)),
            pl.BlockSpec((RB, F_IN), lambda j: (j, 0)),
            full((1, G)),
            full((F_IN, H2)),
            full((1, H2)),
            full((2 * H2, 128)),
            full((1, 128)),
            full((128, C)),
            full((1, C)),
        ],
        out_specs=full((G, C)),
        out_shape=jax.ShapeDtypeStruct((G, C), f32),
        scratch_shapes=[
            pltpu.VMEM((G, H2), f32),
            pltpu.VMEM((G, 1), f32),
            pltpu.VMEM((G, F_IN), f32),
        ],
    )(alo, ahi, dinv, b2, batch2, x, fidx, wf0, bf0, wf1, bf1, wf2, bf2)


def kernel(x, edge_index, batch, W1, b1, W2, b2, Wf0, bf0, Wf1, bf1, Wf2, bf2):
    srcp = jnp.pad(edge_index[0], (0, EP - E), constant_values=NP - 1)
    dstp = jnp.pad(edge_index[1], (0, EP - E), constant_values=NP - 1)
    src2 = srcp.reshape(ECHS, SPC)
    dst2 = dstp.reshape(ECHS, SPC)
    dstd = dstp.reshape(ECH, CHUNK)
    x = jnp.pad(x, ((0, NP - N), (0, 0)))
    batch2 = jnp.pad(batch, (0, NP - N), constant_values=G).reshape(NP, 1)

    sc_deg1, sc_deg2, sc_spmm = _sc_kernels()
    deg = sc_deg2(sc_deg1(dstd)).reshape(NP, 1)
    hlo, hhi, dinv, fidx = _tc_pre(deg, x, W1, batch2)
    alo, ahi = sc_spmm(hlo, hhi, src2, dst2)
    h2lo, h2hi = _tc_mid(alo, ahi, dinv, b1.reshape(1, H2), W2)
    a2lo, a2hi = sc_spmm(h2lo, h2hi, src2, dst2)
    return _tc_head(a2lo, a2hi, dinv, b2.reshape(1, H2), batch2, x, fidx,
                    Wf0, bf0.reshape(1, H2), Wf1, bf1.reshape(1, 128),
                    Wf2, bf2.reshape(1, C))

# --- scband reference (transcript-rebuilt; emitter-appended) ---
"""Pipeline reference for scband-model-60979945668953 (READ-ONLY COPY).

The authoritative reference and input builder live on the scoring server;
editing this copy changes nothing except your own understanding.
"""

import jax, jax.numpy as jnp
import numpy as np

N = 10000
E = 320000
F_IN = 128
NHID = 128
H2 = 2 * NHID
C = 2
G = 128


def setup_inputs(seed: int = 0) -> dict:
    key = jax.random.key(seed)
    ks = jax.random.split(key, 16)
    x = jax.random.normal(ks[0], (N, F_IN), jnp.float32)
    edge_index = jax.random.randint(ks[1], (2, E), 0, N, jnp.int32)
    batch = jnp.sort(jax.random.randint(ks[2], (N,), 0, G, jnp.int32))
    def lin(k, fan_in, fan_out):
        s = 1.0 / np.sqrt(fan_in)
        kw, kb = jax.random.split(k)
        W = jax.random.uniform(kw, (fan_in, fan_out), jnp.float32, -s, s)
        b = jax.random.uniform(kb, (fan_out,), jnp.float32, -s, s)
        return W, b
    W1, b1 = lin(ks[3], F_IN, H2)
    W2, b2 = lin(ks[4], H2, H2)
    Wf0, bf0 = lin(ks[5], F_IN, H2)
    Wf1, bf1 = lin(ks[6], 2 * H2, NHID)
    Wf2, bf2 = lin(ks[7], NHID, C)
    return {"x": x, "edge_index": edge_index, "batch": batch,
            "W1": W1, "b1": b1, "W2": W2, "b2": b2,
            "Wf0": Wf0, "bf0": bf0, "Wf1": Wf1, "bf1": bf1,
            "Wf2": Wf2, "bf2": bf2}


def _gcn_conv(x, edge_index, W, b):
    n = x.shape[0]
    src = edge_index[0]
    dst = edge_index[1]
    loop = jnp.arange(n, dtype=src.dtype)
    s = jnp.concatenate([src, loop])
    d = jnp.concatenate([dst, loop])
    deg = jnp.zeros((n,), x.dtype).at[d].add(1.0)
    dinv = jnp.where(deg > 0, 1.0 / jnp.sqrt(deg), 0.0)
    norm = dinv[s] * dinv[d]
    h = x @ W
    msg = h[s] * norm[:, None]
    out = jnp.zeros((n, W.shape[1]), x.dtype).at[d].add(msg)
    return out + b


def _global_mean_pool(x, batch, num_graphs):
    sums = jnp.zeros((num_graphs, x.shape[1]), x.dtype).at[batch].add(x)
    cnt = jnp.zeros((num_graphs,), x.dtype).at[batch].add(1.0)
    return sums / jnp.clip(cnt, 1.0)[:, None]


def reference(x, edge_index, batch, W1, b1, W2, b2, Wf0, bf0, Wf1, bf1, Wf2, bf2):
    h = jax.nn.selu(_gcn_conv(x, edge_index, W1, b1))
    h = jax.nn.selu(_gcn_conv(h, edge_index, W2, b2))
    pooled = jax.nn.selu(_global_mean_pool(h, batch, G))
    # first node of each graph (batch is sorted)
    first_idx = jnp.searchsorted(batch, jnp.arange(G, dtype=batch.dtype))
    news = jax.nn.relu(x[first_idx] @ Wf0 + bf0)
    z = jnp.concatenate([pooled, news], axis=1)
    z = jax.nn.selu(z @ Wf1 + bf1)
    # dropout is identity in eval mode
    z = z @ Wf2 + bf2
    return jax.nn.log_softmax(z, axis=-1)

if __name__ == "__main__":
    import jax
    _d = setup_inputs()
    print(jax.jit(kernel)(*tuple(_d.values())))

</pallas_src>

<mosaic_0001>
#map = affine_map<(d0, d1) -> (0, 0)>
module attributes {stable_mosaic.version = 14 : i64} {
  func.func @sc_spmm(%arg0: i32, %arg1: i32, %arg2: memref<10240x128xf32, #tpu.memory_space<hbm>>, %arg3: memref<10240x128xf32, #tpu.memory_space<hbm>>, %arg4: memref<5120x64xi32, #tpu.memory_space<hbm>>, %arg5: memref<5120x64xi32, #tpu.memory_space<hbm>>, %arg6: memref<10240x128xf32, #tpu.memory_space<hbm>>, %arg7: memref<10240x128xf32, #tpu.memory_space<hbm>>, %arg8: memref<40x64xi32, #tpu.memory_space<vmem>>, %arg9: memref<40x64xi32, #tpu.memory_space<vmem>>, %arg10: memref<64x128xf32, #tpu.memory_space<vmem>>, %arg11: memref<64x128xf32, #tpu.memory_space<vmem>>, %arg12: memref<64x128xf32, #tpu.memory_space<vmem>>, %arg13: memref<64x128xf32, #tpu.memory_space<vmem>>, %arg14: memref<10240x128xf32, #tpu.memory_space<vmem_shared>>, %arg15: memref<!tpu.dma_semaphore, #tpu.memory_space<semaphore_mem>>, %arg16: memref<!tpu.dma_semaphore, #tpu.memory_space<semaphore_mem>>, %arg17: memref<!tpu.dma_semaphore, #tpu.memory_space<semaphore_mem>>, %arg18: memref<!tpu.dma_semaphore, #tpu.memory_space<semaphore_mem>>, %arg19: memref<!tpu.dma_semaphore, #tpu.memory_space<semaphore_mem>>, %arg20: memref<!tpu.dma_semaphore, #tpu.memory_space<semaphore_mem>>, %arg21: memref<!tpu.dma_semaphore, #tpu.memory_space<semaphore_mem>>, %arg22: memref<!tpu.dma_semaphore, #tpu.memory_space<semaphore_mem>>) attributes {dimension_semantics = [#tpu.dimension_semantics<core_parallel>, #tpu.dimension_semantics<subcore_parallel>], iteration_bounds = array<i64: 2, 16>, scalar_prefetch = 0 : i64, scratch_operands = 15 : i64, tpu.core_type = #tpu.core_type<sc_vector_subcore>, window_params = [{transform_indices = #map}, {transform_indices = #map}, {transform_indices = #map}, {transform_indices = #map}, {transform_indices = #map}, {transform_indices = #map}]} {
    %eq3A = arith.constant 0 : i32
    %eq3A_0 = arith.cmpi eq, %arg0, %eq3A : i32
    %convert_element_type3A = arith.extui %eq3A_0 : i1 to i32
    %cond3A = arith.constant 0 : i32
    %cond3A_1 = arith.cmpi ne, %convert_element_type3A, %cond3A : i32
    scf.if %cond3A_1 {
      %mul3A = arith.constant 640 : i32
      %mul3A_7 = arith.muli %arg1, %mul3A : i32
      %mul3A_8 = arith.constant 640 : i32
      %mul3A_9 = arith.muli %arg1, %mul3A_8 : i32
      "tpu.region"() ({
        %run_scoped3A = tpu.sem_alloc : memref<!tpu.dma_semaphore, #tpu.memory_space<semaphore_mem>>
        %dma_start3A = arith.constant 0 : i32
        %dma_start3A_20 = tpu.memref_slice %arg14[%mul3A_9, %dma_start3A] : memref<10240x128xf32, #tpu.memory_space<vmem_shared>> -> memref<640x128xf32, #tpu.memory_space<vmem_shared>>
        %dma_start3A_21 = arith.constant 0 : i32
        %dma_start3A_22 = tpu.memref_slice %arg2[%mul3A_7, %dma_start3A_21] : memref<10240x128xf32, #tpu.memory_space<hbm>> -> memref<640x128xf32, #tpu.memory_space<hbm>>
        tpu.enqueue_dma source(%dma_start3A_22 : memref<640x128xf32, #tpu.memory_space<hbm>>) target(%dma_start3A_20 : memref<640x128xf32, #tpu.memory_space<vmem_shared>>) target_semaphore(%run_scoped3A : memref<!tpu.dma_semaphore, #tpu.memory_space<semaphore_mem>>)
        %dma_wait3A = arith.constant 0 : i32
        %dma_wait3A_23 = tpu.memref_slice %arg14[%mul3A_9, %dma_wait3A] : memref<10240x128xf32, #tpu.memory_space<vmem_shared>> -> memref<640x128xf32, #tpu.memory_space<vmem_shared>>
        %dma_wait3A_24 = arith.constant 0 : i32
        %dma_wait3A_25 = tpu.memref_slice %arg2[%mul3A_7, %dma_wait3A_24] : memref<10240x128xf32, #tpu.memory_space<hbm>> -> memref<640x128xf32, #tpu.memory_space<hbm>>
        tpu.wait_dma2 semaphore(%run_scoped3A : memref<!tpu.dma_semaphore, #tpu.memory_space<semaphore_mem>>) src(%dma_wait3A_25 : memref<640x128xf32, #tpu.memory_space<hbm>>) dst(%dma_wait3A_23 : memref<640x128xf32, #tpu.memory_space<vmem_shared>>)
        tpu.yield
      }) : () -> ()
      %barrier3A = arith.constant 0 : index
      tpu.barrier barrier_id(%barrier3A)
      %scan3A = arith.constant 0 : i32
      %scan3A_10 = arith.constant 8 : i32
      %scan3A_11 = arith.addi %scan3A, %scan3A_10 : i32
      %scan3A_12 = arith.constant 1 : i32
      scf.for %scan3A_20 = %scan3A to %scan3A_11 step %scan3A_12  : i32 {
        %mul3A_21 = arith.constant 1 : i32
        %mul3A_22 = arith.muli %scan3A_20, %mul3A_21 : i32
        %add3A = arith.constant 0 : i32
        %add3A_23 = arith.addi %add3A, %mul3A_22 : i32
        %mul3A_24 = arith.constant 320 : i32
        %mul3A_25 = arith.muli %arg1, %mul3A_24 : i32
        %mul3A_26 = arith.constant 40 : i32
        %mul3A_27 = arith.muli %add3A_23, %mul3A_26 : i32
        %add3A_28 = arith.addi %mul3A_25, %mul3A_27 : i32
        %multiple_of3A = tpu.assume_multiple %add3A_28, 8 : i32
        "tpu.region"() ({
          %run_scoped3A = tpu.sem_alloc : memref<!tpu.dma_semaphore, #tpu.memory_space<semaphore_mem>>
          %dma_start3A_59 = arith.constant 0 : i32
          %dma_start3A_60 = tpu.memref_slice %arg4[%multiple_of3A, %dma_start3A_59] : memref<5120x64xi32, #tpu.memory_space<hbm>> -> memref<40x64xi32, #tpu.memory_space<hbm>>
          %dma_start3A_61 = arith.constant 0 : i32
          %dma_start3A_62 = tpu.memref_slice %arg4[%multiple_of3A, %dma_start3A_61] : memref<5120x64xi32, #tpu.memory_space<hbm>> -> memref<40x64xi32, #tpu.memory_space<hbm>>
          tpu.enqueue_dma source(%dma_start3A_62 : memref<40x64xi32, #tpu.memory_space<hbm>>) target(%arg8 : memref<40x64xi32, #tpu.memory_space<vmem>>) target_semaphore(%run_scoped3A : memref<!tpu.dma_semaphore, #tpu.memory_space<semaphore_mem>>)
          %dma_wait3A_63 = arith.constant 0 : i32
          %dma_wait3A_64 = tpu.memref_slice %arg4[%multiple_of3A, %dma_wait3A_63] : memref<5120x64xi32, #tpu.memory_space<hbm>> -> memref<40x64xi32, #tpu.memory_space<hbm>>
          %dma_wait3A_65 = arith.constant 0 : i32
          %dma_wait3A_66 = tpu.memref_slice %arg4[%multiple_of3A, %dma_wait3A_65] : memref<5120x64xi32, #tpu.memory_space<hbm>> -> memref<40x64xi32, #tpu.memory_space<hbm>>
          tpu.wait_dma2 semaphore(%run_scoped3A : memref<!tpu.dma_semaphore, #tpu.memory_space<semaphore_mem>>) src(%dma_wait3A_66 : memref<40x64xi32, #tpu.memory_space<hbm>>) dst(%arg8 : memref<40x64xi32, #tpu.memory_space<vmem>>)
          tpu.yield
        }) : () -> ()
        "tpu.region"() ({
          %run_scoped3A = tpu.sem_alloc : memref<!tpu.dma_semaphore, #tpu.memory_space<semaphore_mem>>
          %dma_start3A_59 = arith.constant 0 : i32
          %dma_start3A_60 = tpu.memref_slice %arg5[%multiple_of3A, %dma_start3A_59] : memref<5120x64xi32, #tpu.memory_space<hbm>> -> memref<40x64xi32, #tpu.memory_space<hbm>>
          %dma_start3A_61 = arith.constant 0 : i32
          %dma_start3A_62 = tpu.memref_slice %arg5[%multiple_of3A, %dma_start3A_61] : memref<5120x64xi32, #tpu.memory_space<hbm>> -> memref<40x64xi32, #tpu.memory_space<hbm>>
          tpu.enqueue_dma source(%dma_start3A_62 : memref<40x64xi32, #tpu.memory_space<hbm>>) target(%arg9 : memref<40x64xi32, #tpu.memory_space<vmem>>) target_semaphore(%run_scoped3A : memref<!tpu.dma_semaphore, #tpu.memory_space<semaphore_mem>>)
          %dma_wait3A_63 = arith.constant 0 : i32
          %dma_wait3A_64 = tpu.memref_slice %arg5[%multiple_of3A, %dma_wait3A_63] : memref<5120x64xi32, #tpu.memory_space<hbm>> -> memref<40x64xi32, #tpu.memory_space<hbm>>
          %dma_wait3A_65 = arith.constant 0 : i32
          %dma_wait3A_66 = tpu.memref_slice %arg5[%multiple_of3A, %dma_wait3A_65] : memref<5120x64xi32, #tpu.memory_space<hbm>> -> memref<40x64xi32, #tpu.memory_space<hbm>>
          tpu.wait_dma2 semaphore(%run_scoped3A : memref<!tpu.dma_semaphore, #tpu.memory_space<semaphore_mem>>) src(%dma_wait3A_66 : memref<40x64xi32, #tpu.memory_space<hbm>>) dst(%arg9 : memref<40x64xi32, #tpu.memory_space<vmem>>)
          tpu.yield
        }) : () -> ()
        %dma_start3A = arith.constant 0 : i32
        %dma_start3A_29 = arith.constant 0 : i32
        %dma_start3A_30 = tpu.memref_slice %arg8[%dma_start3A, %dma_start3A_29] : memref<40x64xi32, #tpu.memory_space<vmem>> -> memref<1x64xi32, #tpu.memory_space<vmem>>
        %dma_start3A_31 = tpu.memref_squeeze %dma_start3A_30 : memref<1x64xi32, #tpu.memory_space<vmem>> -> memref<64xi32, #tpu.memory_space<vmem>>
        %dma_start3A_32 = arith.constant 0 : i32
        %dma_start3A_33 = arith.constant 0 : i32
        %dma_start3A_34 = tpu.memref_slice %arg2[%dma_start3A_32, %dma_start3A_33] : memref<10240x128xf32, #tpu.memory_space<hbm>> -> memref<10240x128xf32, #tpu.memory_space<hbm>>
        tpu.enqueue_indirect_dma source(%dma_start3A_34 : memref<10240x128xf32, #tpu.memory_space<hbm>>) target(%arg10 : memref<64x128xf32, #tpu.memory_space<vmem>>) offsets(%dma_start3A_31 : memref<64xi32, #tpu.memory_space<vmem>>) semaphore(%arg15 : memref<!tpu.dma_semaphore, #tpu.memory_space<semaphore_mem>>)
        %dma_start3A_35 = arith.constant 1 : i32
        %dma_start3A_36 = arith.constant 0 : i32
        %dma_start3A_37 = tpu.memref_slice %arg8[%dma_start3A_35, %dma_start3A_36] : memref<40x64xi32, #tpu.memory_space<vmem>> -> memref<1x64xi32, #tpu.memory_space<vmem>>
        %dma_start3A_38 = tpu.memref_squeeze %dma_start3A_37 : memref<1x64xi32, #tpu.memory_space<vmem>> -> memref<64xi32, #tpu.memory_space<vmem>>
        %dma_start3A_39 = arith.constant 0 : i32
        %dma_start3A_40 = arith.constant 0 : i32
        %dma_start3A_41 = tpu.memref_slice %arg2[%dma_start3A_39, %dma_start3A_40] : memref<10240x128xf32, #tpu.memory_space<hbm>> -> memref<10240x128xf32, #tpu.memory_space<hbm>>
        tpu.enqueue_indirect_dma source(%dma_start3A_41 : memref<10240x128xf32, #tpu.memory_space<hbm>>) target(%arg11 : memref<64x128xf32, #tpu.memory_space<vmem>>) offsets(%dma_start3A_38 : memref<64xi32, #tpu.memory_space<vmem>>) semaphore(%arg16 : memref<!tpu.dma_semaphore, #tpu.memory_space<semaphore_mem>>)
        %dma_start3A_42 = arith.constant 2 : i32
        %dma_start3A_43 = arith.constant 0 : i32
        %dma_start3A_44 = tpu.memref_slice %arg8[%dma_start3A_42, %dma_start3A_43] : memref<40x64xi32, #tpu.memory_space<vmem>> -> memref<1x64xi32, #tpu.memory_space<vmem>>
        %dma_start3A_45 = tpu.memref_squeeze %dma_start3A_44 : memref<1x64xi32, #tpu.memory_space<vmem>> -> memref<64xi32, #tpu.memory_space<vmem>>
        %dma_start3A_46 = arith.constant 0 : i32
        %dma_start3A_47 = arith.constant 0 : i32
        %dma_start3A_48 = tpu.memref_slice %arg2[%dma_start3A_46, %dma_start3A_47] : memref<10240x128xf32, #tpu.memory_space<hbm>> -> memref<10240x128xf32, #tpu.memory_space<hbm>>
        tpu.enqueue_indirect_dma source(%dma_start3A_48 : memref<10240x128xf32, #tpu.memory_space<hbm>>) target(%arg12 : memref<64x128xf32, #tpu.memory_space<vmem>>) offsets(%dma_start3A_45 : memref<64xi32, #tpu.memory_space<vmem>>) semaphore(%arg17 : memref<!tpu.dma_semaphore, #tpu.memory_space<semaphore_mem>>)
        %scan3A_49 = arith.constant 0 : i32
        %scan3A_50 = arith.constant 10 : i32
        %scan3A_51 = arith.addi %scan3A_49, %scan3A_50 : i32
        %scan3A_52 = arith.constant 1 : i32
        scf.for %scan3A_59 = %scan3A_49 to %scan3A_51 step %scan3A_52  : i32 {
          %mul3A_60 = arith.constant 4 : i32
          %mul3A_61 = arith.muli %scan3A_59, %mul3A_60 : i32
          %add3A_62 = arith.constant 0 : i32
          %add3A_63 = arith.addi %add3A_62, %mul3A_61 : i32
          %add3A_64 = arith.constant 0 : i32
          %add3A_65 = arith.addi %add3A_63, %add3A_64 : i32
          %ge3A = arith.constant 1 : i32
          %ge3A_66 = arith.cmpi sge, %add3A_65, %ge3A : i32
          %convert_element_type3A_67 = arith.extui %ge3A_66 : i1 to i32
          %cond3A_68 = arith.constant 0 : i32
          %cond3A_69 = arith.cmpi ne, %convert_element_type3A_67, %cond3A_68 : i32
          scf.if %cond3A_69 {
            %dma_wait3A_166 = arith.constant 0 : i32
            %dma_wait3A_167 = arith.constant 0 : i32
            %dma_wait3A_168 = tpu.memref_slice %arg14[%dma_wait3A_166, %dma_wait3A_167] : memref<10240x128xf32, #tpu.memory_space<vmem_shared>> -> memref<64x128xf32, #tpu.memory_space<vmem_shared>>
            %dma_wait3A_169 = arith.constant 0 : i32
            %dma_wait3A_170 = arith.constant 0 : i32
            %dma_wait3A_171 = tpu.memref_slice %arg14[%dma_wait3A_169, %dma_wait3A_170] : memref<10240x128xf32, #tpu.memory_space<vmem_shared>> -> memref<64x128xf32, #tpu.memory_space<vmem_shared>>
            tpu.wait_dma2 semaphore(%arg22 : memref<!tpu.dma_semaphore, #tpu.memory_space<semaphore_mem>>) src(%arg13 : memref<64x128xf32, #tpu.memory_space<vmem>>) dst(%dma_wait3A_171 : memref<64x128xf32, #tpu.memory_space<vmem_shared>>)
          } else {
          }
          %add3A_70 = arith.constant 3 : i32
          %add3A_71 = arith.addi %add3A_65, %add3A_70 : i32
          %lt3A = arith.constant 40 : i32
          %lt3A_72 = arith.cmpi slt, %add3A_71, %lt3A : i32
          %convert_element_type3A_73 = arith.extui %lt3A_72 : i1 to i32
          %cond3A_74 = arith.constant 0 : i32
          %cond3A_75 = arith.cmpi ne, %convert_element_type3A_73, %cond3A_74 : i32
          scf.if %cond3A_75 {
            %add3A_166 = arith.constant 3 : i32
            %add3A_167 = arith.addi %add3A_65, %add3A_166 : i32
            %dma_start3A_168 = arith.constant 0 : i32
            %dma_start3A_169 = tpu.memref_slice %arg8[%add3A_167, %dma_start3A_168] : memref<40x64xi32, #tpu.memory_space<vmem>> -> memref<1x64xi32, #tpu.memory_space<vmem>>
            %dma_start3A_170 = tpu.memref_squeeze %dma_start3A_169 : memref<1x64xi32, #tpu.memory_space<vmem>> -> memref<64xi32, #tpu.memory_space<vmem>>
            %dma_start3A_171 = arith.constant 0 : i32
            %dma_start3A_172 = arith.constant 0 : i32
            %dma_start3A_173 = tpu.memref_slice %arg2[%dma_start3A_171, %dma_start3A_172] : memref<10240x128xf32, #tpu.memory_space<hbm>> -> memref<10240x128xf32, #tpu.memory_space<hbm>>
            tpu.enqueue_indirect_dma source(%dma_start3A_173 : memref<10240x128xf32, #tpu.memory_space<hbm>>) target(%arg13 : memref<64x128xf32, #tpu.memory_space<vmem>>) offsets(%dma_start3A_170 : memref<64xi32, #tpu.memory_space<vmem>>) semaphore(%arg18 : memref<!tpu.dma_semaphore, #tpu.memory_space<semaphore_mem>>)
          } else {
          }
          %dma_wait3A_76 = arith.constant 0 : i32
          %dma_wait3A_77 = arith.constant 0 : i32
          %dma_wait3A_78 = tpu.memref_slice %arg2[%dma_wait3A_76, %dma_wait3A_77] : memref<10240x128xf32, #tpu.memory_space<hbm>> -> memref<64x128xf32, #tpu.memory_space<hbm>>
          %dma_wait3A_79 = arith.constant 0 : i32
          %dma_wait3A_80 = arith.constant 0 : i32
          %dma_wait3A_81 = tpu.memref_slice %arg2[%dma_wait3A_79, %dma_wait3A_80] : memref<10240x128xf32, #tpu.memory_space<hbm>> -> memref<64x128xf32, #tpu.memory_space<hbm>>
          tpu.wait_dma2 semaphore(%arg15 : memref<!tpu.dma_semaphore, #tpu.memory_space<semaphore_mem>>) src(%dma_wait3A_81 : memref<64x128xf32, #tpu.memory_space<hbm>>) dst(%arg10 : memref<64x128xf32, #tpu.memory_space<vmem>>)
          %dma_start3A_82 = arith.constant 0 : i32
          %dma_start3A_83 = tpu.memref_slice %arg9[%add3A_65, %dma_start3A_82] : memref<40x64xi32, #tpu.memory_space<vmem>> -> memref<1x64xi32, #tpu.memory_space<vmem>>
          %dma_start3A_84 = tpu.memref_squeeze %dma_start3A_83 : memref<1x64xi32, #tpu.memory_space<vmem>> -> memref<64xi32, #tpu.memory_space<vmem>>
          %dma_start3A_85 = arith.constant 0 : i32
          %dma_start3A_86 = arith.constant 0 : i32
          %dma_start3A_87 = tpu.memref_slice %arg14[%dma_start3A_85, %dma_start3A_86] : memref<10240x128xf32, #tpu.memory_space<vmem_shared>> -> memref<10240x128xf32, #tpu.memory_space<vmem_shared>>
          tpu.enqueue_indirect_dma source(%arg10 : memref<64x128xf32, #tpu.memory_space<vmem>>) target(%dma_start3A_87 : memref<10240x128xf32, #tpu.memory_space<vmem_shared>>) offsets(%dma_start3A_84 : memref<64xi32, #tpu.memory_space<vmem>>) semaphore(%arg19 : memref<!tpu.dma_semaphore, #tpu.memory_space<semaphore_mem>>) {add = true}
          %add3A_88 = arith.constant 1 : i32
          %add3A_89 = arith.addi %add3A_63, %add3A_88 : i32
          %ge3A_90 = arith.constant 1 : i32
          %ge3A_91 = arith.cmpi sge, %add3A_89, %ge3A_90 : i32
          %convert_element_type3A_92 = arith.extui %ge3A_91 : i1 to i32
          %cond3A_93 = arith.constant 0 : i32
          %cond3A_94 = arith.cmpi ne, %convert_element_type3A_92, %cond3A_93 : i32
          scf.if %cond3A_94 {
            %dma_wait3A_166 = arith.constant 0 : i32
            %dma_wait3A_167 = arith.constant 0 : i32
            %dma_wait3A_168 = tpu.memref_slice %arg14[%dma_wait3A_166, %dma_wait3A_167] : memref<10240x128xf32, #tpu.memory_space<vmem_shared>> -> memref<64x128xf32, #tpu.memory_space<vmem_shared>>
            %dma_wait3A_169 = arith.constant 0 : i32
            %dma_wait3A_170 = arith.constant 0 : i32
            %dma_wait3A_171 = tpu.memref_slice %arg14[%dma_wait3A_169, %dma_wait3A_170] : memref<10240x128xf32, #tpu.memory_space<vmem_shared>> -> memref<64x128xf32, #tpu.memory_space<vmem_shared>>
            tpu.wait_dma2 semaphore(%arg19 : memref<!tpu.dma_semaphore, #tpu.memory_space<semaphore_mem>>) src(%arg10 : memref<64x128xf32, #tpu.memory_space<vmem>>) dst(%dma_wait3A_171 : memref<64x128xf32, #tpu.memory_space<vmem_shared>>)
          } else {
          }
          %add3A_95 = arith.constant 3 : i32
          %add3A_96 = arith.addi %add3A_89, %add3A_95 : i32
          %lt3A_97 = arith.constant 40 : i32
          %lt3A_98 = arith.cmpi slt, %add3A_96, %lt3A_97 : i32
          %convert_element_type3A_99 = arith.extui %lt3A_98 : i1 to i32
          %cond3A_100 = arith.constant 0 : i32
          %cond3A_101 = arith.cmpi ne, %convert_element_type3A_99, %cond3A_100 : i32
          scf.if %cond3A_101 {
            %add3A_166 = arith.constant 3 : i32
            %add3A_167 = arith.addi %add3A_89, %add3A_166 : i32
            %dma_start3A_168 = arith.constant 0 : i32
            %dma_start3A_169 = tpu.memref_slice %arg8[%add3A_167, %dma_start3A_168] : memref<40x64xi32, #tpu.memory_space<vmem>> -> memref<1x64xi32, #tpu.memory_space<vmem>>
            %dma_start3A_170 = tpu.memref_squeeze %dma_start3A_169 : memref<1x64xi32, #tpu.memory_space<vmem>> -> memref<64xi32, #tpu.memory_space<vmem>>
            %dma_start3A_171 = arith.constant 0 : i32
            %dma_start3A_172 = arith.constant 0 : i32
            %dma_start3A_173 = tpu.memref_slice %arg2[%dma_start3A_171, %dma_start3A_172] : memref<10240x128xf32, #tpu.memory_space<hbm>> -> memref<10240x128xf32, #tpu.memory_space<hbm>>
            tpu.enqueue_indirect_dma source(%dma_start3A_173 : memref<10240x128xf32, #tpu.memory_space<hbm>>) target(%arg10 : memref<64x128xf32, #tpu.memory_space<vmem>>) offsets(%dma_start3A_170 : memref<64xi32, #tpu.memory_space<vmem>>) semaphore(%arg15 : memref<!tpu.dma_semaphore, #tpu.memory_space<semaphore_mem>>)
          } else {
          }
          %dma_wait3A_102 = arith.constant 0 : i32
          %dma_wait3A_103 = arith.constant 0 : i32
          %dma_wait3A_104 = tpu.memref_slice %arg2[%dma_wait3A_102, %dma_wait3A_103] : memref<10240x128xf32, #tpu.memory_space<hbm>> -> memref<64x128xf32, #tpu.memory_space<hbm>>
          %dma_wait3A_105 = arith.constant 0 : i32
          %dma_wait3A_106 = arith.constant 0 : i32
          %dma_wait3A_107 = tpu.memref_slice %arg2[%dma_wait3A_105, %dma_wait3A_106] : memref<10240x128xf32, #tpu.memory_space<hbm>> -> memref<64x128xf32, #tpu.memory_space<hbm>>
          tpu.wait_dma2 semaphore(%arg16 : memref<!tpu.dma_semaphore, #tpu.memory_space<semaphore_mem>>) src(%dma_wait3A_107 : memref<64x128xf32, #tpu.memory_space<hbm>>) dst(%arg11 : memref<64x128xf32, #tpu.memory_space<vmem>>)
          %dma_start3A_108 = arith.constant 0 : i32
          %dma_start3A_109 = tpu.memref_slice %arg9[%add3A_89, %dma_start3A_108] : memref<40x64xi32, #tpu.memory_space<vmem>> -> memref<1x64xi32, #tpu.memory_space<vmem>>
          %dma_start3A_110 = tpu.memref_squeeze %dma_start3A_109 : memref<1x64xi32, #tpu.memory_space<vmem>> -> memref<64xi32, #tpu.memory_space<vmem>>
          %dma_start3A_111 = arith.constant 0 : i32
          %dma_start3A_112 = arith.constant 0 : i32
          %dma_start3A_113 = tpu.memref_slice %arg14[%dma_start3A_111, %dma_start3A_112] : memref<10240x128xf32, #tpu.memory_space<vmem_shared>> -> memref<10240x128xf32, #tpu.memory_space<vmem_shared>>
          tpu.enqueue_indirect_dma source(%arg11 : memref<64x128xf32, #tpu.memory_space<vmem>>) target(%dma_start3A_113 : memref<10240x128xf32, #tpu.memory_space<vmem_shared>>) offsets(%dma_start3A_110 : memref<64xi32, #tpu.memory_space<vmem>>) semaphore(%arg20 : memref<!tpu.dma_semaphore, #tpu.memory_space<semaphore_mem>>) {add = true}
          %add3A_114 = arith.constant 2 : i32
          %add3A_115 = arith.addi %add3A_63, %add3A_114 : i32
          %ge3A_116 = arith.constant 1 : i32
          %ge3A_117 = arith.cmpi sge, %add3A_115, %ge3A_116 : i32
          %convert_element_type3A_118 = arith.extui %ge3A_117 : i1 to i32
          %cond3A_119 = arith.constant 0 : i32
          %cond3A_120 = arith.cmpi ne, %convert_element_type3A_118, %cond3A_119 : i32
          scf.if %cond3A_120 {
            %dma_wait3A_166 = arith.constant 0 : i32
            %dma_wait3A_167 = arith.constant 0 : i32
            %dma_wait3A_168 = tpu.memref_slice %arg14[%dma_wait3A_166, %dma_wait3A_167] : memref<10240x128xf32, #tpu.memory_space<vmem_shared>> -> memref<64x128xf32, #tpu.memory_space<vmem_shared>>
            %dma_wait3A_169 = arith.constant 0 : i32
            %dma_wait3A_170 = arith.constant 0 : i32
            %dma_wait3A_171 = tpu.memref_slice %arg14[%dma_wait3A_169, %dma_wait3A_170] : memref<10240x128xf32, #tpu.memory_space<vmem_shared>> -> memref<64x128xf32, #tpu.memory_space<vmem_shared>>
            tpu.wait_dma2 semaphore(%arg20 : memref<!tpu.dma_semaphore, #tpu.memory_space<semaphore_mem>>) src(%arg11 : memref<64x128xf32, #tpu.memory_space<vmem>>) dst(%dma_wait3A_171 : memref<64x128xf32, #tpu.memory_space<vmem_shared>>)
          } else {
          }
          %add3A_121 = arith.constant 3 : i32
          %add3A_122 = arith.addi %add3A_115, %add3A_121 : i32
          %lt3A_123 = arith.constant 40 : i32
          %lt3A_124 = arith.cmpi slt, %add3A_122, %lt3A_123 : i32
          %convert_element_type3A_125 = arith.extui %lt3A_124 : i1 to i32
          %cond3A_126 = arith.constant 0 : i32
          %cond3A_127 = arith.cmpi ne, %convert_element_type3A_125, %cond3A_126 : i32
          scf.if %cond3A_127 {
            %add3A_166 = arith.constant 3 : i32
            %add3A_167 = arith.addi %add3A_115, %add3A_166 : i32
            %dma_start3A_168 = arith.constant 0 : i32
            %dma_start3A_169 = tpu.memref_slice %arg8[%add3A_167, %dma_start3A_168] : memref<40x64xi32, #tpu.memory_space<vmem>> -> memref<1x64xi32, #tpu.memory_space<vmem>>
            %dma_start3A_170 = tpu.memref_squeeze %dma_start3A_169 : memref<1x64xi32, #tpu.memory_space<vmem>> -> memref<64xi32, #tpu.memory_space<vmem>>
            %dma_start3A_171 = arith.constant 0 : i32
            %dma_start3A_172 = arith.constant 0 : i32
            %dma_start3A_173 = tpu.memref_slice %arg2[%dma_start3A_171, %dma_start3A_172] : memref<10240x128xf32, #tpu.memory_space<hbm>> -> memref<10240x128xf32, #tpu.memory_space<hbm>>
            tpu.enqueue_indirect_dma source(%dma_start3A_173 : memref<10240x128xf32, #tpu.memory_space<hbm>>) target(%arg11 : memref<64x128xf32, #tpu.memory_space<vmem>>) offsets(%dma_start3A_170 : memref<64xi32, #tpu.memory_space<vmem>>) semaphore(%arg16 : memref<!tpu.dma_semaphore, #tpu.memory_space<semaphore_mem>>)
          } else {
          }
          %dma_wait3A_128 = arith.constant 0 : i32
          %dma_wait3A_129 = arith.constant 0 : i32
          %dma_wait3A_130 = tpu.memref_slice %arg2[%dma_wait3A_128, %dma_wait3A_129] : memref<10240x128xf32, #tpu.memory_space<hbm>> -> memref<64x128xf32, #tpu.memory_space<hbm>>
          %dma_wait3A_131 = arith.constant 0 : i32
          %dma_wait3A_132 = arith.constant 0 : i32
          %dma_wait3A_133 = tpu.memref_slice %arg2[%dma_wait3A_131, %dma_wait3A_132] : memref<10240x128xf32, #tpu.memory_space<hbm>> -> memref<64x128xf32, #tpu.memory_space<hbm>>
          tpu.wait_dma2 semaphore(%arg17 : memref<!tpu.dma_semaphore, #tpu.memory_space<semaphore_mem>>) src(%dma_wait3A_133 : memref<64x128xf32, #tpu.memory_space<hbm>>) dst(%arg12 : memref<64x128xf32, #tpu.memory_space<vmem>>)
          %dma_start3A_134 = arith.constant 0 : i32
          %dma_start3A_135 = tpu.memref_slice %arg9[%add3A_115, %dma_start3A_134] : memref<40x64xi32, #tpu.memory_space<vmem>> -> memref<1x64xi32, #tpu.memory_space<vmem>>
          %dma_start3A_136 = tpu.memref_squeeze %dma_start3A_135 : memref<1x64xi32, #tpu.memory_space<vmem>> -> memref<64xi32, #tpu.memory_space<vmem>>
          %dma_start3A_137 = arith.constant 0 : i32
          %dma_start3A_138 = arith.constant 0 : i32
          %dma_start3A_139 = tpu.memref_slice %arg14[%dma_start3A_137, %dma_start3A_138] : memref<10240x128xf32, #tpu.memory_space<vmem_shared>> -> memref<10240x128xf32, #tpu.memory_space<vmem_shared>>
          tpu.enqueue_indirect_dma source(%arg12 : memref<64x128xf32, #tpu.memory_space<vmem>>) target(%dma_start3A_139 : memref<10240x128xf32, #tpu.memory_space<vmem_shared>>) offsets(%dma_start3A_136 : memref<64xi32, #tpu.memory_space<vmem>>) semaphore(%arg21 : memref<!tpu.dma_semaphore, #tpu.memory_space<semaphore_mem>>) {add = true}
          %add3A_140 = arith.constant 3 : i32
          %add3A_141 = arith.addi %add3A_63, %add3A_140 : i32
          %ge3A_142 = arith.constant 1 : i32
          %ge3A_143 = arith.cmpi sge, %add3A_141, %ge3A_142 : i32
          %convert_element_type3A_144 = arith.extui %ge3A_143 : i1 to i32
          %cond3A_145 = arith.constant 0 : i32
          %cond3A_146 = arith.cmpi ne, %convert_element_type3A_144, %cond3A_145 : i32
          scf.if %cond3A_146 {
            %dma_wait3A_166 = arith.constant 0 : i32
            %dma_wait3A_167 = arith.constant 0 : i32
            %dma_wait3A_168 = tpu.memref_slice %arg14[%dma_wait3A_166, %dma_wait3A_167] : memref<10240x128xf32, #tpu.memory_space<vmem_shared>> -> memref<64x128xf32, #tpu.memory_space<vmem_shared>>
            %dma_wait3A_169 = arith.constant 0 : i32
            %dma_wait3A_170 = arith.constant 0 : i32
            %dma_wait3A_171 = tpu.memref_slice %arg14[%dma_wait3A_169, %dma_wait3A_170] : memref<10240x128xf32, #tpu.memory_space<vmem_shared>> -> memref<64x128xf32, #tpu.memory_space<vmem_shared>>
            tpu.wait_dma2 semaphore(%arg21 : memref<!tpu.dma_semaphore, #tpu.memory_space<semaphore_mem>>) src(%arg12 : memref<64x128xf32, #tpu.memory_space<vmem>>) dst(%dma_wait3A_171 : memref<64x128xf32, #tpu.memory_space<vmem_shared>>)
          } else {
          }
          %add3A_147 = arith.constant 3 : i32
          %add3A_148 = arith.addi %add3A_141, %add3A_147 : i32
          %lt3A_149 = arith.constant 40 : i32
          %lt3A_150 = arith.cmpi slt, %add3A_148, %lt3A_149 : i32
          %convert_element_type3A_151 = arith.extui %lt3A_150 : i1 to i32
          %cond3A_152 = arith.constant 0 : i32
          %cond3A_153 = arith.cmpi ne, %convert_element_type3A_151, %cond3A_152 : i32
          scf.if %cond3A_153 {
            %add3A_166 = arith.constant 3 : i32
            %add3A_167 = arith.addi %add3A_141, %add3A_166 : i32
            %dma_start3A_168 = arith.constant 0 : i32
            %dma_start3A_169 = tpu.memref_slice %arg8[%add3A_167, %dma_start3A_168] : memref<40x64xi32, #tpu.memory_space<vmem>> -> memref<1x64xi32, #tpu.memory_space<vmem>>
            %dma_start3A_170 = tpu.memref_squeeze %dma_start3A_169 : memref<1x64xi32, #tpu.memory_space<vmem>> -> memref<64xi32, #tpu.memory_space<vmem>>
            %dma_start3A_171 = arith.constant 0 : i32
            %dma_start3A_172 = arith.constant 0 : i32
            %dma_start3A_173 = tpu.memref_slice %arg2[%dma_start3A_171, %dma_start3A_172] : memref<10240x128xf32, #tpu.memory_space<hbm>> -> memref<10240x128xf32, #tpu.memory_space<hbm>>
            tpu.enqueue_indirect_dma source(%dma_start3A_173 : memref<10240x128xf32, #tpu.memory_space<hbm>>) target(%arg12 : memref<64x128xf32, #tpu.memory_space<vmem>>) offsets(%dma_start3A_170 : memref<64xi32, #tpu.memory_space<vmem>>) semaphore(%arg17 : memref<!tpu.dma_semaphore, #tpu.memory_space<semaphore_mem>>)
          } else {
          }
          %dma_wait3A_154 = arith.constant 0 : i32
          %dma_wait3A_155 = arith.constant 0 : i32
          %dma_wait3A_156 = tpu.memref_slice %arg2[%dma_wait3A_154, %dma_wait3A_155] : memref<10240x128xf32, #tpu.memory_space<hbm>> -> memref<64x128xf32, #tpu.memory_space<hbm>>
          %dma_wait3A_157 = arith.constant 0 : i32
          %dma_wait3A_158 = arith.constant 0 : i32
          %dma_wait3A_159 = tpu.memref_slice %arg2[%dma_wait3A_157, %dma_wait3A_158] : memref<10240x128xf32, #tpu.memory_space<hbm>> -> memref<64x128xf32, #tpu.memory_space<hbm>>
          tpu.wait_dma2 semaphore(%arg18 : memref<!tpu.dma_semaphore, #tpu.memory_space<semaphore_mem>>) src(%dma_wait3A_159 : memref<64x128xf32, #tpu.memory_space<hbm>>) dst(%arg13 : memref<64x128xf32, #tpu.memory_space<vmem>>)
          %dma_start3A_160 = arith.constant 0 : i32
          %dma_start3A_161 = tpu.memref_slice %arg9[%add3A_141, %dma_start3A_160] : memref<40x64xi32, #tpu.memory_space<vmem>> -> memref<1x64xi32, #tpu.memory_space<vmem>>
          %dma_start3A_162 = tpu.memref_squeeze %dma_start3A_161 : memref<1x64xi32, #tpu.memory_space<vmem>> -> memref<64xi32, #tpu.memory_space<vmem>>
          %dma_start3A_163 = arith.constant 0 : i32
          %dma_start3A_164 = arith.constant 0 : i32
          %dma_start3A_165 = tpu.memref_slice %arg14[%dma_start3A_163, %dma_start3A_164] : memref<10240x128xf32, #tpu.memory_space<vmem_shared>> -> memref<10240x128xf32, #tpu.memory_space<vmem_shared>>
          tpu.enqueue_indirect_dma source(%arg13 : memref<64x128xf32, #tpu.memory_space<vmem>>) target(%dma_start3A_165 : memref<10240x128xf32, #tpu.memory_space<vmem_shared>>) offsets(%dma_start3A_162 : memref<64xi32, #tpu.memory_space<vmem>>) semaphore(%arg22 : memref<!tpu.dma_semaphore, #tpu.memory_space<semaphore_mem>>) {add = true}
        }
        %scan3A_53 = arith.constant 10 : i32
        %dma_wait3A = arith.constant 0 : i32
        %dma_wait3A_54 = arith.constant 0 : i32
        %dma_wait3A_55 = tpu.memref_slice %arg14[%dma_wait3A, %dma_wait3A_54] : memref<10240x128xf32, #tpu.memory_space<vmem_shared>> -> memref<64x128xf32, #tpu.memory_space<vmem_shared>>
        %dma_wait3A_56 = arith.constant 0 : i32
        %dma_wait3A_57 = arith.constant 0 : i32
        %dma_wait3A_58 = tpu.memref_slice %arg14[%dma_wait3A_56, %dma_wait3A_57] : memref<10240x128xf32, #tpu.memory_space<vmem_shared>> -> memref<64x128xf32, #tpu.memory_space<vmem_shared>>
        tpu.wait_dma2 semaphore(%arg22 : memref<!tpu.dma_semaphore, #tpu.memory_space<semaphore_mem>>) src(%arg13 : memref<64x128xf32, #tpu.memory_space<vmem>>) dst(%dma_wait3A_58 : memref<64x128xf32, #tpu.memory_space<vmem_shared>>)
      }
      %scan3A_13 = arith.constant 8 : i32
      %barrier3A_14 = arith.constant 0 : index
      tpu.barrier barrier_id(%barrier3A_14)
      %mul3A_15 = arith.constant 640 : i32
      %mul3A_16 = arith.muli %arg1, %mul3A_15 : i32
      %mul3A_17 = arith.constant 640 : i32
      %mul3A_18 = arith.muli %arg1, %mul3A_17 : i32
      "tpu.region"() ({
        %run_scoped3A = tpu.sem_alloc : memref<!tpu.dma_semaphore, #tpu.memory_space<semaphore_mem>>
        %dma_start3A = arith.constant 0 : i32
        %dma_start3A_20 = tpu.memref_slice %arg6[%mul3A_18, %dma_start3A] : memref<10240x128xf32, #tpu.memory_space<hbm>> -> memref<640x128xf32, #tpu.memory_space<hbm>>
        %dma_start3A_21 = arith.constant 0 : i32
        %dma_start3A_22 = tpu.memref_slice %arg14[%mul3A_16, %dma_start3A_21] : memref<10240x128xf32, #tpu.memory_space<vmem_shared>> -> memref<640x128xf32, #tpu.memory_space<vmem_shared>>
        tpu.enqueue_dma source(%dma_start3A_22 : memref<640x128xf32, #tpu.memory_space<vmem_shared>>) target(%dma_start3A_20 : memref<640x128xf32, #tpu.memory_space<hbm>>) target_semaphore(%run_scoped3A : memref<!tpu.dma_semaphore, #tpu.memory_space<semaphore_mem>>)
        %dma_wait3A = arith.constant 0 : i32
        %dma_wait3A_23 = tpu.memref_slice %arg6[%mul3A_18, %dma_wait3A] : memref<10240x128xf32, #tpu.memory_space<hbm>> -> memref<640x128xf32, #tpu.memory_space<hbm>>
        %dma_wait3A_24 = arith.constant 0 : i32
        %dma_wait3A_25 = tpu.memref_slice %arg14[%mul3A_16, %dma_wait3A_24] : memref<10240x128xf32, #tpu.memory_space<vmem_shared>> -> memref<640x128xf32, #tpu.memory_space<vmem_shared>>
        tpu.wait_dma2 semaphore(%run_scoped3A : memref<!tpu.dma_semaphore, #tpu.memory_space<semaphore_mem>>) src(%dma_wait3A_25 : memref<640x128xf32, #tpu.memory_space<vmem_shared>>) dst(%dma_wait3A_23 : memref<640x128xf32, #tpu.memory_space<hbm>>)
        tpu.yield
      }) : () -> ()
      %barrier3A_19 = arith.constant 0 : index
      tpu.barrier barrier_id(%barrier3A_19)
    } else {
    }
    %eq3A_2 = arith.constant 1 : i32
    %eq3A_3 = arith.cmpi eq, %arg0, %eq3A_2 : i32
    %convert_element_type3A_4 = arith.extui %eq3A_3 : i1 to i32
    %cond3A_5 = arith.constant 0 : i32
    %cond3A_6 = arith.cmpi ne, %convert_element_type3A_4, %cond3A_5 : i32
    scf.if %cond3A_6 {
      %mul3A = arith.constant 640 : i32
      %mul3A_7 = arith.muli %arg1, %mul3A : i32
      %mul3A_8 = arith.constant 640 : i32
      %mul3A_9 = arith.muli %arg1, %mul3A_8 : i32
      "tpu.region"() ({
        %run_scoped3A = tpu.sem_alloc : memref<!tpu.dma_semaphore, #tpu.memory_space<semaphore_mem>>
        %dma_start3A = arith.constant 0 : i32
        %dma_start3A_20 = tpu.memref_slice %arg14[%mul3A_9, %dma_start3A] : memref<10240x128xf32, #tpu.memory_space<vmem_shared>> -> memref<640x128xf32, #tpu.memory_space<vmem_shared>>
        %dma_start3A_21 = arith.constant 0 : i32
        %dma_start3A_22 = tpu.memref_slice %arg3[%mul3A_7, %dma_start3A_21] : memref<10240x128xf32, #tpu.memory_space<hbm>> -> memref<640x128xf32, #tpu.memory_space<hbm>>
        tpu.enqueue_dma source(%dma_start3A_22 : memref<640x128xf32, #tpu.memory_space<hbm>>) target(%dma_start3A_20 : memref<640x128xf32, #tpu.memory_space<vmem_shared>>) target_semaphore(%run_scoped3A : memref<!tpu.dma_semaphore, #tpu.memory_space<semaphore_mem>>)
        %dma_wait3A = arith.constant 0 : i32
        %dma_wait3A_23 = tpu.memref_slice %arg14[%mul3A_9, %dma_wait3A] : memref<10240x128xf32, #tpu.memory_space<vmem_shared>> -> memref<640x128xf32, #tpu.memory_space<vmem_shared>>
        %dma_wait3A_24 = arith.constant 0 : i32
        %dma_wait3A_25 = tpu.memref_slice %arg3[%mul3A_7, %dma_wait3A_24] : memref<10240x128xf32, #tpu.memory_space<hbm>> -> memref<640x128xf32, #tpu.memory_space<hbm>>
        tpu.wait_dma2 semaphore(%run_scoped3A : memref<!tpu.dma_semaphore, #tpu.memory_space<semaphore_mem>>) src(%dma_wait3A_25 : memref<640x128xf32, #tpu.memory_space<hbm>>) dst(%dma_wait3A_23 : memref<640x128xf32, #tpu.memory_space<vmem_shared>>)
        tpu.yield
      }) : () -> ()
      %barrier3A = arith.constant 0 : index
      tpu.barrier barrier_id(%barrier3A)
      %scan3A = arith.constant 0 : i32
      %scan3A_10 = arith.constant 8 : i32
      %scan3A_11 = arith.addi %scan3A, %scan3A_10 : i32
      %scan3A_12 = arith.constant 1 : i32
      scf.for %scan3A_20 = %scan3A to %scan3A_11 step %scan3A_12  : i32 {
        %mul3A_21 = arith.constant 1 : i32
        %mul3A_22 = arith.muli %scan3A_20, %mul3A_21 : i32
        %add3A = arith.constant 0 : i32
        %add3A_23 = arith.addi %add3A, %mul3A_22 : i32
        %mul3A_24 = arith.constant 320 : i32
        %mul3A_25 = arith.muli %arg1, %mul3A_24 : i32
        %mul3A_26 = arith.constant 40 : i32
        %mul3A_27 = arith.muli %add3A_23, %mul3A_26 : i32
        %add3A_28 = arith.addi %mul3A_25, %mul3A_27 : i32
        %multiple_of3A = tpu.assume_multiple %add3A_28, 8 : i32
        "tpu.region"() ({
          %run_scoped3A = tpu.sem_alloc : memref<!tpu.dma_semaphore, #tpu.memory_space<semaphore_mem>>
          %dma_start3A_59 = arith.constant 0 : i32
          %dma_start3A_60 = tpu.memref_slice %arg4[%multiple_of3A, %dma_start3A_59] : memref<5120x64xi32, #tpu.memory_space<hbm>> -> memref<40x64xi32, #tpu.memory_space<hbm>>
          %dma_start3A_61 = arith.constant 0 : i32
          %dma_start3A_62 = tpu.memref_slice %arg4[%multiple_of3A, %dma_start3A_61] : memref<5120x64xi32, #tpu.memory_space<hbm>> -> memref<40x64xi32, #tpu.memory_space<hbm>>
          tpu.enqueue_dma source(%dma_start3A_62 : memref<40x64xi32, #tpu.memory_space<hbm>>) target(%arg8 : memref<40x64xi32, #tpu.memory_space<vmem>>) target_semaphore(%run_scoped3A : memref<!tpu.dma_semaphore, #tpu.memory_space<semaphore_mem>>)
          %dma_wait3A_63 = arith.constant 0 : i32
          %dma_wait3A_64 = tpu.memref_slice %arg4[%multiple_of3A, %dma_wait3A_63] : memref<5120x64xi32, #tpu.memory_space<hbm>> -> memref<40x64xi32, #tpu.memory_space<hbm>>
          %dma_wait3A_65 = arith.constant 0 : i32
          %dma_wait3A_66 = tpu.memref_slice %arg4[%multiple_of3A, %dma_wait3A_65] : memref<5120x64xi32, #tpu.memory_space<hbm>> -> memref<40x64xi32, #tpu.memory_space<hbm>>
          tpu.wait_dma2 semaphore(%run_scoped3A : memref<!tpu.dma_semaphore, #tpu.memory_space<semaphore_mem>>) src(%dma_wait3A_66 : memref<40x64xi32, #tpu.memory_space<hbm>>) dst(%arg8 : memref<40x64xi32, #tpu.memory_space<vmem>>)
          tpu.yield
        }) : () -> ()
        "tpu.region"() ({
          %run_scoped3A = tpu.sem_alloc : memref<!tpu.dma_semaphore, #tpu.memory_space<semaphore_mem>>
          %dma_start3A_59 = arith.constant 0 : i32
          %dma_start3A_60 = tpu.memref_slice %arg5[%multiple_of3A, %dma_start3A_59] : memref<5120x64xi32, #tpu.memory_space<hbm>> -> memref<40x64xi32, #tpu.memory_space<hbm>>
          %dma_start3A_61 = arith.constant 0 : i32
          %dma_start3A_62 = tpu.memref_slice %arg5[%multiple_of3A, %dma_start3A_61] : memref<5120x64xi32, #tpu.memory_space<hbm>> -> memref<40x64xi32, #tpu.memory_space<hbm>>
          tpu.enqueue_dma source(%dma_start3A_62 : memref<40x64xi32, #tpu.memory_space<hbm>>) target(%arg9 : memref<40x64xi32, #tpu.memory_space<vmem>>) target_semaphore(%run_scoped3A : memref<!tpu.dma_semaphore, #tpu.memory_space<semaphore_mem>>)
          %dma_wait3A_63 = arith.constant 0 : i32
          %dma_wait3A_64 = tpu.memref_slice %arg5[%multiple_of3A, %dma_wait3A_63] : memref<5120x64xi32, #tpu.memory_space<hbm>> -> memref<40x64xi32, #tpu.memory_space<hbm>>
          %dma_wait3A_65 = arith.constant 0 : i32
          %dma_wait3A_66 = tpu.memref_slice %arg5[%multiple_of3A, %dma_wait3A_65] : memref<5120x64xi32, #tpu.memory_space<hbm>> -> memref<40x64xi32, #tpu.memory_space<hbm>>
          tpu.wait_dma2 semaphore(%run_scoped3A : memref<!tpu.dma_semaphore, #tpu.memory_space<semaphore_mem>>) src(%dma_wait3A_66 : memref<40x64xi32, #tpu.memory_space<hbm>>) dst(%arg9 : memref<40x64xi32, #tpu.memory_space<vmem>>)
          tpu.yield
        }) : () -> ()
        %dma_start3A = arith.constant 0 : i32
        %dma_start3A_29 = arith.constant 0 : i32
        %dma_start3A_30 = tpu.memref_slice %arg8[%dma_start3A, %dma_start3A_29] : memref<40x64xi32, #tpu.memory_space<vmem>> -> memref<1x64xi32, #tpu.memory_space<vmem>>
        %dma_start3A_31 = tpu.memref_squeeze %dma_start3A_30 : memref<1x64xi32, #tpu.memory_space<vmem>> -> memref<64xi32, #tpu.memory_space<vmem>>
        %dma_start3A_32 = arith.constant 0 : i32
        %dma_start3A_33 = arith.constant 0 : i32
        %dma_start3A_34 = tpu.memref_slice %arg3[%dma_start3A_32, %dma_start3A_33] : memref<10240x128xf32, #tpu.memory_space<hbm>> -> memref<10240x128xf32, #tpu.memory_space<hbm>>
        tpu.enqueue_indirect_dma source(%dma_start3A_34 : memref<10240x128xf32, #tpu.memory_space<hbm>>) target(%arg10 : memref<64x128xf32, #tpu.memory_space<vmem>>) offsets(%dma_start3A_31 : memref<64xi32, #tpu.memory_space<vmem>>) semaphore(%arg15 : memref<!tpu.dma_semaphore, #tpu.memory_space<semaphore_mem>>)
        %dma_start3A_35 = arith.constant 1 : i32
        %dma_start3A_36 = arith.constant 0 : i32
        %dma_start3A_37 = tpu.memref_slice %arg8[%dma_start3A_35, %dma_start3A_36] : memref<40x64xi32, #tpu.memory_space<vmem>> -> memref<1x64xi32, #tpu.memory_space<vmem>>
        %dma_start3A_38 = tpu.memref_squeeze %dma_start3A_37 : memref<1x64xi32, #tpu.memory_space<vmem>> -> memref<64xi32, #tpu.memory_space<vmem>>
        %dma_start3A_39 = arith.constant 0 : i32
        %dma_start3A_40 = arith.constant 0 : i32
        %dma_start3A_41 = tpu.memref_slice %arg3[%dma_start3A_39, %dma_start3A_40] : memref<10240x128xf32, #tpu.memory_space<hbm>> -> memref<10240x128xf32, #tpu.memory_space<hbm>>
        tpu.enqueue_indirect_dma source(%dma_start3A_41 : memref<10240x128xf32, #tpu.memory_space<hbm>>) target(%arg11 : memref<64x128xf32, #tpu.memory_space<vmem>>) offsets(%dma_start3A_38 : memref<64xi32, #tpu.memory_space<vmem>>) semaphore(%arg16 : memref<!tpu.dma_semaphore, #tpu.memory_space<semaphore_mem>>)
        %dma_start3A_42 = arith.constant 2 : i32
        %dma_start3A_43 = arith.constant 0 : i32
        %dma_start3A_44 = tpu.memref_slice %arg8[%dma_start3A_42, %dma_start3A_43] : memref<40x64xi32, #tpu.memory_space<vmem>> -> memref<1x64xi32, #tpu.memory_space<vmem>>
        %dma_start3A_45 = tpu.memref_squeeze %dma_start3A_44 : memref<1x64xi32, #tpu.memory_space<vmem>> -> memref<64xi32, #tpu.memory_space<vmem>>
        %dma_start3A_46 = arith.constant 0 : i32
        %dma_start3A_47 = arith.constant 0 : i32
        %dma_start3A_48 = tpu.memref_slice %arg3[%dma_start3A_46, %dma_start3A_47] : memref<10240x128xf32, #tpu.memory_space<hbm>> -> memref<10240x128xf32, #tpu.memory_space<hbm>>
        tpu.enqueue_indirect_dma source(%dma_start3A_48 : memref<10240x128xf32, #tpu.memory_space<hbm>>) target(%arg12 : memref<64x128xf32, #tpu.memory_space<vmem>>) offsets(%dma_start3A_45 : memref<64xi32, #tpu.memory_space<vmem>>) semaphore(%arg17 : memref<!tpu.dma_semaphore, #tpu.memory_space<semaphore_mem>>)
        %scan3A_49 = arith.constant 0 : i32
        %scan3A_50 = arith.constant 10 : i32
        %scan3A_51 = arith.addi %scan3A_49, %scan3A_50 : i32
        %scan3A_52 = arith.constant 1 : i32
        scf.for %scan3A_59 = %scan3A_49 to %scan3A_51 step %scan3A_52  : i32 {
          %mul3A_60 = arith.constant 4 : i32
          %mul3A_61 = arith.muli %scan3A_59, %mul3A_60 : i32
          %add3A_62 = arith.constant 0 : i32
          %add3A_63 = arith.addi %add3A_62, %mul3A_61 : i32
          %add3A_64 = arith.constant 0 : i32
          %add3A_65 = arith.addi %add3A_63, %add3A_64 : i32
          %ge3A = arith.constant 1 : i32
          %ge3A_66 = arith.cmpi sge, %add3A_65, %ge3A : i32
          %convert_element_type3A_67 = arith.extui %ge3A_66 : i1 to i32
          %cond3A_68 = arith.constant 0 : i32
          %cond3A_69 = arith.cmpi ne, %convert_element_type3A_67, %cond3A_68 : i32
          scf.if %cond3A_69 {
            %dma_wait3A_166 = arith.constant 0 : i32
            %dma_wait3A_167 = arith.constant 0 : i32
            %dma_wait3A_168 = tpu.memref_slice %arg14[%dma_wait3A_166, %dma_wait3A_167] : memref<10240x128xf32, #tpu.memory_space<vmem_shared>> -> memref<64x128xf32, #tpu.memory_space<vmem_shared>>
            %dma_wait3A_169 = arith.constant 0 : i32
            %dma_wait3A_170 = arith.constant 0 : i32
            %dma_wait3A_171 = tpu.memref_slice %arg14[%dma_wait3A_169, %dma_wait3A_170] : memref<10240x128xf32, #tpu.memory_space<vmem_shared>> -> memref<64x128xf32, #tpu.memory_space<vmem_shared>>
            tpu.wait_dma2 semaphore(%arg22 : memref<!tpu.dma_semaphore, #tpu.memory_space<semaphore_mem>>) src(%arg13 : memref<64x128xf32, #tpu.memory_space<vmem>>) dst(%dma_wait3A_171 : memref<64x128xf32, #tpu.memory_space<vmem_shared>>)
          } else {
          }
          %add3A_70 = arith.constant 3 : i32
          %add3A_71 = arith.addi %add3A_65, %add3A_70 : i32
          %lt3A = arith.constant 40 : i32
          %lt3A_72 = arith.cmpi slt, %add3A_71, %lt3A : i32
          %convert_element_type3A_73 = arith.extui %lt3A_72 : i1 to i32
          %cond3A_74 = arith.constant 0 : i32
          %cond3A_75 = arith.cmpi ne, %convert_element_type3A_73, %cond3A_74 : i32
          scf.if %cond3A_75 {
            %add3A_166 = arith.constant 3 : i32
            %add3A_167 = arith.addi %add3A_65, %add3A_166 : i32
            %dma_start3A_168 = arith.constant 0 : i32
            %dma_start3A_169 = tpu.memref_slice %arg8[%add3A_167, %dma_start3A_168] : memref<40x64xi32, #tpu.memory_space<vmem>> -> memref<1x64xi32, #tpu.memory_space<vmem>>
            %dma_start3A_170 = tpu.memref_squeeze %dma_start3A_169 : memref<1x64xi32, #tpu.memory_space<vmem>> -> memref<64xi32, #tpu.memory_space<vmem>>
            %dma_start3A_171 = arith.constant 0 : i32
            %dma_start3A_172 = arith.constant 0 : i32
            %dma_start3A_173 = tpu.memref_slice %arg3[%dma_start3A_171, %dma_start3A_172] : memref<10240x128xf32, #tpu.memory_space<hbm>> -> memref<10240x128xf32, #tpu.memory_space<hbm>>
            tpu.enqueue_indirect_dma source(%dma_start3A_173 : memref<10240x128xf32, #tpu.memory_space<hbm>>) target(%arg13 : memref<64x128xf32, #tpu.memory_space<vmem>>) offsets(%dma_start3A_170 : memref<64xi32, #tpu.memory_space<vmem>>) semaphore(%arg18 : memref<!tpu.dma_semaphore, #tpu.memory_space<semaphore_mem>>)
          } else {
          }
          %dma_wait3A_76 = arith.constant 0 : i32
          %dma_wait3A_77 = arith.constant 0 : i32
          %dma_wait3A_78 = tpu.memref_slice %arg3[%dma_wait3A_76, %dma_wait3A_77] : memref<10240x128xf32, #tpu.memory_space<hbm>> -> memref<64x128xf32, #tpu.memory_space<hbm>>
          %dma_wait3A_79 = arith.constant 0 : i32
          %dma_wait3A_80 = arith.constant 0 : i32
          %dma_wait3A_81 = tpu.memref_slice %arg3[%dma_wait3A_79, %dma_wait3A_80] : memref<10240x128xf32, #tpu.memory_space<hbm>> -> memref<64x128xf32, #tpu.memory_space<hbm>>
          tpu.wait_dma2 semaphore(%arg15 : memref<!tpu.dma_semaphore, #tpu.memory_space<semaphore_mem>>) src(%dma_wait3A_81 : memref<64x128xf32, #tpu.memory_space<hbm>>) dst(%arg10 : memref<64x128xf32, #tpu.memory_space<vmem>>)
          %dma_start3A_82 = arith.constant 0 : i32
          %dma_start3A_83 = tpu.memref_slice %arg9[%add3A_65, %dma_start3A_82] : memref<40x64xi32, #tpu.memory_space<vmem>> -> memref<1x64xi32, #tpu.memory_space<vmem>>
          %dma_start3A_84 = tpu.memref_squeeze %dma_start3A_83 : memref<1x64xi32, #tpu.memory_space<vmem>> -> memref<64xi32, #tpu.memory_space<vmem>>
          %dma_start3A_85 = arith.constant 0 : i32
          %dma_start3A_86 = arith.constant 0 : i32
          %dma_start3A_87 = tpu.memref_slice %arg14[%dma_start3A_85, %dma_start3A_86] : memref<10240x128xf32, #tpu.memory_space<vmem_shared>> -> memref<10240x128xf32, #tpu.memory_space<vmem_shared>>
          tpu.enqueue_indirect_dma source(%arg10 : memref<64x128xf32, #tpu.memory_space<vmem>>) target(%dma_start3A_87 : memref<10240x128xf32, #tpu.memory_space<vmem_shared>>) offsets(%dma_start3A_84 : memref<64xi32, #tpu.memory_space<vmem>>) semaphore(%arg19 : memref<!tpu.dma_semaphore, #tpu.memory_space<semaphore_mem>>) {add = true}
          %add3A_88 = arith.constant 1 : i32
          %add3A_89 = arith.addi %add3A_63, %add3A_88 : i32
          %ge3A_90 = arith.constant 1 : i32
          %ge3A_91 = arith.cmpi sge, %add3A_89, %ge3A_90 : i32
          %convert_element_type3A_92 = arith.extui %ge3A_91 : i1 to i32
          %cond3A_93 = arith.constant 0 : i32
          %cond3A_94 = arith.cmpi ne, %convert_element_type3A_92, %cond3A_93 : i32
          scf.if %cond3A_94 {
            %dma_wait3A_166 = arith.constant 0 : i32
            %dma_wait3A_167 = arith.constant 0 : i32
            %dma_wait3A_168 = tpu.memref_slice %arg14[%dma_wait3A_166, %dma_wait3A_167] : memref<10240x128xf32, #tpu.memory_space<vmem_shared>> -> memref<64x128xf32, #tpu.memory_space<vmem_shared>>
            %dma_wait3A_169 = arith.constant 0 : i32
            %dma_wait3A_170 = arith.constant 0 : i32
            %dma_wait3A_171 = tpu.memref_slice %arg14[%dma_wait3A_169, %dma_wait3A_170] : memref<10240x128xf32, #tpu.memory_space<vmem_shared>> -> memref<64x128xf32, #tpu.memory_space<vmem_shared>>
            tpu.wait_dma2 semaphore(%arg19 : memref<!tpu.dma_semaphore, #tpu.memory_space<semaphore_mem>>) src(%arg10 : memref<64x128xf32, #tpu.memory_space<vmem>>) dst(%dma_wait3A_171 : memref<64x128xf32, #tpu.memory_space<vmem_shared>>)
          } else {
          }
          %add3A_95 = arith.constant 3 : i32
          %add3A_96 = arith.addi %add3A_89, %add3A_95 : i32
          %lt3A_97 = arith.constant 40 : i32
          %lt3A_98 = arith.cmpi slt, %add3A_96, %lt3A_97 : i32
          %convert_element_type3A_99 = arith.extui %lt3A_98 : i1 to i32
          %cond3A_100 = arith.constant 0 : i32
          %cond3A_101 = arith.cmpi ne, %convert_element_type3A_99, %cond3A_100 : i32
          scf.if %cond3A_101 {
            %add3A_166 = arith.constant 3 : i32
            %add3A_167 = arith.addi %add3A_89, %add3A_166 : i32
            %dma_start3A_168 = arith.constant 0 : i32
            %dma_start3A_169 = tpu.memref_slice %arg8[%add3A_167, %dma_start3A_168] : memref<40x64xi32, #tpu.memory_space<vmem>> -> memref<1x64xi32, #tpu.memory_space<vmem>>
            %dma_start3A_170 = tpu.memref_squeeze %dma_start3A_169 : memref<1x64xi32, #tpu.memory_space<vmem>> -> memref<64xi32, #tpu.memory_space<vmem>>
            %dma_start3A_171 = arith.constant 0 : i32
            %dma_start3A_172 = arith.constant 0 : i32
            %dma_start3A_173 = tpu.memref_slice %arg3[%dma_start3A_171, %dma_start3A_172] : memref<10240x128xf32, #tpu.memory_space<hbm>> -> memref<10240x128xf32, #tpu.memory_space<hbm>>
            tpu.enqueue_indirect_dma source(%dma_start3A_173 : memref<10240x128xf32, #tpu.memory_space<hbm>>) target(%arg10 : memref<64x128xf32, #tpu.memory_space<vmem>>) offsets(%dma_start3A_170 : memref<64xi32, #tpu.memory_space<vmem>>) semaphore(%arg15 : memref<!tpu.dma_semaphore, #tpu.memory_space<semaphore_mem>>)
          } else {
          }
          %dma_wait3A_102 = arith.constant 0 : i32
          %dma_wait3A_103 = arith.constant 0 : i32
          %dma_wait3A_104 = tpu.memref_slice %arg3[%dma_wait3A_102, %dma_wait3A_103] : memref<10240x128xf32, #tpu.memory_space<hbm>> -> memref<64x128xf32, #tpu.memory_space<hbm>>
          %dma_wait3A_105 = arith.constant 0 : i32
          %dma_wait3A_106 = arith.constant 0 : i32
          %dma_wait3A_107 = tpu.memref_slice %arg3[%dma_wait3A_105, %dma_wait3A_106] : memref<10240x128xf32, #tpu.memory_space<hbm>> -> memref<64x128xf32, #tpu.memory_space<hbm>>
          tpu.wait_dma2 semaphore(%arg16 : memref<!tpu.dma_semaphore, #tpu.memory_space<semaphore_mem>>) src(%dma_wait3A_107 : memref<64x128xf32, #tpu.memory_space<hbm>>) dst(%arg11 : memref<64x128xf32, #tpu.memory_space<vmem>>)
          %dma_start3A_108 = arith.constant 0 : i32
          %dma_start3A_109 = tpu.memref_slice %arg9[%add3A_89, %dma_start3A_108] : memref<40x64xi32, #tpu.memory_space<vmem>> -> memref<1x64xi32, #tpu.memory_space<vmem>>
          %dma_start3A_110 = tpu.memref_squeeze %dma_start3A_109 : memref<1x64xi32, #tpu.memory_space<vmem>> -> memref<64xi32, #tpu.memory_space<vmem>>
          %dma_start3A_111 = arith.constant 0 : i32
          %dma_start3A_112 = arith.constant 0 : i32
          %dma_start3A_113 = tpu.memref_slice %arg14[%dma_start3A_111, %dma_start3A_112] : memref<10240x128xf32, #tpu.memory_space<vmem_shared>> -> memref<10240x128xf32, #tpu.memory_space<vmem_shared>>
          tpu.enqueue_indirect_dma source(%arg11 : memref<64x128xf32, #tpu.memory_space<vmem>>) target(%dma_start3A_113 : memref<10240x128xf32, #tpu.memory_space<vmem_shared>>) offsets(%dma_start3A_110 : memref<64xi32, #tpu.memory_space<vmem>>) semaphore(%arg20 : memref<!tpu.dma_semaphore, #tpu.memory_space<semaphore_mem>>) {add = true}
          %add3A_114 = arith.constant 2 : i32
          %add3A_115 = arith.addi %add3A_63, %add3A_114 : i32
          %ge3A_116 = arith.constant 1 : i32
          %ge3A_117 = arith.cmpi sge, %add3A_115, %ge3A_116 : i32
          %convert_element_type3A_118 = arith.extui %ge3A_117 : i1 to i32
          %cond3A_119 = arith.constant 0 : i32
          %cond3A_120 = arith.cmpi ne, %convert_element_type3A_118, %cond3A_119 : i32
          scf.if %cond3A_120 {
            %dma_wait3A_166 = arith.constant 0 : i32
            %dma_wait3A_167 = arith.constant 0 : i32
            %dma_wait3A_168 = tpu.memref_slice %arg14[%dma_wait3A_166, %dma_wait3A_167] : memref<10240x128xf32, #tpu.memory_space<vmem_shared>> -> memref<64x128xf32, #tpu.memory_space<vmem_shared>>
            %dma_wait3A_169 = arith.constant 0 : i32
            %dma_wait3A_170 = arith.constant 0 : i32
            %dma_wait3A_171 = tpu.memref_slice %arg14[%dma_wait3A_169, %dma_wait3A_170] : memref<10240x128xf32, #tpu.memory_space<vmem_shared>> -> memref<64x128xf32, #tpu.memory_space<vmem_shared>>
            tpu.wait_dma2 semaphore(%arg20 : memref<!tpu.dma_semaphore, #tpu.memory_space<semaphore_mem>>) src(%arg11 : memref<64x128xf32, #tpu.memory_space<vmem>>) dst(%dma_wait3A_171 : memref<64x128xf32, #tpu.memory_space<vmem_shared>>)
          } else {
          }
          %add3A_121 = arith.constant 3 : i32
          %add3A_122 = arith.addi %add3A_115, %add3A_121 : i32
          %lt3A_123 = arith.constant 40 : i32
          %lt3A_124 = arith.cmpi slt, %add3A_122, %lt3A_123 : i32
          %convert_element_type3A_125 = arith.extui %lt3A_124 : i1 to i32
          %cond3A_126 = arith.constant 0 : i32
          %cond3A_127 = arith.cmpi ne, %convert_element_type3A_125, %cond3A_126 : i32
          scf.if %cond3A_127 {
            %add3A_166 = arith.constant 3 : i32
            %add3A_167 = arith.addi %add3A_115, %add3A_166 : i32
            %dma_start3A_168 = arith.constant 0 : i32
            %dma_start3A_169 = tpu.memref_slice %arg8[%add3A_167, %dma_start3A_168] : memref<40x64xi32, #tpu.memory_space<vmem>> -> memref<1x64xi32, #tpu.memory_space<vmem>>
            %dma_start3A_170 = tpu.memref_squeeze %dma_start3A_169 : memref<1x64xi32, #tpu.memory_space<vmem>> -> memref<64xi32, #tpu.memory_space<vmem>>
            %dma_start3A_171 = arith.constant 0 : i32
            %dma_start3A_172 = arith.constant 0 : i32
            %dma_start3A_173 = tpu.memref_slice %arg3[%dma_start3A_171, %dma_start3A_172] : memref<10240x128xf32, #tpu.memory_space<hbm>> -> memref<10240x128xf32, #tpu.memory_space<hbm>>
            tpu.enqueue_indirect_dma source(%dma_start3A_173 : memref<10240x128xf32, #tpu.memory_space<hbm>>) target(%arg11 : memref<64x128xf32, #tpu.memory_space<vmem>>) offsets(%dma_start3A_170 : memref<64xi32, #tpu.memory_space<vmem>>) semaphore(%arg16 : memref<!tpu.dma_semaphore, #tpu.memory_space<semaphore_mem>>)
          } else {
          }
          %dma_wait3A_128 = arith.constant 0 : i32
          %dma_wait3A_129 = arith.constant 0 : i32
          %dma_wait3A_130 = tpu.memref_slice %arg3[%dma_wait3A_128, %dma_wait3A_129] : memref<10240x128xf32, #tpu.memory_space<hbm>> -> memref<64x128xf32, #tpu.memory_space<hbm>>
          %dma_wait3A_131 = arith.constant 0 : i32
          %dma_wait3A_132 = arith.constant 0 : i32
          %dma_wait3A_133 = tpu.memref_slice %arg3[%dma_wait3A_131, %dma_wait3A_132] : memref<10240x128xf32, #tpu.memory_space<hbm>> -> memref<64x128xf32, #tpu.memory_space<hbm>>
          tpu.wait_dma2 semaphore(%arg17 : memref<!tpu.dma_semaphore, #tpu.memory_space<semaphore_mem>>) src(%dma_wait3A_133 : memref<64x128xf32, #tpu.memory_space<hbm>>) dst(%arg12 : memref<64x128xf32, #tpu.memory_space<vmem>>)
          %dma_start3A_134 = arith.constant 0 : i32
          %dma_start3A_135 = tpu.memref_slice %arg9[%add3A_115, %dma_start3A_134] : memref<40x64xi32, #tpu.memory_space<vmem>> -> memref<1x64xi32, #tpu.memory_space<vmem>>
          %dma_start3A_136 = tpu.memref_squeeze %dma_start3A_135 : memref<1x64xi32, #tpu.memory_space<vmem>> -> memref<64xi32, #tpu.memory_space<vmem>>
          %dma_start3A_137 = arith.constant 0 : i32
          %dma_start3A_138 = arith.constant 0 : i32
          %dma_start3A_139 = tpu.memref_slice %arg14[%dma_start3A_137, %dma_start3A_138] : memref<10240x128xf32, #tpu.memory_space<vmem_shared>> -> memref<10240x128xf32, #tpu.memory_space<vmem_shared>>
          tpu.enqueue_indirect_dma source(%arg12 : memref<64x128xf32, #tpu.memory_space<vmem>>) target(%dma_start3A_139 : memref<10240x128xf32, #tpu.memory_space<vmem_shared>>) offsets(%dma_start3A_136 : memref<64xi32, #tpu.memory_space<vmem>>) semaphore(%arg21 : memref<!tpu.dma_semaphore, #tpu.memory_space<semaphore_mem>>) {add = true}
          %add3A_140 = arith.constant 3 : i32
          %add3A_141 = arith.addi %add3A_63, %add3A_140 : i32
          %ge3A_142 = arith.constant 1 : i32
          %ge3A_143 = arith.cmpi sge, %add3A_141, %ge3A_142 : i32
          %convert_element_type3A_144 = arith.extui %ge3A_143 : i1 to i32
          %cond3A_145 = arith.constant 0 : i32
          %cond3A_146 = arith.cmpi ne, %convert_element_type3A_144, %cond3A_145 : i32
          scf.if %cond3A_146 {
            %dma_wait3A_166 = arith.constant 0 : i32
            %dma_wait3A_167 = arith.constant 0 : i32
            %dma_wait3A_168 = tpu.memref_slice %arg14[%dma_wait3A_166, %dma_wait3A_167] : memref<10240x128xf32, #tpu.memory_space<vmem_shared>> -> memref<64x128xf32, #tpu.memory_space<vmem_shared>>
            %dma_wait3A_169 = arith.constant 0 : i32
            %dma_wait3A_170 = arith.constant 0 : i32
            %dma_wait3A_171 = tpu.memref_slice %arg14[%dma_wait3A_169, %dma_wait3A_170] : memref<10240x128xf32, #tpu.memory_space<vmem_shared>> -> memref<64x128xf32, #tpu.memory_space<vmem_shared>>
            tpu.wait_dma2 semaphore(%arg21 : memref<!tpu.dma_semaphore, #tpu.memory_space<semaphore_mem>>) src(%arg12 : memref<64x128xf32, #tpu.memory_space<vmem>>) dst(%dma_wait3A_171 : memref<64x128xf32, #tpu.memory_space<vmem_shared>>)
          } else {
          }
          %add3A_147 = arith.constant 3 : i32
          %add3A_148 = arith.addi %add3A_141, %add3A_147 : i32
          %lt3A_149 = arith.constant 40 : i32
          %lt3A_150 = arith.cmpi slt, %add3A_148, %lt3A_149 : i32
          %convert_element_type3A_151 = arith.extui %lt3A_150 : i1 to i32
          %cond3A_152 = arith.constant 0 : i32
          %cond3A_153 = arith.cmpi ne, %convert_element_type3A_151, %cond3A_152 : i32
          scf.if %cond3A_153 {
            %add3A_166 = arith.constant 3 : i32
            %add3A_167 = arith.addi %add3A_141, %add3A_166 : i32
            %dma_start3A_168 = arith.constant 0 : i32
            %dma_start3A_169 = tpu.memref_slice %arg8[%add3A_167, %dma_start3A_168] : memref<40x64xi32, #tpu.memory_space<vmem>> -> memref<1x64xi32, #tpu.memory_space<vmem>>
            %dma_start3A_170 = tpu.memref_squeeze %dma_start3A_169 : memref<1x64xi32, #tpu.memory_space<vmem>> -> memref<64xi32, #tpu.memory_space<vmem>>
            %dma_start3A_171 = arith.constant 0 : i32
            %dma_start3A_172 = arith.constant 0 : i32
            %dma_start3A_173 = tpu.memref_slice %arg3[%dma_start3A_171, %dma_start3A_172] : memref<10240x128xf32, #tpu.memory_space<hbm>> -> memref<10240x128xf32, #tpu.memory_space<hbm>>
            tpu.enqueue_indirect_dma source(%dma_start3A_173 : memref<10240x128xf32, #tpu.memory_space<hbm>>) target(%arg12 : memref<64x128xf32, #tpu.memory_space<vmem>>) offsets(%dma_start3A_170 : memref<64xi32, #tpu.memory_space<vmem>>) semaphore(%arg17 : memref<!tpu.dma_semaphore, #tpu.memory_space<semaphore_mem>>)
          } else {
          }
          %dma_wait3A_154 = arith.constant 0 : i32
          %dma_wait3A_155 = arith.constant 0 : i32
          %dma_wait3A_156 = tpu.memref_slice %arg3[%dma_wait3A_154, %dma_wait3A_155] : memref<10240x128xf32, #tpu.memory_space<hbm>> -> memref<64x128xf32, #tpu.memory_space<hbm>>
          %dma_wait3A_157 = arith.constant 0 : i32
          %dma_wait3A_158 = arith.constant 0 : i32
          %dma_wait3A_159 = tpu.memref_slice %arg3[%dma_wait3A_157, %dma_wait3A_158] : memref<10240x128xf32, #tpu.memory_space<hbm>> -> memref<64x128xf32, #tpu.memory_space<hbm>>
          tpu.wait_dma2 semaphore(%arg18 : memref<!tpu.dma_semaphore, #tpu.memory_space<semaphore_mem>>) src(%dma_wait3A_159 : memref<64x128xf32, #tpu.memory_space<hbm>>) dst(%arg13 : memref<64x128xf32, #tpu.memory_space<vmem>>)
          %dma_start3A_160 = arith.constant 0 : i32
          %dma_start3A_161 = tpu.memref_slice %arg9[%add3A_141, %dma_start3A_160] : memref<40x64xi32, #tpu.memory_space<vmem>> -> memref<1x64xi32, #tpu.memory_space<vmem>>
          %dma_start3A_162 = tpu.memref_squeeze %dma_start3A_161 : memref<1x64xi32, #tpu.memory_space<vmem>> -> memref<64xi32, #tpu.memory_space<vmem>>
          %dma_start3A_163 = arith.constant 0 : i32
          %dma_start3A_164 = arith.constant 0 : i32
          %dma_start3A_165 = tpu.memref_slice %arg14[%dma_start3A_163, %dma_start3A_164] : memref<10240x128xf32, #tpu.memory_space<vmem_shared>> -> memref<10240x128xf32, #tpu.memory_space<vmem_shared>>
          tpu.enqueue_indirect_dma source(%arg13 : memref<64x128xf32, #tpu.memory_space<vmem>>) target(%dma_start3A_165 : memref<10240x128xf32, #tpu.memory_space<vmem_shared>>) offsets(%dma_start3A_162 : memref<64xi32, #tpu.memory_space<vmem>>) semaphore(%arg22 : memref<!tpu.dma_semaphore, #tpu.memory_space<semaphore_mem>>) {add = true}
        }
        %scan3A_53 = arith.constant 10 : i32
        %dma_wait3A = arith.constant 0 : i32
        %dma_wait3A_54 = arith.constant 0 : i32
        %dma_wait3A_55 = tpu.memref_slice %arg14[%dma_wait3A, %dma_wait3A_54] : memref<10240x128xf32, #tpu.memory_space<vmem_shared>> -> memref<64x128xf32, #tpu.memory_space<vmem_shared>>
        %dma_wait3A_56 = arith.constant 0 : i32
        %dma_wait3A_57 = arith.constant 0 : i32
        %dma_wait3A_58 = tpu.memref_slice %arg14[%dma_wait3A_56, %dma_wait3A_57] : memref<10240x128xf32, #tpu.memory_space<vmem_shared>> -> memref<64x128xf32, #tpu.memory_space<vmem_shared>>
        tpu.wait_dma2 semaphore(%arg22 : memref<!tpu.dma_semaphore, #tpu.memory_space<semaphore_mem>>) src(%arg13 : memref<64x128xf32, #tpu.memory_space<vmem>>) dst(%dma_wait3A_58 : memref<64x128xf32, #tpu.memory_space<vmem_shared>>)
      }
      %scan3A_13 = arith.constant 8 : i32
      %barrier3A_14 = arith.constant 0 : index
      tpu.barrier barrier_id(%barrier3A_14)
      %mul3A_15 = arith.constant 640 : i32
      %mul3A_16 = arith.muli %arg1, %mul3A_15 : i32
      %mul3A_17 = arith.constant 640 : i32
      %mul3A_18 = arith.muli %arg1, %mul3A_17 : i32
      "tpu.region"() ({
        %run_scoped3A = tpu.sem_alloc : memref<!tpu.dma_semaphore, #tpu.memory_space<semaphore_mem>>
        %dma_start3A = arith.constant 0 : i32
        %dma_start3A_20 = tpu.memref_slice %arg7[%mul3A_18, %dma_start3A] : memref<10240x128xf32, #tpu.memory_space<hbm>> -> memref<640x128xf32, #tpu.memory_space<hbm>>
        %dma_start3A_21 = arith.constant 0 : i32
        %dma_start3A_22 = tpu.memref_slice %arg14[%mul3A_16, %dma_start3A_21] : memref<10240x128xf32, #tpu.memory_space<vmem_shared>> -> memref<640x128xf32, #tpu.memory_space<vmem_shared>>
        tpu.enqueue_dma source(%dma_start3A_22 : memref<640x128xf32, #tpu.memory_space<vmem_shared>>) target(%dma_start3A_20 : memref<640x128xf32, #tpu.memory_space<hbm>>) target_semaphore(%run_scoped3A : memref<!tpu.dma_semaphore, #tpu.memory_space<semaphore_mem>>)
        %dma_wait3A = arith.constant 0 : i32
        %dma_wait3A_23 = tpu.memref_slice %arg7[%mul3A_18, %dma_wait3A] : memref<10240x128xf32, #tpu.memory_space<hbm>> -> memref<640x128xf32, #tpu.memory_space<hbm>>
        %dma_wait3A_24 = arith.constant 0 : i32
        %dma_wait3A_25 = tpu.memref_slice %arg14[%mul3A_16, %dma_wait3A_24] : memref<10240x128xf32, #tpu.memory_space<vmem_shared>> -> memref<640x128xf32, #tpu.memory_space<vmem_shared>>
        tpu.wait_dma2 semaphore(%run_scoped3A : memref<!tpu.dma_semaphore, #tpu.memory_space<semaphore_mem>>) src(%dma_wait3A_25 : memref<640x128xf32, #tpu.memory_space<vmem_shared>>) dst(%dma_wait3A_23 : memref<640x128xf32, #tpu.memory_space<hbm>>)
        tpu.yield
      }) : () -> ()
      %barrier3A_19 = arith.constant 0 : index
      tpu.barrier barrier_id(%barrier3A_19)
    } else {
    }
    return
  }
}

#map = affine_map<(d0, d1) -> (0, 0)>
#map1 = affine_map<(d0, d1) -> (0, 0, 0)>
module attributes {stable_mosaic.version = 14 : i64} {
  func.func @sc_deg1(%arg0: i32, %arg1: i32, %arg2: memref<2560x128xi32, #tpu.memory_space<hbm>>, %arg3: memref<2x1x10240xf32, #tpu.memory_space<hbm>>, %arg4: memref<80x128xi32, #tpu.memory_space<vmem>>, %arg5: memref<128xf32, #tpu.memory_space<vmem>>, %arg6: memref<640xf32, #tpu.memory_space<vmem>>, %arg7: memref<10240xf32, #tpu.memory_space<vmem_shared>>) attributes {dimension_semantics = [#tpu.dimension_semantics<core_parallel>, #tpu.dimension_semantics<subcore_parallel>], iteration_bounds = array<i64: 2, 16>, scalar_prefetch = 0 : i64, scratch_operands = 4 : i64, tpu.core_type = #tpu.core_type<sc_vector_subcore>, window_params = [{transform_indices = #map}, {transform_indices = #map1}]} {
    %mul3A = arith.constant 16 : i32
    %mul3A_0 = arith.muli %arg0, %mul3A : i32
    %add3A = arith.addi %mul3A_0, %arg1 : i32
    %broadcast_in_dim3A = arith.constant 1.000000e+00 : f32
    %broadcast_in_dim3A_1 = vector.broadcast %broadcast_in_dim3A : f32 to vector<16xf32>
    %broadcast_in_dim3A_2 = arith.constant 0.000000e+00 : f32
    %broadcast_in_dim3A_3 = vector.broadcast %broadcast_in_dim3A_2 : f32 to vector<16xf32>
    %scan3A = arith.constant 0 : i32
    %scan3A_4 = arith.constant 0 : i32
    %scan3A_5 = arith.constant 8 : i32
    %scan3A_6 = arith.addi %scan3A_4, %scan3A_5 : i32
    %scan3A_7 = arith.constant 1 : i32
    %scan3A_8 = scf.for %scan3A_33 = %scan3A_4 to %scan3A_6 step %scan3A_7 iter_args(%scan3A_34 = %scan3A) -> (i32)  : i32 {
      %mul3A_35 = arith.constant 16 : i32
      %mul3A_36 = arith.muli %scan3A_33, %mul3A_35 : i32
      %swap3A = arith.index_cast %mul3A_36 : i32 to index
      %swap3A_37 = tpu.vector_load %arg5[%swap3A] {strides = array<i32>} : memref<128xf32, #tpu.memory_space<vmem>>, vector<16xf32>,
      %swap3A_38 = vector.shape_cast %swap3A_37 : vector<16xf32> to vector<16xf32>
      %swap3A_39 = vector.shape_cast %broadcast_in_dim3A_1 : vector<16xf32> to vector<16xf32>
      tpu.vector_store %arg5[%swap3A], %swap3A_39 {strides = array<i32>} : memref<128xf32, #tpu.memory_space<vmem>>, vector<16xf32>,
      %scan3A_40 = arith.constant 0 : i32
      scf.yield %scan3A_40 : i32
    }
    %scan3A_9 = arith.constant 8 : i32
    %scan3A_10 = arith.constant 0 : i32
    %scan3A_11 = arith.constant 0 : i32
    %scan3A_12 = arith.constant 40 : i32
    %scan3A_13 = arith.addi %scan3A_11, %scan3A_12 : i32
    %scan3A_14 = arith.constant 1 : i32
    %scan3A_15 = scf.for %scan3A_33 = %scan3A_11 to %scan3A_13 step %scan3A_14 iter_args(%scan3A_34 = %scan3A_10) -> (i32)  : i32 {
      %mul3A_35 = arith.constant 16 : i32
      %mul3A_36 = arith.muli %scan3A_33, %mul3A_35 : i32
      %swap3A = arith.index_cast %mul3A_36 : i32 to index
      %swap3A_37 = tpu.vector_load %arg6[%swap3A] {strides = array<i32>} : memref<640xf32, #tpu.memory_space<vmem>>, vector<16xf32>,
      %swap3A_38 = vector.shape_cast %swap3A_37 : vector<16xf32> to vector<16xf32>
      %swap3A_39 = vector.shape_cast %broadcast_in_dim3A_3 : vector<16xf32> to vector<16xf32>
      tpu.vector_store %arg6[%swap3A], %swap3A_39 {strides = array<i32>} : memref<640xf32, #tpu.memory_space<vmem>>, vector<16xf32>,
      %scan3A_40 = arith.constant 0 : i32
      scf.yield %scan3A_40 : i32
    }
    %scan3A_16 = arith.constant 40 : i32
    %mul3A_17 = arith.constant 640 : i32
    %mul3A_18 = arith.muli %arg1, %mul3A_17 : i32
    "tpu.region"() ({
      %run_scoped3A_33 = tpu.sem_alloc : memref<!tpu.dma_semaphore, #tpu.memory_space<semaphore_mem>>
      %dma_start3A = tpu.memref_slice %arg7[%mul3A_18] : memref<10240xf32, #tpu.memory_space<vmem_shared>> -> memref<640xf32, #tpu.memory_space<vmem_shared>>
      %dma_start3A_34 = tpu.memref_slice %arg7[%mul3A_18] : memref<10240xf32, #tpu.memory_space<vmem_shared>> -> memref<640xf32, #tpu.memory_space<vmem_shared>>
      tpu.enqueue_dma source(%arg6 : memref<640xf32, #tpu.memory_space<vmem>>) target(%dma_start3A_34 : memref<640xf32, #tpu.memory_space<vmem_shared>>) target_semaphore(%run_scoped3A_33 : memref<!tpu.dma_semaphore, #tpu.memory_space<semaphore_mem>>)
      %dma_wait3A = tpu.memref_slice %arg7[%mul3A_18] : memref<10240xf32, #tpu.memory_space<vmem_shared>> -> memref<640xf32, #tpu.memory_space<vmem_shared>>
      %dma_wait3A_35 = tpu.memref_slice %arg7[%mul3A_18] : memref<10240xf32, #tpu.memory_space<vmem_shared>> -> memref<640xf32, #tpu.memory_space<vmem_shared>>
      tpu.wait_dma2 semaphore(%run_scoped3A_33 : memref<!tpu.dma_semaphore, #tpu.memory_space<semaphore_mem>>) src(%arg6 : memref<640xf32, #tpu.memory_space<vmem>>) dst(%dma_wait3A_35 : memref<640xf32, #tpu.memory_space<vmem_shared>>)
      tpu.yield
    }) : () -> ()
    %mul3A_19 = arith.constant 80 : i32
    %mul3A_20 = arith.muli %add3A, %mul3A_19 : i32
    "tpu.region"() ({
      %run_scoped3A_33 = tpu.sem_alloc : memref<!tpu.dma_semaphore, #tpu.memory_space<semaphore_mem>>
      %dma_start3A = arith.constant 0 : i32
      %dma_start3A_34 = tpu.memref_slice %arg2[%mul3A_20, %dma_start3A] : memref<2560x128xi32, #tpu.memory_space<hbm>> -> memref<80x128xi32, #tpu.memory_space<hbm>>
      %dma_start3A_35 = arith.constant 0 : i32
      %dma_start3A_36 = tpu.memref_slice %arg2[%mul3A_20, %dma_start3A_35] : memref<2560x128xi32, #tpu.memory_space<hbm>> -> memref<80x128xi32, #tpu.memory_space<hbm>>
      tpu.enqueue_dma source(%dma_start3A_36 : memref<80x128xi32, #tpu.memory_space<hbm>>) target(%arg4 : memref<80x128xi32, #tpu.memory_space<vmem>>) target_semaphore(%run_scoped3A_33 : memref<!tpu.dma_semaphore, #tpu.memory_space<semaphore_mem>>)
      %dma_wait3A = arith.constant 0 : i32
      %dma_wait3A_37 = tpu.memref_slice %arg2[%mul3A_20, %dma_wait3A] : memref<2560x128xi32, #tpu.memory_space<hbm>> -> memref<80x128xi32, #tpu.memory_space<hbm>>
      %dma_wait3A_38 = arith.constant 0 : i32
      %dma_wait3A_39 = tpu.memref_slice %arg2[%mul3A_20, %dma_wait3A_38] : memref<2560x128xi32, #tpu.memory_space<hbm>> -> memref<80x128xi32, #tpu.memory_space<hbm>>
      tpu.wait_dma2 semaphore(%run_scoped3A_33 : memref<!tpu.dma_semaphore, #tpu.memory_space<semaphore_mem>>) src(%dma_wait3A_39 : memref<80x128xi32, #tpu.memory_space<hbm>>) dst(%arg4 : memref<80x128xi32, #tpu.memory_space<vmem>>)
      tpu.yield
    }) : () -> ()
    %barrier3A = arith.constant 0 : index
    tpu.barrier barrier_id(%barrier3A)
    %scan3A_21 = arith.constant 0 : i32
    %scan3A_22 = arith.constant 0 : i32
    %scan3A_23 = arith.constant 80 : i32
    %scan3A_24 = arith.addi %scan3A_22, %scan3A_23 : i32
    %scan3A_25 = arith.constant 1 : i32
    %scan3A_26 = scf.for %scan3A_33 = %scan3A_22 to %scan3A_24 step %scan3A_25 iter_args(%scan3A_34 = %scan3A_21) -> (i32)  : i32 {
      "tpu.region"() ({
        %run_scoped3A_36 = tpu.sem_alloc : memref<!tpu.dma_semaphore, #tpu.memory_space<semaphore_mem>>
        %dma_start3A = arith.constant 0 : i32
        %dma_start3A_37 = tpu.memref_slice %arg4[%scan3A_33, %dma_start3A] : memref<80x128xi32, #tpu.memory_space<vmem>> -> memref<1x128xi32, #tpu.memory_space<vmem>>
        %dma_start3A_38 = tpu.memref_squeeze %dma_start3A_37 : memref<1x128xi32, #tpu.memory_space<vmem>> -> memref<128xi32, #tpu.memory_space<vmem>>
        %dma_start3A_39 = arith.constant 0 : i32
        %dma_start3A_40 = tpu.memref_slice %arg7[%dma_start3A_39] : memref<10240xf32, #tpu.memory_space<vmem_shared>> -> memref<10240xf32, #tpu.memory_space<vmem_shared>>
        tpu.enqueue_indirect_dma source(%arg5 : memref<128xf32, #tpu.memory_space<vmem>>) target(%dma_start3A_40 : memref<10240xf32, #tpu.memory_space<vmem_shared>>) offsets(%dma_start3A_38 : memref<128xi32, #tpu.memory_space<vmem>>) semaphore(%run_scoped3A_36 : memref<!tpu.dma_semaphore, #tpu.memory_space<semaphore_mem>>) {add = true}
        %dma_wait3A = arith.constant 0 : i32
        %dma_wait3A_41 = tpu.memref_slice %arg4[%scan3A_33, %dma_wait3A] : memref<80x128xi32, #tpu.memory_space<vmem>> -> memref<1x128xi32, #tpu.memory_space<vmem>>
        %dma_wait3A_42 = tpu.memref_squeeze %dma_wait3A_41 : memref<1x128xi32, #tpu.memory_space<vmem>> -> memref<128xi32, #tpu.memory_space<vmem>>
        %dma_wait3A_43 = arith.constant 0 : i32
        %dma_wait3A_44 = tpu.memref_slice %arg7[%dma_wait3A_43] : memref<10240xf32, #tpu.memory_space<vmem_shared>> -> memref<10240xf32, #tpu.memory_space<vmem_shared>>
        tpu.wait_indirect_dma semaphore(%run_scoped3A_36 : memref<!tpu.dma_semaphore, #tpu.memory_space<semaphore_mem>>) src(%arg5 : memref<128xf32, #tpu.memory_space<vmem>>) dst(%dma_wait3A_44 : memref<10240xf32, #tpu.memory_space<vmem_shared>>)
        tpu.yield
      }) : () -> ()
      %scan3A_35 = arith.constant 0 : i32
      scf.yield %scan3A_35 : i32
    }
    %scan3A_27 = arith.constant 80 : i32
    %barrier3A_28 = arith.constant 0 : index
    tpu.barrier barrier_id(%barrier3A_28)
    %mul3A_29 = arith.constant 640 : i32
    %mul3A_30 = arith.muli %arg1, %mul3A_29 : i32
    %mul3A_31 = arith.constant 640 : i32
    %mul3A_32 = arith.muli %arg1, %mul3A_31 : i32
    %run_scoped3A = arith.constant 0 : i32
    "tpu.region"() ({
      %run_scoped3A_33 = tpu.sem_alloc : memref<!tpu.dma_semaphore, #tpu.memory_space<semaphore_mem>>
      %dma_start3A = tpu.memref_slice %arg3[%arg0, %run_scoped3A, %mul3A_32] : memref<2x1x10240xf32, #tpu.memory_space<hbm>> -> memref<1x1x640xf32, #tpu.memory_space<hbm>>
      %dma_start3A_34 = tpu.memref_squeeze %dma_start3A : memref<1x1x640xf32, #tpu.memory_space<hbm>> -> memref<640xf32, #tpu.memory_space<hbm>>
      %dma_start3A_35 = tpu.memref_slice %arg7[%mul3A_30] : memref<10240xf32, #tpu.memory_space<vmem_shared>> -> memref<640xf32, #tpu.memory_space<vmem_shared>>
      tpu.enqueue_dma source(%dma_start3A_35 : memref<640xf32, #tpu.memory_space<vmem_shared>>) target(%dma_start3A_34 : memref<640xf32, #tpu.memory_space<hbm>>) target_semaphore(%run_scoped3A_33 : memref<!tpu.dma_semaphore, #tpu.memory_space<semaphore_mem>>)
      %dma_wait3A = tpu.memref_slice %arg3[%arg0, %run_scoped3A, %mul3A_32] : memref<2x1x10240xf32, #tpu.memory_space<hbm>> -> memref<1x1x640xf32, #tpu.memory_space<hbm>>
      %dma_wait3A_36 = tpu.memref_squeeze %dma_wait3A : memref<1x1x640xf32, #tpu.memory_space<hbm>> -> memref<640xf32, #tpu.memory_space<hbm>>
      %dma_wait3A_37 = tpu.memref_slice %arg7[%mul3A_30] : memref<10240xf32, #tpu.memory_space<vmem_shared>> -> memref<640xf32, #tpu.memory_space<vmem_shared>>
      tpu.wait_dma2 semaphore(%run_scoped3A_33 : memref<!tpu.dma_semaphore, #tpu.memory_space<semaphore_mem>>) src(%dma_wait3A_37 : memref<640xf32, #tpu.memory_space<vmem_shared>>) dst(%dma_wait3A_36 : memref<640xf32, #tpu.memory_space<hbm>>)
      tpu.yield
    }) : () -> ()
    return
  }
}

#map = affine_map<(d0, d1) -> (0, 0)>
module attributes {stable_mosaic.version = 14 : i64} {
  func.func @sc_spmm(%arg0: i32, %arg1: i32, %arg2: memref<10240x128xf32, #tpu.memory_space<hbm>>, %arg3: memref<10240x128xf32, #tpu.memory_space<hbm>>, %arg4: memref<5120x64xi32, #tpu.memory_space<hbm>>, %arg5: memref<5120x64xi32, #tpu.memory_space<hbm>>, %arg6: memref<10240x128xf32, #tpu.memory_space<hbm>>, %arg7: memref<10240x128xf32, #tpu.memory_space<hbm>>, %arg8: memref<40x64xi32, #tpu.memory_space<vmem>>, %arg9: memref<40x64xi32, #tpu.memory_space<vmem>>, %arg10: memref<64x128xf32, #tpu.memory_space<vmem>>, %arg11: memref<64x128xf32, #tpu.memory_space<vmem>>, %arg12: memref<64x128xf32, #tpu.memory_space<vmem>>, %arg13: memref<64x128xf32, #tpu.memory_space<vmem>>, %arg14: memref<10240x128xf32, #tpu.memory_space<vmem_shared>>, %arg15: memref<!tpu.dma_semaphore, #tpu.memory_space<semaphore_mem>>, %arg16: memref<!tpu.dma_semaphore, #tpu.memory_space<semaphore_mem>>, %arg17: memref<!tpu.dma_semaphore, #tpu.memory_space<semaphore_mem>>, %arg18: memref<!tpu.dma_semaphore, #tpu.memory_space<semaphore_mem>>, %arg19: memref<!tpu.dma_semaphore, #tpu.memory_space<semaphore_mem>>, %arg20: memref<!tpu.dma_semaphore, #tpu.memory_space<semaphore_mem>>, %arg21: memref<!tpu.dma_semaphore, #tpu.memory_space<semaphore_mem>>, %arg22: memref<!tpu.dma_semaphore, #tpu.memory_space<semaphore_mem>>) attributes {dimension_semantics = [#tpu.dimension_semantics<core_parallel>, #tpu.dimension_semantics<subcore_parallel>], iteration_bounds = array<i64: 2, 16>, scalar_prefetch = 0 : i64, scratch_operands = 15 : i64, tpu.core_type = #tpu.core_type<sc_vector_subcore>, window_params = [{transform_indices = #map}, {transform_indices = #map}, {transform_indices = #map}, {transform_indices = #map}, {transform_indices = #map}, {transform_indices = #map}]} {
    %eq3A = arith.constant 0 : i32
    %eq3A_0 = arith.cmpi eq, %arg0, %eq3A : i32
    %convert_element_type3A = arith.extui %eq3A_0 : i1 to i32
    %cond3A = arith.constant 0 : i32
    %cond3A_1 = arith.cmpi ne, %convert_element_type3A, %cond3A : i32
    scf.if %cond3A_1 {
      %mul3A = arith.constant 640 : i32
      %mul3A_7 = arith.muli %arg1, %mul3A : i32
      %mul3A_8 = arith.constant 640 : i32
      %mul3A_9 = arith.muli %arg1, %mul3A_8 : i32
      "tpu.region"() ({
        %run_scoped3A = tpu.sem_alloc : memref<!tpu.dma_semaphore, #tpu.memory_space<semaphore_mem>>
        %dma_start3A = arith.constant 0 : i32
        %dma_start3A_20 = tpu.memref_slice %arg14[%mul3A_9, %dma_start3A] : memref<10240x128xf32, #tpu.memory_space<vmem_shared>> -> memref<640x128xf32, #tpu.memory_space<vmem_shared>>
        %dma_start3A_21 = arith.constant 0 : i32
        %dma_start3A_22 = tpu.memref_slice %arg2[%mul3A_7, %dma_start3A_21] : memref<10240x128xf32, #tpu.memory_space<hbm>> -> memref<640x128xf32, #tpu.memory_space<hbm>>
        tpu.enqueue_dma source(%dma_start3A_22 : memref<640x128xf32, #tpu.memory_space<hbm>>) target(%dma_start3A_20 : memref<640x128xf32, #tpu.memory_space<vmem_shared>>) target_semaphore(%run_scoped3A : memref<!tpu.dma_semaphore, #tpu.memory_space<semaphore_mem>>)
        %dma_wait3A = arith.constant 0 : i32
        %dma_wait3A_23 = tpu.memref_slice %arg14[%mul3A_9, %dma_wait3A] : memref<10240x128xf32, #tpu.memory_space<vmem_shared>> -> memref<640x128xf32, #tpu.memory_space<vmem_shared>>
        %dma_wait3A_24 = arith.constant 0 : i32
        %dma_wait3A_25 = tpu.memref_slice %arg2[%mul3A_7, %dma_wait3A_24] : memref<10240x128xf32, #tpu.memory_space<hbm>> -> memref<640x128xf32, #tpu.memory_space<hbm>>
        tpu.wait_dma2 semaphore(%run_scoped3A : memref<!tpu.dma_semaphore, #tpu.memory_space<semaphore_mem>>) src(%dma_wait3A_25 : memref<640x128xf32, #tpu.memory_space<hbm>>) dst(%dma_wait3A_23 : memref<640x128xf32, #tpu.memory_space<vmem_shared>>)
        tpu.yield
      }) : () -> ()
      %barrier3A = arith.constant 0 : index
      tpu.barrier barrier_id(%barrier3A)
      %scan3A = arith.constant 0 : i32
      %scan3A_10 = arith.constant 8 : i32
      %scan3A_11 = arith.addi %scan3A, %scan3A_10 : i32
      %scan3A_12 = arith.constant 1 : i32
      scf.for %scan3A_20 = %scan3A to %scan3A_11 step %scan3A_12  : i32 {
        %mul3A_21 = arith.constant 1 : i32
        %mul3A_22 = arith.muli %scan3A_20, %mul3A_21 : i32
        %add3A = arith.constant 0 : i32
        %add3A_23 = arith.addi %add3A, %mul3A_22 : i32
        %mul3A_24 = arith.constant 320 : i32
        %mul3A_25 = arith.muli %arg1, %mul3A_24 : i32
        %mul3A_26 = arith.constant 40 : i32
        %mul3A_27 = arith.muli %add3A_23, %mul3A_26 : i32
        %add3A_28 = arith.addi %mul3A_25, %mul3A_27 : i32
        %multiple_of3A = tpu.assume_multiple %add3A_28, 8 : i32
        "tpu.region"() ({
          %run_scoped3A = tpu.sem_alloc : memref<!tpu.dma_semaphore, #tpu.memory_space<semaphore_mem>>
          %dma_start3A_59 = arith.constant 0 : i32
          %dma_start3A_60 = tpu.memref_slice %arg4[%multiple_of3A, %dma_start3A_59] : memref<5120x64xi32, #tpu.memory_space<hbm>> -> memref<40x64xi32, #tpu.memory_space<hbm>>
          %dma_start3A_61 = arith.constant 0 : i32
          %dma_start3A_62 = tpu.memref_slice %arg4[%multiple_of3A, %dma_start3A_61] : memref<5120x64xi32, #tpu.memory_space<hbm>> -> memref<40x64xi32, #tpu.memory_space<hbm>>
          tpu.enqueue_dma source(%dma_start3A_62 : memref<40x64xi32, #tpu.memory_space<hbm>>) target(%arg8 : memref<40x64xi32, #tpu.memory_space<vmem>>) target_semaphore(%run_scoped3A : memref<!tpu.dma_semaphore, #tpu.memory_space<semaphore_mem>>)
          %dma_wait3A_63 = arith.constant 0 : i32
          %dma_wait3A_64 = tpu.memref_slice %arg4[%multiple_of3A, %dma_wait3A_63] : memref<5120x64xi32, #tpu.memory_space<hbm>> -> memref<40x64xi32, #tpu.memory_space<hbm>>
          %dma_wait3A_65 = arith.constant 0 : i32
          %dma_wait3A_66 = tpu.memref_slice %arg4[%multiple_of3A, %dma_wait3A_65] : memref<5120x64xi32, #tpu.memory_space<hbm>> -> memref<40x64xi32, #tpu.memory_space<hbm>>
          tpu.wait_dma2 semaphore(%run_scoped3A : memref<!tpu.dma_semaphore, #tpu.memory_space<semaphore_mem>>) src(%dma_wait3A_66 : memref<40x64xi32, #tpu.memory_space<hbm>>) dst(%arg8 : memref<40x64xi32, #tpu.memory_space<vmem>>)
          tpu.yield
        }) : () -> ()
        "tpu.region"() ({
          %run_scoped3A = tpu.sem_alloc : memref<!tpu.dma_semaphore, #tpu.memory_space<semaphore_mem>>
          %dma_start3A_59 = arith.constant 0 : i32
          %dma_start3A_60 = tpu.memref_slice %arg5[%multiple_of3A, %dma_start3A_59] : memref<5120x64xi32, #tpu.memory_space<hbm>> -> memref<40x64xi32, #tpu.memory_space<hbm>>
          %dma_start3A_61 = arith.constant 0 : i32
          %dma_start3A_62 = tpu.memref_slice %arg5[%multiple_of3A, %dma_start3A_61] : memref<5120x64xi32, #tpu.memory_space<hbm>> -> memref<40x64xi32, #tpu.memory_space<hbm>>
          tpu.enqueue_dma source(%dma_start3A_62 : memref<40x64xi32, #tpu.memory_space<hbm>>) target(%arg9 : memref<40x64xi32, #tpu.memory_space<vmem>>) target_semaphore(%run_scoped3A : memref<!tpu.dma_semaphore, #tpu.memory_space<semaphore_mem>>)
          %dma_wait3A_63 = arith.constant 0 : i32
          %dma_wait3A_64 = tpu.memref_slice %arg5[%multiple_of3A, %dma_wait3A_63] : memref<5120x64xi32, #tpu.memory_space<hbm>> -> memref<40x64xi32, #tpu.memory_space<hbm>>
          %dma_wait3A_65 = arith.constant 0 : i32
          %dma_wait3A_66 = tpu.memref_slice %arg5[%multiple_of3A, %dma_wait3A_65] : memref<5120x64xi32, #tpu.memory_space<hbm>> -> memref<40x64xi32, #tpu.memory_space<hbm>>
          tpu.wait_dma2 semaphore(%run_scoped3A : memref<!tpu.dma_semaphore, #tpu.memory_space<semaphore_mem>>) src(%dma_wait3A_66 : memref<40x64xi32, #tpu.memory_space<hbm>>) dst(%arg9 : memref<40x64xi32, #tpu.memory_space<vmem>>)
          tpu.yield
        }) : () -> ()
        %dma_start3A = arith.constant 0 : i32
        %dma_start3A_29 = arith.constant 0 : i32
        %dma_start3A_30 = tpu.memref_slice %arg8[%dma_start3A, %dma_start3A_29] : memref<40x64xi32, #tpu.memory_space<vmem>> -> memref<1x64xi32, #tpu.memory_space<vmem>>
        %dma_start3A_31 = tpu.memref_squeeze %dma_start3A_30 : memref<1x64xi32, #tpu.memory_space<vmem>> -> memref<64xi32, #tpu.memory_space<vmem>>
        %dma_start3A_32 = arith.constant 0 : i32
        %dma_start3A_33 = arith.constant 0 : i32
        %dma_start3A_34 = tpu.memref_slice %arg2[%dma_start3A_32, %dma_start3A_33] : memref<10240x128xf32, #tpu.memory_space<hbm>> -> memref<10240x128xf32, #tpu.memory_space<hbm>>
        tpu.enqueue_indirect_dma source(%dma_start3A_34 : memref<10240x128xf32, #tpu.memory_space<hbm>>) target(%arg10 : memref<64x128xf32, #tpu.memory_space<vmem>>) offsets(%dma_start3A_31 : memref<64xi32, #tpu.memory_space<vmem>>) semaphore(%arg15 : memref<!tpu.dma_semaphore, #tpu.memory_space<semaphore_mem>>)
        %dma_start3A_35 = arith.constant 1 : i32
        %dma_start3A_36 = arith.constant 0 : i32
        %dma_start3A_37 = tpu.memref_slice %arg8[%dma_start3A_35, %dma_start3A_36] : memref<40x64xi32, #tpu.memory_space<vmem>> -> memref<1x64xi32, #tpu.memory_space<vmem>>
        %dma_start3A_38 = tpu.memref_squeeze %dma_start3A_37 : memref<1x64xi32, #tpu.memory_space<vmem>> -> memref<64xi32, #tpu.memory_space<vmem>>
        %dma_start3A_39 = arith.constant 0 : i32
        %dma_start3A_40 = arith.constant 0 : i32
        %dma_start3A_41 = tpu.memref_slice %arg2[%dma_start3A_39, %dma_start3A_40] : memref<10240x128xf32, #tpu.memory_space<hbm>> -> memref<10240x128xf32, #tpu.memory_space<hbm>>
        tpu.enqueue_indirect_dma source(%dma_start3A_41 : memref<10240x128xf32, #tpu.memory_space<hbm>>) target(%arg11 : memref<64x128xf32, #tpu.memory_space<vmem>>) offsets(%dma_start3A_38 : memref<64xi32, #tpu.memory_space<vmem>>) semaphore(%arg16 : memref<!tpu.dma_semaphore, #tpu.memory_space<semaphore_mem>>)
        %dma_start3A_42 = arith.constant 2 : i32
        %dma_start3A_43 = arith.constant 0 : i32
        %dma_start3A_44 = tpu.memref_slice %arg8[%dma_start3A_42, %dma_start3A_43] : memref<40x64xi32, #tpu.memory_space<vmem>> -> memref<1x64xi32, #tpu.memory_space<vmem>>
        %dma_start3A_45 = tpu.memref_squeeze %dma_start3A_44 : memref<1x64xi32, #tpu.memory_space<vmem>> -> memref<64xi32, #tpu.memory_space<vmem>>
        %dma_start3A_46 = arith.constant 0 : i32
        %dma_start3A_47 = arith.constant 0 : i32
        %dma_start3A_48 = tpu.memref_slice %arg2[%dma_start3A_46, %dma_start3A_47] : memref<10240x128xf32, #tpu.memory_space<hbm>> -> memref<10240x128xf32, #tpu.memory_space<hbm>>
        tpu.enqueue_indirect_dma source(%dma_start3A_48 : memref<10240x128xf32, #tpu.memory_space<hbm>>) target(%arg12 : memref<64x128xf32, #tpu.memory_space<vmem>>) offsets(%dma_start3A_45 : memref<64xi32, #tpu.memory_space<vmem>>) semaphore(%arg17 : memref<!tpu.dma_semaphore, #tpu.memory_space<semaphore_mem>>)
        %scan3A_49 = arith.constant 0 : i32
        %scan3A_50 = arith.constant 10 : i32
        %scan3A_51 = arith.addi %scan3A_49, %scan3A_50 : i32
        %scan3A_52 = arith.constant 1 : i32
        scf.for %scan3A_59 = %scan3A_49 to %scan3A_51 step %scan3A_52  : i32 {
          %mul3A_60 = arith.constant 4 : i32
          %mul3A_61 = arith.muli %scan3A_59, %mul3A_60 : i32
          %add3A_62 = arith.constant 0 : i32
          %add3A_63 = arith.addi %add3A_62, %mul3A_61 : i32
          %add3A_64 = arith.constant 0 : i32
          %add3A_65 = arith.addi %add3A_63, %add3A_64 : i32
          %ge3A = arith.constant 1 : i32
          %ge3A_66 = arith.cmpi sge, %add3A_65, %ge3A : i32
          %convert_element_type3A_67 = arith.extui %ge3A_66 : i1 to i32
          %cond3A_68 = arith.constant 0 : i32
          %cond3A_69 = arith.cmpi ne, %convert_element_type3A_67, %cond3A_68 : i32
          scf.if %cond3A_69 {
            %dma_wait3A_166 = arith.constant 0 : i32
            %dma_wait3A_167 = arith.constant 0 : i32
            %dma_wait3A_168 = tpu.memref_slice %arg14[%dma_wait3A_166, %dma_wait3A_167] : memref<10240x128xf32, #tpu.memory_space<vmem_shared>> -> memref<64x128xf32, #tpu.memory_space<vmem_shared>>
            %dma_wait3A_169 = arith.constant 0 : i32
            %dma_wait3A_170 = arith.constant 0 : i32
            %dma_wait3A_171 = tpu.memref_slice %arg14[%dma_wait3A_169, %dma_wait3A_170] : memref<10240x128xf32, #tpu.memory_space<vmem_shared>> -> memref<64x128xf32, #tpu.memory_space<vmem_shared>>
            tpu.wait_dma2 semaphore(%arg22 : memref<!tpu.dma_semaphore, #tpu.memory_space<semaphore_mem>>) src(%arg13 : memref<64x128xf32, #tpu.memory_space<vmem>>) dst(%dma_wait3A_171 : memref<64x128xf32, #tpu.memory_space<vmem_shared>>)
          } else {
          }
          %add3A_70 = arith.constant 3 : i32
          %add3A_71 = arith.addi %add3A_65, %add3A_70 : i32
          %lt3A = arith.constant 40 : i32
          %lt3A_72 = arith.cmpi slt, %add3A_71, %lt3A : i32
          %convert_element_type3A_73 = arith.extui %lt3A_72 : i1 to i32
          %cond3A_74 = arith.constant 0 : i32
          %cond3A_75 = arith.cmpi ne, %convert_element_type3A_73, %cond3A_74 : i32
          scf.if %cond3A_75 {
            %add3A_166 = arith.constant 3 : i32
            %add3A_167 = arith.addi %add3A_65, %add3A_166 : i32
            %dma_start3A_168 = arith.constant 0 : i32
            %dma_start3A_169 = tpu.memref_slice %arg8[%add3A_167, %dma_start3A_168] : memref<40x64xi32, #tpu.memory_space<vmem>> -> memref<1x64xi32, #tpu.memory_space<vmem>>
            %dma_start3A_170 = tpu.memref_squeeze %dma_start3A_169 : memref<1x64xi32, #tpu.memory_space<vmem>> -> memref<64xi32, #tpu.memory_space<vmem>>
            %dma_start3A_171 = arith.constant 0 : i32
            %dma_start3A_172 = arith.constant 0 : i32
            %dma_start3A_173 = tpu.memref_slice %arg2[%dma_start3A_171, %dma_start3A_172] : memref<10240x128xf32, #tpu.memory_space<hbm>> -> memref<10240x128xf32, #tpu.memory_space<hbm>>
            tpu.enqueue_indirect_dma source(%dma_start3A_173 : memref<10240x128xf32, #tpu.memory_space<hbm>>) target(%arg13 : memref<64x128xf32, #tpu.memory_space<vmem>>) offsets(%dma_start3A_170 : memref<64xi32, #tpu.memory_space<vmem>>) semaphore(%arg18 : memref<!tpu.dma_semaphore, #tpu.memory_space<semaphore_mem>>)
          } else {
          }
          %dma_wait3A_76 = arith.constant 0 : i32
          %dma_wait3A_77 = arith.constant 0 : i32
          %dma_wait3A_78 = tpu.memref_slice %arg2[%dma_wait3A_76, %dma_wait3A_77] : memref<10240x128xf32, #tpu.memory_space<hbm>> -> memref<64x128xf32, #tpu.memory_space<hbm>>
          %dma_wait3A_79 = arith.constant 0 : i32
          %dma_wait3A_80 = arith.constant 0 : i32
          %dma_wait3A_81 = tpu.memref_slice %arg2[%dma_wait3A_79, %dma_wait3A_80] : memref<10240x128xf32, #tpu.memory_space<hbm>> -> memref<64x128xf32, #tpu.memory_space<hbm>>
          tpu.wait_dma2 semaphore(%arg15 : memref<!tpu.dma_semaphore, #tpu.memory_space<semaphore_mem>>) src(%dma_wait3A_81 : memref<64x128xf32, #tpu.memory_space<hbm>>) dst(%arg10 : memref<64x128xf32, #tpu.memory_space<vmem>>)
          %dma_start3A_82 = arith.constant 0 : i32
          %dma_start3A_83 = tpu.memref_slice %arg9[%add3A_65, %dma_start3A_82] : memref<40x64xi32, #tpu.memory_space<vmem>> -> memref<1x64xi32, #tpu.memory_space<vmem>>
          %dma_start3A_84 = tpu.memref_squeeze %dma_start3A_83 : memref<1x64xi32, #tpu.memory_space<vmem>> -> memref<64xi32, #tpu.memory_space<vmem>>
          %dma_start3A_85 = arith.constant 0 : i32
          %dma_start3A_86 = arith.constant 0 : i32
          %dma_start3A_87 = tpu.memref_slice %arg14[%dma_start3A_85, %dma_start3A_86] : memref<10240x128xf32, #tpu.memory_space<vmem_shared>> -> memref<10240x128xf32, #tpu.memory_space<vmem_shared>>
          tpu.enqueue_indirect_dma source(%arg10 : memref<64x128xf32, #tpu.memory_space<vmem>>) target(%dma_start3A_87 : memref<10240x128xf32, #tpu.memory_space<vmem_shared>>) offsets(%dma_start3A_84 : memref<64xi32, #tpu.memory_space<vmem>>) semaphore(%arg19 : memref<!tpu.dma_semaphore, #tpu.memory_space<semaphore_mem>>) {add = true}
          %add3A_88 = arith.constant 1 : i32
          %add3A_89 = arith.addi %add3A_63, %add3A_88 : i32
          %ge3A_90 = arith.constant 1 : i32
          %ge3A_91 = arith.cmpi sge, %add3A_89, %ge3A_90 : i32
          %convert_element_type3A_92 = arith.extui %ge3A_91 : i1 to i32
          %cond3A_93 = arith.constant 0 : i32
          %cond3A_94 = arith.cmpi ne, %convert_element_type3A_92, %cond3A_93 : i32
          scf.if %cond3A_94 {
            %dma_wait3A_166 = arith.constant 0 : i32
            %dma_wait3A_167 = arith.constant 0 : i32
            %dma_wait3A_168 = tpu.memref_slice %arg14[%dma_wait3A_166, %dma_wait3A_167] : memref<10240x128xf32, #tpu.memory_space<vmem_shared>> -> memref<64x128xf32, #tpu.memory_space<vmem_shared>>
            %dma_wait3A_169 = arith.constant 0 : i32
            %dma_wait3A_170 = arith.constant 0 : i32
            %dma_wait3A_171 = tpu.memref_slice %arg14[%dma_wait3A_169, %dma_wait3A_170] : memref<10240x128xf32, #tpu.memory_space<vmem_shared>> -> memref<64x128xf32, #tpu.memory_space<vmem_shared>>
            tpu.wait_dma2 semaphore(%arg19 : memref<!tpu.dma_semaphore, #tpu.memory_space<semaphore_mem>>) src(%arg10 : memref<64x128xf32, #tpu.memory_space<vmem>>) dst(%dma_wait3A_171 : memref<64x128xf32, #tpu.memory_space<vmem_shared>>)
          } else {
          }
          %add3A_95 = arith.constant 3 : i32
          %add3A_96 = arith.addi %add3A_89, %add3A_95 : i32
          %lt3A_97 = arith.constant 40 : i32
          %lt3A_98 = arith.cmpi slt, %add3A_96, %lt3A_97 : i32
          %convert_element_type3A_99 = arith.extui %lt3A_98 : i1 to i32
          %cond3A_100 = arith.constant 0 : i32
          %cond3A_101 = arith.cmpi ne, %convert_element_type3A_99, %cond3A_100 : i32
          scf.if %cond3A_101 {
            %add3A_166 = arith.constant 3 : i32
            %add3A_167 = arith.addi %add3A_89, %add3A_166 : i32
            %dma_start3A_168 = arith.constant 0 : i32
            %dma_start3A_169 = tpu.memref_slice %arg8[%add3A_167, %dma_start3A_168] : memref<40x64xi32, #tpu.memory_space<vmem>> -> memref<1x64xi32, #tpu.memory_space<vmem>>
            %dma_start3A_170 = tpu.memref_squeeze %dma_start3A_169 : memref<1x64xi32, #tpu.memory_space<vmem>> -> memref<64xi32, #tpu.memory_space<vmem>>
            %dma_start3A_171 = arith.constant 0 : i32
            %dma_start3A_172 = arith.constant 0 : i32
            %dma_start3A_173 = tpu.memref_slice %arg2[%dma_start3A_171, %dma_start3A_172] : memref<10240x128xf32, #tpu.memory_space<hbm>> -> memref<10240x128xf32, #tpu.memory_space<hbm>>
            tpu.enqueue_indirect_dma source(%dma_start3A_173 : memref<10240x128xf32, #tpu.memory_space<hbm>>) target(%arg10 : memref<64x128xf32, #tpu.memory_space<vmem>>) offsets(%dma_start3A_170 : memref<64xi32, #tpu.memory_space<vmem>>) semaphore(%arg15 : memref<!tpu.dma_semaphore, #tpu.memory_space<semaphore_mem>>)
          } else {
          }
          %dma_wait3A_102 = arith.constant 0 : i32
          %dma_wait3A_103 = arith.constant 0 : i32
          %dma_wait3A_104 = tpu.memref_slice %arg2[%dma_wait3A_102, %dma_wait3A_103] : memref<10240x128xf32, #tpu.memory_space<hbm>> -> memref<64x128xf32, #tpu.memory_space<hbm>>
          %dma_wait3A_105 = arith.constant 0 : i32
          %dma_wait3A_106 = arith.constant 0 : i32
          %dma_wait3A_107 = tpu.memref_slice %arg2[%dma_wait3A_105, %dma_wait3A_106] : memref<10240x128xf32, #tpu.memory_space<hbm>> -> memref<64x128xf32, #tpu.memory_space<hbm>>
          tpu.wait_dma2 semaphore(%arg16 : memref<!tpu.dma_semaphore, #tpu.memory_space<semaphore_mem>>) src(%dma_wait3A_107 : memref<64x128xf32, #tpu.memory_space<hbm>>) dst(%arg11 : memref<64x128xf32, #tpu.memory_space<vmem>>)
          %dma_start3A_108 = arith.constant 0 : i32
          %dma_start3A_109 = tpu.memref_slice %arg9[%add3A_89, %dma_start3A_108] : memref<40x64xi32, #tpu.memory_space<vmem>> -> memref<1x64xi32, #tpu.memory_space<vmem>>
          %dma_start3A_110 = tpu.memref_squeeze %dma_start3A_109 : memref<1x64xi32, #tpu.memory_space<vmem>> -> memref<64xi32, #tpu.memory_space<vmem>>
          %dma_start3A_111 = arith.constant 0 : i32
          %dma_start3A_112 = arith.constant 0 : i32
          %dma_start3A_113 = tpu.memref_slice %arg14[%dma_start3A_111, %dma_start3A_112] : memref<10240x128xf32, #tpu.memory_space<vmem_shared>> -> memref<10240x128xf32, #tpu.memory_space<vmem_shared>>
          tpu.enqueue_indirect_dma source(%arg11 : memref<64x128xf32, #tpu.memory_space<vmem>>) target(%dma_start3A_113 : memref<10240x128xf32, #tpu.memory_space<vmem_shared>>) offsets(%dma_start3A_110 : memref<64xi32, #tpu.memory_space<vmem>>) semaphore(%arg20 : memref<!tpu.dma_semaphore, #tpu.memory_space<semaphore_mem>>) {add = true}
          %add3A_114 = arith.constant 2 : i32
          %add3A_115 = arith.addi %add3A_63, %add3A_114 : i32
          %ge3A_116 = arith.constant 1 : i32
          %ge3A_117 = arith.cmpi sge, %add3A_115, %ge3A_116 : i32
          %convert_element_type3A_118 = arith.extui %ge3A_117 : i1 to i32
          %cond3A_119 = arith.constant 0 : i32
          %cond3A_120 = arith.cmpi ne, %convert_element_type3A_118, %cond3A_119 : i32
          scf.if %cond3A_120 {
            %dma_wait3A_166 = arith.constant 0 : i32
            %dma_wait3A_167 = arith.constant 0 : i32
            %dma_wait3A_168 = tpu.memref_slice %arg14[%dma_wait3A_166, %dma_wait3A_167] : memref<10240x128xf32, #tpu.memory_space<vmem_shared>> -> memref<64x128xf32, #tpu.memory_space<vmem_shared>>
            %dma_wait3A_169 = arith.constant 0 : i32
            %dma_wait3A_170 = arith.constant 0 : i32
            %dma_wait3A_171 = tpu.memref_slice %arg14[%dma_wait3A_169, %dma_wait3A_170] : memref<10240x128xf32, #tpu.memory_space<vmem_shared>> -> memref<64x128xf32, #tpu.memory_space<vmem_shared>>
            tpu.wait_dma2 semaphore(%arg20 : memref<!tpu.dma_semaphore, #tpu.memory_space<semaphore_mem>>) src(%arg11 : memref<64x128xf32, #tpu.memory_space<vmem>>) dst(%dma_wait3A_171 : memref<64x128xf32, #tpu.memory_space<vmem_shared>>)
          } else {
          }
          %add3A_121 = arith.constant 3 : i32
          %add3A_122 = arith.addi %add3A_115, %add3A_121 : i32
          %lt3A_123 = arith.constant 40 : i32
          %lt3A_124 = arith.cmpi slt, %add3A_122, %lt3A_123 : i32
          %convert_element_type3A_125 = arith.extui %lt3A_124 : i1 to i32
          %cond3A_126 = arith.constant 0 : i32
          %cond3A_127 = arith.cmpi ne, %convert_element_type3A_125, %cond3A_126 : i32
          scf.if %cond3A_127 {
            %add3A_166 = arith.constant 3 : i32
            %add3A_167 = arith.addi %add3A_115, %add3A_166 : i32
            %dma_start3A_168 = arith.constant 0 : i32
            %dma_start3A_169 = tpu.memref_slice %arg8[%add3A_167, %dma_start3A_168] : memref<40x64xi32, #tpu.memory_space<vmem>> -> memref<1x64xi32, #tpu.memory_space<vmem>>
            %dma_start3A_170 = tpu.memref_squeeze %dma_start3A_169 : memref<1x64xi32, #tpu.memory_space<vmem>> -> memref<64xi32, #tpu.memory_space<vmem>>
            %dma_start3A_171 = arith.constant 0 : i32
            %dma_start3A_172 = arith.constant 0 : i32
            %dma_start3A_173 = tpu.memref_slice %arg2[%dma_start3A_171, %dma_start3A_172] : memref<10240x128xf32, #tpu.memory_space<hbm>> -> memref<10240x128xf32, #tpu.memory_space<hbm>>
            tpu.enqueue_indirect_dma source(%dma_start3A_173 : memref<10240x128xf32, #tpu.memory_space<hbm>>) target(%arg11 : memref<64x128xf32, #tpu.memory_space<vmem>>) offsets(%dma_start3A_170 : memref<64xi32, #tpu.memory_space<vmem>>) semaphore(%arg16 : memref<!tpu.dma_semaphore, #tpu.memory_space<semaphore_mem>>)
          } else {
          }
          %dma_wait3A_128 = arith.constant 0 : i32
          %dma_wait3A_129 = arith.constant 0 : i32
          %dma_wait3A_130 = tpu.memref_slice %arg2[%dma_wait3A_128, %dma_wait3A_129] : memref<10240x128xf32, #tpu.memory_space<hbm>> -> memref<64x128xf32, #tpu.memory_space<hbm>>
          %dma_wait3A_131 = arith.constant 0 : i32
          %dma_wait3A_132 = arith.constant 0 : i32
          %dma_wait3A_133 = tpu.memref_slice %arg2[%dma_wait3A_131, %dma_wait3A_132] : memref<10240x128xf32, #tpu.memory_space<hbm>> -> memref<64x128xf32, #tpu.memory_space<hbm>>
          tpu.wait_dma2 semaphore(%arg17 : memref<!tpu.dma_semaphore, #tpu.memory_space<semaphore_mem>>) src(%dma_wait3A_133 : memref<64x128xf32, #tpu.memory_space<hbm>>) dst(%arg12 : memref<64x128xf32, #tpu.memory_space<vmem>>)
          %dma_start3A_134 = arith.constant 0 : i32
          %dma_start3A_135 = tpu.memref_slice %arg9[%add3A_115, %dma_start3A_134] : memref<40x64xi32, #tpu.memory_space<vmem>> -> memref<1x64xi32, #tpu.memory_space<vmem>>
          %dma_start3A_136 = tpu.memref_squeeze %dma_start3A_135 : memref<1x64xi32, #tpu.memory_space<vmem>> -> memref<64xi32, #tpu.memory_space<vmem>>
          %dma_start3A_137 = arith.constant 0 : i32
          %dma_start3A_138 = arith.constant 0 : i32
          %dma_start3A_139 = tpu.memref_slice %arg14[%dma_start3A_137, %dma_start3A_138] : memref<10240x128xf32, #tpu.memory_space<vmem_shared>> -> memref<10240x128xf32, #tpu.memory_space<vmem_shared>>
          tpu.enqueue_indirect_dma source(%arg12 : memref<64x128xf32, #tpu.memory_space<vmem>>) target(%dma_start3A_139 : memref<10240x128xf32, #tpu.memory_space<vmem_shared>>) offsets(%dma_start3A_136 : memref<64xi32, #tpu.memory_space<vmem>>) semaphore(%arg21 : memref<!tpu.dma_semaphore, #tpu.memory_space<semaphore_mem>>) {add = true}
          %add3A_140 = arith.constant 3 : i32
          %add3A_141 = arith.addi %add3A_63, %add3A_140 : i32
          %ge3A_142 = arith.constant 1 : i32
          %ge3A_143 = arith.cmpi sge, %add3A_141, %ge3A_142 : i32
          %convert_element_type3A_144 = arith.extui %ge3A_143 : i1 to i32
          %cond3A_145 = arith.constant 0 : i32
          %cond3A_146 = arith.cmpi ne, %convert_element_type3A_144, %cond3A_145 : i32
          scf.if %cond3A_146 {
            %dma_wait3A_166 = arith.constant 0 : i32
            %dma_wait3A_167 = arith.constant 0 : i32
            %dma_wait3A_168 = tpu.memref_slice %arg14[%dma_wait3A_166, %dma_wait3A_167] : memref<10240x128xf32, #tpu.memory_space<vmem_shared>> -> memref<64x128xf32, #tpu.memory_space<vmem_shared>>
            %dma_wait3A_169 = arith.constant 0 : i32
            %dma_wait3A_170 = arith.constant 0 : i32
            %dma_wait3A_171 = tpu.memref_slice %arg14[%dma_wait3A_169, %dma_wait3A_170] : memref<10240x128xf32, #tpu.memory_space<vmem_shared>> -> memref<64x128xf32, #tpu.memory_space<vmem_shared>>
            tpu.wait_dma2 semaphore(%arg21 : memref<!tpu.dma_semaphore, #tpu.memory_space<semaphore_mem>>) src(%arg12 : memref<64x128xf32, #tpu.memory_space<vmem>>) dst(%dma_wait3A_171 : memref<64x128xf32, #tpu.memory_space<vmem_shared>>)
          } else {
          }
          %add3A_147 = arith.constant 3 : i32
          %add3A_148 = arith.addi %add3A_141, %add3A_147 : i32
          %lt3A_149 = arith.constant 40 : i32
          %lt3A_150 = arith.cmpi slt, %add3A_148, %lt3A_149 : i32
          %convert_element_type3A_151 = arith.extui %lt3A_150 : i1 to i32
          %cond3A_152 = arith.constant 0 : i32
          %cond3A_153 = arith.cmpi ne, %convert_element_type3A_151, %cond3A_152 : i32
          scf.if %cond3A_153 {
            %add3A_166 = arith.constant 3 : i32
            %add3A_167 = arith.addi %add3A_141, %add3A_166 : i32
            %dma_start3A_168 = arith.constant 0 : i32
            %dma_start3A_169 = tpu.memref_slice %arg8[%add3A_167, %dma_start3A_168] : memref<40x64xi32, #tpu.memory_space<vmem>> -> memref<1x64xi32, #tpu.memory_space<vmem>>
            %dma_start3A_170 = tpu.memref_squeeze %dma_start3A_169 : memref<1x64xi32, #tpu.memory_space<vmem>> -> memref<64xi32, #tpu.memory_space<vmem>>
            %dma_start3A_171 = arith.constant 0 : i32
            %dma_start3A_172 = arith.constant 0 : i32
            %dma_start3A_173 = tpu.memref_slice %arg2[%dma_start3A_171, %dma_start3A_172] : memref<10240x128xf32, #tpu.memory_space<hbm>> -> memref<10240x128xf32, #tpu.memory_space<hbm>>
            tpu.enqueue_indirect_dma source(%dma_start3A_173 : memref<10240x128xf32, #tpu.memory_space<hbm>>) target(%arg12 : memref<64x128xf32, #tpu.memory_space<vmem>>) offsets(%dma_start3A_170 : memref<64xi32, #tpu.memory_space<vmem>>) semaphore(%arg17 : memref<!tpu.dma_semaphore, #tpu.memory_space<semaphore_mem>>)
          } else {
          }
          %dma_wait3A_154 = arith.constant 0 : i32
          %dma_wait3A_155 = arith.constant 0 : i32
          %dma_wait3A_156 = tpu.memref_slice %arg2[%dma_wait3A_154, %dma_wait3A_155] : memref<10240x128xf32, #tpu.memory_space<hbm>> -> memref<64x128xf32, #tpu.memory_space<hbm>>
          %dma_wait3A_157 = arith.constant 0 : i32
          %dma_wait3A_158 = arith.constant 0 : i32
          %dma_wait3A_159 = tpu.memref_slice %arg2[%dma_wait3A_157, %dma_wait3A_158] : memref<10240x128xf32, #tpu.memory_space<hbm>> -> memref<64x128xf32, #tpu.memory_space<hbm>>
          tpu.wait_dma2 semaphore(%arg18 : memref<!tpu.dma_semaphore, #tpu.memory_space<semaphore_mem>>) src(%dma_wait3A_159 : memref<64x128xf32, #tpu.memory_space<hbm>>) dst(%arg13 : memref<64x128xf32, #tpu.memory_space<vmem>>)
          %dma_start3A_160 = arith.constant 0 : i32
          %dma_start3A_161 = tpu.memref_slice %arg9[%add3A_141, %dma_start3A_160] : memref<40x64xi32, #tpu.memory_space<vmem>> -> memref<1x64xi32, #tpu.memory_space<vmem>>
          %dma_start3A_162 = tpu.memref_squeeze %dma_start3A_161 : memref<1x64xi32, #tpu.memory_space<vmem>> -> memref<64xi32, #tpu.memory_space<vmem>>
          %dma_start3A_163 = arith.constant 0 : i32
          %dma_start3A_164 = arith.constant 0 : i32
          %dma_start3A_165 = tpu.memref_slice %arg14[%dma_start3A_163, %dma_start3A_164] : memref<10240x128xf32, #tpu.memory_space<vmem_shared>> -> memref<10240x128xf32, #tpu.memory_space<vmem_shared>>
          tpu.enqueue_indirect_dma source(%arg13 : memref<64x128xf32, #tpu.memory_space<vmem>>) target(%dma_start3A_165 : memref<10240x128xf32, #tpu.memory_space<vmem_shared>>) offsets(%dma_start3A_162 : memref<64xi32, #tpu.memory_space<vmem>>) semaphore(%arg22 : memref<!tpu.dma_semaphore, #tpu.memory_space<semaphore_mem>>) {add = true}
        }
        %scan3A_53 = arith.constant 10 : i32
        %dma_wait3A = arith.constant 0 : i32
        %dma_wait3A_54 = arith.constant 0 : i32
        %dma_wait3A_55 = tpu.memref_slice %arg14[%dma_wait3A, %dma_wait3A_54] : memref<10240x128xf32, #tpu.memory_space<vmem_shared>> -> memref<64x128xf32, #tpu.memory_space<vmem_shared>>
        %dma_wait3A_56 = arith.constant 0 : i32
        %dma_wait3A_57 = arith.constant 0 : i32
        %dma_wait3A_58 = tpu.memref_slice %arg14[%dma_wait3A_56, %dma_wait3A_57] : memref<10240x128xf32, #tpu.memory_space<vmem_shared>> -> memref<64x128xf32, #tpu.memory_space<vmem_shared>>
        tpu.wait_dma2 semaphore(%arg22 : memref<!tpu.dma_semaphore, #tpu.memory_space<semaphore_mem>>) src(%arg13 : memref<64x128xf32, #tpu.memory_space<vmem>>) dst(%dma_wait3A_58 : memref<64x128xf32, #tpu.memory_space<vmem_shared>>)
      }
      %scan3A_13 = arith.constant 8 : i32
      %barrier3A_14 = arith.constant 0 : index
      tpu.barrier barrier_id(%barrier3A_14)
      %mul3A_15 = arith.constant 640 : i32
      %mul3A_16 = arith.muli %arg1, %mul3A_15 : i32
      %mul3A_17 = arith.constant 640 : i32
      %mul3A_18 = arith.muli %arg1, %mul3A_17 : i32
      "tpu.region"() ({
        %run_scoped3A = tpu.sem_alloc : memref<!tpu.dma_semaphore, #tpu.memory_space<semaphore_mem>>
        %dma_start3A = arith.constant 0 : i32
        %dma_start3A_20 = tpu.memref_slice %arg6[%mul3A_18, %dma_start3A] : memref<10240x128xf32, #tpu.memory_space<hbm>> -> memref<640x128xf32, #tpu.memory_space<hbm>>
        %dma_start3A_21 = arith.constant 0 : i32
        %dma_start3A_22 = tpu.memref_slice %arg14[%mul3A_16, %dma_start3A_21] : memref<10240x128xf32, #tpu.memory_space<vmem_shared>> -> memref<640x128xf32, #tpu.memory_space<vmem_shared>>
        tpu.enqueue_dma source(%dma_start3A_22 : memref<640x128xf32, #tpu.memory_space<vmem_shared>>) target(%dma_start3A_20 : memref<640x128xf32, #tpu.memory_space<hbm>>) target_semaphore(%run_scoped3A : memref<!tpu.dma_semaphore, #tpu.memory_space<semaphore_mem>>)
        %dma_wait3A = arith.constant 0 : i32
        %dma_wait3A_23 = tpu.memref_slice %arg6[%mul3A_18, %dma_wait3A] : memref<10240x128xf32, #tpu.memory_space<hbm>> -> memref<640x128xf32, #tpu.memory_space<hbm>>
        %dma_wait3A_24 = arith.constant 0 : i32
        %dma_wait3A_25 = tpu.memref_slice %arg14[%mul3A_16, %dma_wait3A_24] : memref<10240x128xf32, #tpu.memory_space<vmem_shared>> -> memref<640x128xf32, #tpu.memory_space<vmem_shared>>
        tpu.wait_dma2 semaphore(%run_scoped3A : memref<!tpu.dma_semaphore, #tpu.memory_space<semaphore_mem>>) src(%dma_wait3A_25 : memref<640x128xf32, #tpu.memory_space<vmem_shared>>) dst(%dma_wait3A_23 : memref<640x128xf32, #tpu.memory_space<hbm>>)
        tpu.yield
      }) : () -> ()
      %barrier3A_19 = arith.constant 0 : index
      tpu.barrier barrier_id(%barrier3A_19)
    } else {
    }
    %eq3A_2 = arith.constant 1 : i32
    %eq3A_3 = arith.cmpi eq, %arg0, %eq3A_2 : i32
    %convert_element_type3A_4 = arith.extui %eq3A_3 : i1 to i32
    %cond3A_5 = arith.constant 0 : i32
    %cond3A_6 = arith.cmpi ne, %convert_element_type3A_4, %cond3A_5 : i32
    scf.if %cond3A_6 {
      %mul3A = arith.constant 640 : i32
      %mul3A_7 = arith.muli %arg1, %mul3A : i32
      %mul3A_8 = arith.constant 640 : i32
      %mul3A_9 = arith.muli %arg1, %mul3A_8 : i32
      "tpu.region"() ({
        %run_scoped3A = tpu.sem_alloc : memref<!tpu.dma_semaphore, #tpu.memory_space<semaphore_mem>>
        %dma_start3A = arith.constant 0 : i32
        %dma_start3A_20 = tpu.memref_slice %arg14[%mul3A_9, %dma_start3A] : memref<10240x128xf32, #tpu.memory_space<vmem_shared>> -> memref<640x128xf32, #tpu.memory_space<vmem_shared>>
        %dma_start3A_21 = arith.constant 0 : i32
        %dma_start3A_22 = tpu.memref_slice %arg3[%mul3A_7, %dma_start3A_21] : memref<10240x128xf32, #tpu.memory_space<hbm>> -> memref<640x128xf32, #tpu.memory_space<hbm>>
        tpu.enqueue_dma source(%dma_start3A_22 : memref<640x128xf32, #tpu.memory_space<hbm>>) target(%dma_start3A_20 : memref<640x128xf32, #tpu.memory_space<vmem_shared>>) target_semaphore(%run_scoped3A : memref<!tpu.dma_semaphore, #tpu.memory_space<semaphore_mem>>)
        %dma_wait3A = arith.constant 0 : i32
        %dma_wait3A_23 = tpu.memref_slice %arg14[%mul3A_9, %dma_wait3A] : memref<10240x128xf32, #tpu.memory_space<vmem_shared>> -> memref<640x128xf32, #tpu.memory_space<vmem_shared>>
        %dma_wait3A_24 = arith.constant 0 : i32
        %dma_wait3A_25 = tpu.memref_slice %arg3[%mul3A_7, %dma_wait3A_24] : memref<10240x128xf32, #tpu.memory_space<hbm>> -> memref<640x128xf32, #tpu.memory_space<hbm>>
        tpu.wait_dma2 semaphore(%run_scoped3A : memref<!tpu.dma_semaphore, #tpu.memory_space<semaphore_mem>>) src(%dma_wait3A_25 : memref<640x128xf32, #tpu.memory_space<hbm>>) dst(%dma_wait3A_23 : memref<640x128xf32, #tpu.memory_space<vmem_shared>>)
        tpu.yield
      }) : () -> ()
      %barrier3A = arith.constant 0 : index
      tpu.barrier barrier_id(%barrier3A)
      %scan3A = arith.constant 0 : i32
      %scan3A_10 = arith.constant 8 : i32
      %scan3A_11 = arith.addi %scan3A, %scan3A_10 : i32
      %scan3A_12 = arith.constant 1 : i32
      scf.for %scan3A_20 = %scan3A to %scan3A_11 step %scan3A_12  : i32 {
        %mul3A_21 = arith.constant 1 : i32
        %mul3A_22 = arith.muli %scan3A_20, %mul3A_21 : i32
        %add3A = arith.constant 0 : i32
        %add3A_23 = arith.addi %add3A, %mul3A_22 : i32
        %mul3A_24 = arith.constant 320 : i32
        %mul3A_25 = arith.muli %arg1, %mul3A_24 : i32
        %mul3A_26 = arith.constant 40 : i32
        %mul3A_27 = arith.muli %add3A_23, %mul3A_26 : i32
        %add3A_28 = arith.addi %mul3A_25, %mul3A_27 : i32
        %multiple_of3A = tpu.assume_multiple %add3A_28, 8 : i32
        "tpu.region"() ({
          %run_scoped3A = tpu.sem_alloc : memref<!tpu.dma_semaphore, #tpu.memory_space<semaphore_mem>>
          %dma_start3A_59 = arith.constant 0 : i32
          %dma_start3A_60 = tpu.memref_slice %arg4[%multiple_of3A, %dma_start3A_59] : memref<5120x64xi32, #tpu.memory_space<hbm>> -> memref<40x64xi32, #tpu.memory_space<hbm>>
          %dma_start3A_61 = arith.constant 0 : i32
          %dma_start3A_62 = tpu.memref_slice %arg4[%multiple_of3A, %dma_start3A_61] : memref<5120x64xi32, #tpu.memory_space<hbm>> -> memref<40x64xi32, #tpu.memory_space<hbm>>
          tpu.enqueue_dma source(%dma_start3A_62 : memref<40x64xi32, #tpu.memory_space<hbm>>) target(%arg8 : memref<40x64xi32, #tpu.memory_space<vmem>>) target_semaphore(%run_scoped3A : memref<!tpu.dma_semaphore, #tpu.memory_space<semaphore_mem>>)
          %dma_wait3A_63 = arith.constant 0 : i32
          %dma_wait3A_64 = tpu.memref_slice %arg4[%multiple_of3A, %dma_wait3A_63] : memref<5120x64xi32, #tpu.memory_space<hbm>> -> memref<40x64xi32, #tpu.memory_space<hbm>>
          %dma_wait3A_65 = arith.constant 0 : i32
          %dma_wait3A_66 = tpu.memref_slice %arg4[%multiple_of3A, %dma_wait3A_65] : memref<5120x64xi32, #tpu.memory_space<hbm>> -> memref<40x64xi32, #tpu.memory_space<hbm>>
          tpu.wait_dma2 semaphore(%run_scoped3A : memref<!tpu.dma_semaphore, #tpu.memory_space<semaphore_mem>>) src(%dma_wait3A_66 : memref<40x64xi32, #tpu.memory_space<hbm>>) dst(%arg8 : memref<40x64xi32, #tpu.memory_space<vmem>>)
          tpu.yield
        }) : () -> ()
        "tpu.region"() ({
          %run_scoped3A = tpu.sem_alloc : memref<!tpu.dma_semaphore, #tpu.memory_space<semaphore_mem>>
          %dma_start3A_59 = arith.constant 0 : i32
          %dma_start3A_60 = tpu.memref_slice %arg5[%multiple_of3A, %dma_start3A_59] : memref<5120x64xi32, #tpu.memory_space<hbm>> -> memref<40x64xi32, #tpu.memory_space<hbm>>
          %dma_start3A_61 = arith.constant 0 : i32
          %dma_start3A_62 = tpu.memref_slice %arg5[%multiple_of3A, %dma_start3A_61] : memref<5120x64xi32, #tpu.memory_space<hbm>> -> memref<40x64xi32, #tpu.memory_space<hbm>>
          tpu.enqueue_dma source(%dma_start3A_62 : memref<40x64xi32, #tpu.memory_space<hbm>>) target(%arg9 : memref<40x64xi32, #tpu.memory_space<vmem>>) target_semaphore(%run_scoped3A : memref<!tpu.dma_semaphore, #tpu.memory_space<semaphore_mem>>)
          %dma_wait3A_63 = arith.constant 0 : i32
          %dma_wait3A_64 = tpu.memref_slice %arg5[%multiple_of3A, %dma_wait3A_63] : memref<5120x64xi32, #tpu.memory_space<hbm>> -> memref<40x64xi32, #tpu.memory_space<hbm>>
          %dma_wait3A_65 = arith.constant 0 : i32
          %dma_wait3A_66 = tpu.memref_slice %arg5[%multiple_of3A, %dma_wait3A_65] : memref<5120x64xi32, #tpu.memory_space<hbm>> -> memref<40x64xi32, #tpu.memory_space<hbm>>
          tpu.wait_dma2 semaphore(%run_scoped3A : memref<!tpu.dma_semaphore, #tpu.memory_space<semaphore_mem>>) src(%dma_wait3A_66 : memref<40x64xi32, #tpu.memory_space<hbm>>) dst(%arg9 : memref<40x64xi32, #tpu.memory_space<vmem>>)
          tpu.yield
        }) : () -> ()
        %dma_start3A = arith.constant 0 : i32
        %dma_start3A_29 = arith.constant 0 : i32
        %dma_start3A_30 = tpu.memref_slice %arg8[%dma_start3A, %dma_start3A_29] : memref<40x64xi32, #tpu.memory_space<vmem>> -> memref<1x64xi32, #tpu.memory_space<vmem>>
        %dma_start3A_31 = tpu.memref_squeeze %dma_start3A_30 : memref<1x64xi32, #tpu.memory_space<vmem>> -> memref<64xi32, #tpu.memory_space<vmem>>
        %dma_start3A_32 = arith.constant 0 : i32
        %dma_start3A_33 = arith.constant 0 : i32
        %dma_start3A_34 = tpu.memref_slice %arg3[%dma_start3A_32, %dma_start3A_33] : memref<10240x128xf32, #tpu.memory_space<hbm>> -> memref<10240x128xf32, #tpu.memory_space<hbm>>
        tpu.enqueue_indirect_dma source(%dma_start3A_34 : memref<10240x128xf32, #tpu.memory_space<hbm>>) target(%arg10 : memref<64x128xf32, #tpu.memory_space<vmem>>) offsets(%dma_start3A_31 : memref<64xi32, #tpu.memory_space<vmem>>) semaphore(%arg15 : memref<!tpu.dma_semaphore, #tpu.memory_space<semaphore_mem>>)
        %dma_start3A_35 = arith.constant 1 : i32
        %dma_start3A_36 = arith.constant 0 : i32
        %dma_start3A_37 = tpu.memref_slice %arg8[%dma_start3A_35, %dma_start3A_36] : memref<40x64xi32, #tpu.memory_space<vmem>> -> memref<1x64xi32, #tpu.memory_space<vmem>>
        %dma_start3A_38 = tpu.memref_squeeze %dma_start3A_37 : memref<1x64xi32, #tpu.memory_space<vmem>> -> memref<64xi32, #tpu.memory_space<vmem>>
        %dma_start3A_39 = arith.constant 0 : i32
        %dma_start3A_40 = arith.constant 0 : i32
        %dma_start3A_41 = tpu.memref_slice %arg3[%dma_start3A_39, %dma_start3A_40] : memref<10240x128xf32, #tpu.memory_space<hbm>> -> memref<10240x128xf32, #tpu.memory_space<hbm>>
        tpu.enqueue_indirect_dma source(%dma_start3A_41 : memref<10240x128xf32, #tpu.memory_space<hbm>>) target(%arg11 : memref<64x128xf32, #tpu.memory_space<vmem>>) offsets(%dma_start3A_38 : memref<64xi32, #tpu.memory_space<vmem>>) semaphore(%arg16 : memref<!tpu.dma_semaphore, #tpu.memory_space<semaphore_mem>>)
        %dma_start3A_42 = arith.constant 2 : i32
        %dma_start3A_43 = arith.constant 0 : i32
        %dma_start3A_44 = tpu.memref_slice %arg8[%dma_start3A_42, %dma_start3A_43] : memref<40x64xi32, #tpu.memory_space<vmem>> -> memref<1x64xi32, #tpu.memory_space<vmem>>
        %dma_start3A_45 = tpu.memref_squeeze %dma_start3A_44 : memref<1x64xi32, #tpu.memory_space<vmem>> -> memref<64xi32, #tpu.memory_space<vmem>>
        %dma_start3A_46 = arith.constant 0 : i32
        %dma_start3A_47 = arith.constant 0 : i32
        %dma_start3A_48 = tpu.memref_slice %arg3[%dma_start3A_46, %dma_start3A_47] : memref<10240x128xf32, #tpu.memory_space<hbm>> -> memref<10240x128xf32, #tpu.memory_space<hbm>>
        tpu.enqueue_indirect_dma source(%dma_start3A_48 : memref<10240x128xf32, #tpu.memory_space<hbm>>) target(%arg12 : memref<64x128xf32, #tpu.memory_space<vmem>>) offsets(%dma_start3A_45 : memref<64xi32, #tpu.memory_space<vmem>>) semaphore(%arg17 : memref<!tpu.dma_semaphore, #tpu.memory_space<semaphore_mem>>)
        %scan3A_49 = arith.constant 0 : i32
        %scan3A_50 = arith.constant 10 : i32
        %scan3A_51 = arith.addi %scan3A_49, %scan3A_50 : i32
        %scan3A_52 = arith.constant 1 : i32
        scf.for %scan3A_59 = %scan3A_49 to %scan3A_51 step %scan3A_52  : i32 {
          %mul3A_60 = arith.constant 4 : i32
          %mul3A_61 = arith.muli %scan3A_59, %mul3A_60 : i32
          %add3A_62 = arith.constant 0 : i32
          %add3A_63 = arith.addi %add3A_62, %mul3A_61 : i32
          %add3A_64 = arith.constant 0 : i32
          %add3A_65 = arith.addi %add3A_63, %add3A_64 : i32
          %ge3A = arith.constant 1 : i32
          %ge3A_66 = arith.cmpi sge, %add3A_65, %ge3A : i32
          %convert_element_type3A_67 = arith.extui %ge3A_66 : i1 to i32
          %cond3A_68 = arith.constant 0 : i32
          %cond3A_69 = arith.cmpi ne, %convert_element_type3A_67, %cond3A_68 : i32
          scf.if %cond3A_69 {
            %dma_wait3A_166 = arith.constant 0 : i32
            %dma_wait3A_167 = arith.constant 0 : i32
            %dma_wait3A_168 = tpu.memref_slice %arg14[%dma_wait3A_166, %dma_wait3A_167] : memref<10240x128xf32, #tpu.memory_space<vmem_shared>> -> memref<64x128xf32, #tpu.memory_space<vmem_shared>>
            %dma_wait3A_169 = arith.constant 0 : i32
            %dma_wait3A_170 = arith.constant 0 : i32
            %dma_wait3A_171 = tpu.memref_slice %arg14[%dma_wait3A_169, %dma_wait3A_170] : memref<10240x128xf32, #tpu.memory_space<vmem_shared>> -> memref<64x128xf32, #tpu.memory_space<vmem_shared>>
            tpu.wait_dma2 semaphore(%arg22 : memref<!tpu.dma_semaphore, #tpu.memory_space<semaphore_mem>>) src(%arg13 : memref<64x128xf32, #tpu.memory_space<vmem>>) dst(%dma_wait3A_171 : memref<64x128xf32, #tpu.memory_space<vmem_shared>>)
          } else {
          }
          %add3A_70 = arith.constant 3 : i32
          %add3A_71 = arith.addi %add3A_65, %add3A_70 : i32
          %lt3A = arith.constant 40 : i32
          %lt3A_72 = arith.cmpi slt, %add3A_71, %lt3A : i32
          %convert_element_type3A_73 = arith.extui %lt3A_72 : i1 to i32
          %cond3A_74 = arith.constant 0 : i32
          %cond3A_75 = arith.cmpi ne, %convert_element_type3A_73, %cond3A_74 : i32
          scf.if %cond3A_75 {
            %add3A_166 = arith.constant 3 : i32
            %add3A_167 = arith.addi %add3A_65, %add3A_166 : i32
            %dma_start3A_168 = arith.constant 0 : i32
            %dma_start3A_169 = tpu.memref_slice %arg8[%add3A_167, %dma_start3A_168] : memref<40x64xi32, #tpu.memory_space<vmem>> -> memref<1x64xi32, #tpu.memory_space<vmem>>
            %dma_start3A_170 = tpu.memref_squeeze %dma_start3A_169 : memref<1x64xi32, #tpu.memory_space<vmem>> -> memref<64xi32, #tpu.memory_space<vmem>>
            %dma_start3A_171 = arith.constant 0 : i32
            %dma_start3A_172 = arith.constant 0 : i32
            %dma_start3A_173 = tpu.memref_slice %arg3[%dma_start3A_171, %dma_start3A_172] : memref<10240x128xf32, #tpu.memory_space<hbm>> -> memref<10240x128xf32, #tpu.memory_space<hbm>>
            tpu.enqueue_indirect_dma source(%dma_start3A_173 : memref<10240x128xf32, #tpu.memory_space<hbm>>) target(%arg13 : memref<64x128xf32, #tpu.memory_space<vmem>>) offsets(%dma_start3A_170 : memref<64xi32, #tpu.memory_space<vmem>>) semaphore(%arg18 : memref<!tpu.dma_semaphore, #tpu.memory_space<semaphore_mem>>)
          } else {
          }
          %dma_wait3A_76 = arith.constant 0 : i32
          %dma_wait3A_77 = arith.constant 0 : i32
          %dma_wait3A_78 = tpu.memref_slice %arg3[%dma_wait3A_76, %dma_wait3A_77] : memref<10240x128xf32, #tpu.memory_space<hbm>> -> memref<64x128xf32, #tpu.memory_space<hbm>>
          %dma_wait3A_79 = arith.constant 0 : i32
          %dma_wait3A_80 = arith.constant 0 : i32
          %dma_wait3A_81 = tpu.memref_slice %arg3[%dma_wait3A_79, %dma_wait3A_80] : memref<10240x128xf32, #tpu.memory_space<hbm>> -> memref<64x128xf32, #tpu.memory_space<hbm>>
          tpu.wait_dma2 semaphore(%arg15 : memref<!tpu.dma_semaphore, #tpu.memory_space<semaphore_mem>>) src(%dma_wait3A_81 : memref<64x128xf32, #tpu.memory_space<hbm>>) dst(%arg10 : memref<64x128xf32, #tpu.memory_space<vmem>>)
          %dma_start3A_82 = arith.constant 0 : i32
          %dma_start3A_83 = tpu.memref_slice %arg9[%add3A_65, %dma_start3A_82] : memref<40x64xi32, #tpu.memory_space<vmem>> -> memref<1x64xi32, #tpu.memory_space<vmem>>
          %dma_start3A_84 = tpu.memref_squeeze %dma_start3A_83 : memref<1x64xi32, #tpu.memory_space<vmem>> -> memref<64xi32, #tpu.memory_space<vmem>>
          %dma_start3A_85 = arith.constant 0 : i32
          %dma_start3A_86 = arith.constant 0 : i32
          %dma_start3A_87 = tpu.memref_slice %arg14[%dma_start3A_85, %dma_start3A_86] : memref<10240x128xf32, #tpu.memory_space<vmem_shared>> -> memref<10240x128xf32, #tpu.memory_space<vmem_shared>>
          tpu.enqueue_indirect_dma source(%arg10 : memref<64x128xf32, #tpu.memory_space<vmem>>) target(%dma_start3A_87 : memref<10240x128xf32, #tpu.memory_space<vmem_shared>>) offsets(%dma_start3A_84 : memref<64xi32, #tpu.memory_space<vmem>>) semaphore(%arg19 : memref<!tpu.dma_semaphore, #tpu.memory_space<semaphore_mem>>) {add = true}
          %add3A_88 = arith.constant 1 : i32
          %add3A_89 = arith.addi %add3A_63, %add3A_88 : i32
          %ge3A_90 = arith.constant 1 : i32
          %ge3A_91 = arith.cmpi sge, %add3A_89, %ge3A_90 : i32
          %convert_element_type3A_92 = arith.extui %ge3A_91 : i1 to i32
          %cond3A_93 = arith.constant 0 : i32
          %cond3A_94 = arith.cmpi ne, %convert_element_type3A_92, %cond3A_93 : i32
          scf.if %cond3A_94 {
            %dma_wait3A_166 = arith.constant 0 : i32
            %dma_wait3A_167 = arith.constant 0 : i32
            %dma_wait3A_168 = tpu.memref_slice %arg14[%dma_wait3A_166, %dma_wait3A_167] : memref<10240x128xf32, #tpu.memory_space<vmem_shared>> -> memref<64x128xf32, #tpu.memory_space<vmem_shared>>
            %dma_wait3A_169 = arith.constant 0 : i32
            %dma_wait3A_170 = arith.constant 0 : i32
            %dma_wait3A_171 = tpu.memref_slice %arg14[%dma_wait3A_169, %dma_wait3A_170] : memref<10240x128xf32, #tpu.memory_space<vmem_shared>> -> memref<64x128xf32, #tpu.memory_space<vmem_shared>>
            tpu.wait_dma2 semaphore(%arg19 : memref<!tpu.dma_semaphore, #tpu.memory_space<semaphore_mem>>) src(%arg10 : memref<64x128xf32, #tpu.memory_space<vmem>>) dst(%dma_wait3A_171 : memref<64x128xf32, #tpu.memory_space<vmem_shared>>)
          } else {
          }
          %add3A_95 = arith.constant 3 : i32
          %add3A_96 = arith.addi %add3A_89, %add3A_95 : i32
          %lt3A_97 = arith.constant 40 : i32
          %lt3A_98 = arith.cmpi slt, %add3A_96, %lt3A_97 : i32
          %convert_element_type3A_99 = arith.extui %lt3A_98 : i1 to i32
          %cond3A_100 = arith.constant 0 : i32
          %cond3A_101 = arith.cmpi ne, %convert_element_type3A_99, %cond3A_100 : i32
          scf.if %cond3A_101 {
            %add3A_166 = arith.constant 3 : i32
            %add3A_167 = arith.addi %add3A_89, %add3A_166 : i32
            %dma_start3A_168 = arith.constant 0 : i32
            %dma_start3A_169 = tpu.memref_slice %arg8[%add3A_167, %dma_start3A_168] : memref<40x64xi32, #tpu.memory_space<vmem>> -> memref<1x64xi32, #tpu.memory_space<vmem>>
            %dma_start3A_170 = tpu.memref_squeeze %dma_start3A_169 : memref<1x64xi32, #tpu.memory_space<vmem>> -> memref<64xi32, #tpu.memory_space<vmem>>
            %dma_start3A_171 = arith.constant 0 : i32
            %dma_start3A_172 = arith.constant 0 : i32
            %dma_start3A_173 = tpu.memref_slice %arg3[%dma_start3A_171, %dma_start3A_172] : memref<10240x128xf32, #tpu.memory_space<hbm>> -> memref<10240x128xf32, #tpu.memory_space<hbm>>
            tpu.enqueue_indirect_dma source(%dma_start3A_173 : memref<10240x128xf32, #tpu.memory_space<hbm>>) target(%arg10 : memref<64x128xf32, #tpu.memory_space<vmem>>) offsets(%dma_start3A_170 : memref<64xi32, #tpu.memory_space<vmem>>) semaphore(%arg15 : memref<!tpu.dma_semaphore, #tpu.memory_space<semaphore_mem>>)
          } else {
          }
          %dma_wait3A_102 = arith.constant 0 : i32
          %dma_wait3A_103 = arith.constant 0 : i32
          %dma_wait3A_104 = tpu.memref_slice %arg3[%dma_wait3A_102, %dma_wait3A_103] : memref<10240x128xf32, #tpu.memory_space<hbm>> -> memref<64x128xf32, #tpu.memory_space<hbm>>
          %dma_wait3A_105 = arith.constant 0 : i32
          %dma_wait3A_106 = arith.constant 0 : i32
          %dma_wait3A_107 = tpu.memref_slice %arg3[%dma_wait3A_105, %dma_wait3A_106] : memref<10240x128xf32, #tpu.memory_space<hbm>> -> memref<64x128xf32, #tpu.memory_space<hbm>>
          tpu.wait_dma2 semaphore(%arg16 : memref<!tpu.dma_semaphore, #tpu.memory_space<semaphore_mem>>) src(%dma_wait3A_107 : memref<64x128xf32, #tpu.memory_space<hbm>>) dst(%arg11 : memref<64x128xf32, #tpu.memory_space<vmem>>)
          %dma_start3A_108 = arith.constant 0 : i32
          %dma_start3A_109 = tpu.memref_slice %arg9[%add3A_89, %dma_start3A_108] : memref<40x64xi32, #tpu.memory_space<vmem>> -> memref<1x64xi32, #tpu.memory_space<vmem>>
          %dma_start3A_110 = tpu.memref_squeeze %dma_start3A_109 : memref<1x64xi32, #tpu.memory_space<vmem>> -> memref<64xi32, #tpu.memory_space<vmem>>
          %dma_start3A_111 = arith.constant 0 : i32
          %dma_start3A_112 = arith.constant 0 : i32
          %dma_start3A_113 = tpu.memref_slice %arg14[%dma_start3A_111, %dma_start3A_112] : memref<10240x128xf32, #tpu.memory_space<vmem_shared>> -> memref<10240x128xf32, #tpu.memory_space<vmem_shared>>
          tpu.enqueue_indirect_dma source(%arg11 : memref<64x128xf32, #tpu.memory_space<vmem>>) target(%dma_start3A_113 : memref<10240x128xf32, #tpu.memory_space<vmem_shared>>) offsets(%dma_start3A_110 : memref<64xi32, #tpu.memory_space<vmem>>) semaphore(%arg20 : memref<!tpu.dma_semaphore, #tpu.memory_space<semaphore_mem>>) {add = true}
          %add3A_114 = arith.constant 2 : i32
          %add3A_115 = arith.addi %add3A_63, %add3A_114 : i32
          %ge3A_116 = arith.constant 1 : i32
          %ge3A_117 = arith.cmpi sge, %add3A_115, %ge3A_116 : i32
          %convert_element_type3A_118 = arith.extui %ge3A_117 : i1 to i32
          %cond3A_119 = arith.constant 0 : i32
          %cond3A_120 = arith.cmpi ne, %convert_element_type3A_118, %cond3A_119 : i32
          scf.if %cond3A_120 {
            %dma_wait3A_166 = arith.constant 0 : i32
            %dma_wait3A_167 = arith.constant 0 : i32
            %dma_wait3A_168 = tpu.memref_slice %arg14[%dma_wait3A_166, %dma_wait3A_167] : memref<10240x128xf32, #tpu.memory_space<vmem_shared>> -> memref<64x128xf32, #tpu.memory_space<vmem_shared>>
            %dma_wait3A_169 = arith.constant 0 : i32
            %dma_wait3A_170 = arith.constant 0 : i32
            %dma_wait3A_171 = tpu.memref_slice %arg14[%dma_wait3A_169, %dma_wait3A_170] : memref<10240x128xf32, #tpu.memory_space<vmem_shared>> -> memref<64x128xf32, #tpu.memory_space<vmem_shared>>
            tpu.wait_dma2 semaphore(%arg20 : memref<!tpu.dma_semaphore, #tpu.memory_space<semaphore_mem>>) src(%arg11 : memref<64x128xf32, #tpu.memory_space<vmem>>) dst(%dma_wait3A_171 : memref<64x128xf32, #tpu.memory_space<vmem_shared>>)
          } else {
          }
          %add3A_121 = arith.constant 3 : i32
          %add3A_122 = arith.addi %add3A_115, %add3A_121 : i32
          %lt3A_123 = arith.constant 40 : i32
          %lt3A_124 = arith.cmpi slt, %add3A_122, %lt3A_123 : i32
          %convert_element_type3A_125 = arith.extui %lt3A_124 : i1 to i32
          %cond3A_126 = arith.constant 0 : i32
          %cond3A_127 = arith.cmpi ne, %convert_element_type3A_125, %cond3A_126 : i32
          scf.if %cond3A_127 {
            %add3A_166 = arith.constant 3 : i32
            %add3A_167 = arith.addi %add3A_115, %add3A_166 : i32
            %dma_start3A_168 = arith.constant 0 : i32
            %dma_start3A_169 = tpu.memref_slice %arg8[%add3A_167, %dma_start3A_168] : memref<40x64xi32, #tpu.memory_space<vmem>> -> memref<1x64xi32, #tpu.memory_space<vmem>>
            %dma_start3A_170 = tpu.memref_squeeze %dma_start3A_169 : memref<1x64xi32, #tpu.memory_space<vmem>> -> memref<64xi32, #tpu.memory_space<vmem>>
            %dma_start3A_171 = arith.constant 0 : i32
            %dma_start3A_172 = arith.constant 0 : i32
            %dma_start3A_173 = tpu.memref_slice %arg3[%dma_start3A_171, %dma_start3A_172] : memref<10240x128xf32, #tpu.memory_space<hbm>> -> memref<10240x128xf32, #tpu.memory_space<hbm>>
            tpu.enqueue_indirect_dma source(%dma_start3A_173 : memref<10240x128xf32, #tpu.memory_space<hbm>>) target(%arg11 : memref<64x128xf32, #tpu.memory_space<vmem>>) offsets(%dma_start3A_170 : memref<64xi32, #tpu.memory_space<vmem>>) semaphore(%arg16 : memref<!tpu.dma_semaphore, #tpu.memory_space<semaphore_mem>>)
          } else {
          }
          %dma_wait3A_128 = arith.constant 0 : i32
          %dma_wait3A_129 = arith.constant 0 : i32
          %dma_wait3A_130 = tpu.memref_slice %arg3[%dma_wait3A_128, %dma_wait3A_129] : memref<10240x128xf32, #tpu.memory_space<hbm>> -> memref<64x128xf32, #tpu.memory_space<hbm>>
          %dma_wait3A_131 = arith.constant 0 : i32
          %dma_wait3A_132 = arith.constant 0 : i32
          %dma_wait3A_133 = tpu.memref_slice %arg3[%dma_wait3A_131, %dma_wait3A_132] : memref<10240x128xf32, #tpu.memory_space<hbm>> -> memref<64x128xf32, #tpu.memory_space<hbm>>
          tpu.wait_dma2 semaphore(%arg17 : memref<!tpu.dma_semaphore, #tpu.memory_space<semaphore_mem>>) src(%dma_wait3A_133 : memref<64x128xf32, #tpu.memory_space<hbm>>) dst(%arg12 : memref<64x128xf32, #tpu.memory_space<vmem>>)
          %dma_start3A_134 = arith.constant 0 : i32
          %dma_start3A_135 = tpu.memref_slice %arg9[%add3A_115, %dma_start3A_134] : memref<40x64xi32, #tpu.memory_space<vmem>> -> memref<1x64xi32, #tpu.memory_space<vmem>>
          %dma_start3A_136 = tpu.memref_squeeze %dma_start3A_135 : memref<1x64xi32, #tpu.memory_space<vmem>> -> memref<64xi32, #tpu.memory_space<vmem>>
          %dma_start3A_137 = arith.constant 0 : i32
          %dma_start3A_138 = arith.constant 0 : i32
          %dma_start3A_139 = tpu.memref_slice %arg14[%dma_start3A_137, %dma_start3A_138] : memref<10240x128xf32, #tpu.memory_space<vmem_shared>> -> memref<10240x128xf32, #tpu.memory_space<vmem_shared>>
          tpu.enqueue_indirect_dma source(%arg12 : memref<64x128xf32, #tpu.memory_space<vmem>>) target(%dma_start3A_139 : memref<10240x128xf32, #tpu.memory_space<vmem_shared>>) offsets(%dma_start3A_136 : memref<64xi32, #tpu.memory_space<vmem>>) semaphore(%arg21 : memref<!tpu.dma_semaphore, #tpu.memory_space<semaphore_mem>>) {add = true}
          %add3A_140 = arith.constant 3 : i32
          %add3A_141 = arith.addi %add3A_63, %add3A_140 : i32
          %ge3A_142 = arith.constant 1 : i32
          %ge3A_143 = arith.cmpi sge, %add3A_141, %ge3A_142 : i32
          %convert_element_type3A_144 = arith.extui %ge3A_143 : i1 to i32
          %cond3A_145 = arith.constant 0 : i32
          %cond3A_146 = arith.cmpi ne, %convert_element_type3A_144, %cond3A_145 : i32
          scf.if %cond3A_146 {
            %dma_wait3A_166 = arith.constant 0 : i32
            %dma_wait3A_167 = arith.constant 0 : i32
            %dma_wait3A_168 = tpu.memref_slice %arg14[%dma_wait3A_166, %dma_wait3A_167] : memref<10240x128xf32, #tpu.memory_space<vmem_shared>> -> memref<64x128xf32, #tpu.memory_space<vmem_shared>>
            %dma_wait3A_169 = arith.constant 0 : i32
            %dma_wait3A_170 = arith.constant 0 : i32
            %dma_wait3A_171 = tpu.memref_slice %arg14[%dma_wait3A_169, %dma_wait3A_170] : memref<10240x128xf32, #tpu.memory_space<vmem_shared>> -> memref<64x128xf32, #tpu.memory_space<vmem_shared>>
            tpu.wait_dma2 semaphore(%arg21 : memref<!tpu.dma_semaphore, #tpu.memory_space<semaphore_mem>>) src(%arg12 : memref<64x128xf32, #tpu.memory_space<vmem>>) dst(%dma_wait3A_171 : memref<64x128xf32, #tpu.memory_space<vmem_shared>>)
          } else {
          }
          %add3A_147 = arith.constant 3 : i32
          %add3A_148 = arith.addi %add3A_141, %add3A_147 : i32
          %lt3A_149 = arith.constant 40 : i32
          %lt3A_150 = arith.cmpi slt, %add3A_148, %lt3A_149 : i32
          %convert_element_type3A_151 = arith.extui %lt3A_150 : i1 to i32
          %cond3A_152 = arith.constant 0 : i32
          %cond3A_153 = arith.cmpi ne, %convert_element_type3A_151, %cond3A_152 : i32
          scf.if %cond3A_153 {
            %add3A_166 = arith.constant 3 : i32
            %add3A_167 = arith.addi %add3A_141, %add3A_166 : i32
            %dma_start3A_168 = arith.constant 0 : i32
            %dma_start3A_169 = tpu.memref_slice %arg8[%add3A_167, %dma_start3A_168] : memref<40x64xi32, #tpu.memory_space<vmem>> -> memref<1x64xi32, #tpu.memory_space<vmem>>
            %dma_start3A_170 = tpu.memref_squeeze %dma_start3A_169 : memref<1x64xi32, #tpu.memory_space<vmem>> -> memref<64xi32, #tpu.memory_space<vmem>>
            %dma_start3A_171 = arith.constant 0 : i32
            %dma_start3A_172 = arith.constant 0 : i32
            %dma_start3A_173 = tpu.memref_slice %arg3[%dma_start3A_171, %dma_start3A_172] : memref<10240x128xf32, #tpu.memory_space<hbm>> -> memref<10240x128xf32, #tpu.memory_space<hbm>>
            tpu.enqueue_indirect_dma source(%dma_start3A_173 : memref<10240x128xf32, #tpu.memory_space<hbm>>) target(%arg12 : memref<64x128xf32, #tpu.memory_space<vmem>>) offsets(%dma_start3A_170 : memref<64xi32, #tpu.memory_space<vmem>>) semaphore(%arg17 : memref<!tpu.dma_semaphore, #tpu.memory_space<semaphore_mem>>)
          } else {
          }
          %dma_wait3A_154 = arith.constant 0 : i32
          %dma_wait3A_155 = arith.constant 0 : i32
          %dma_wait3A_156 = tpu.memref_slice %arg3[%dma_wait3A_154, %dma_wait3A_155] : memref<10240x128xf32, #tpu.memory_space<hbm>> -> memref<64x128xf32, #tpu.memory_space<hbm>>
          %dma_wait3A_157 = arith.constant 0 : i32
          %dma_wait3A_158 = arith.constant 0 : i32
          %dma_wait3A_159 = tpu.memref_slice %arg3[%dma_wait3A_157, %dma_wait3A_158] : memref<10240x128xf32, #tpu.memory_space<hbm>> -> memref<64x128xf32, #tpu.memory_space<hbm>>
          tpu.wait_dma2 semaphore(%arg18 : memref<!tpu.dma_semaphore, #tpu.memory_space<semaphore_mem>>) src(%dma_wait3A_159 : memref<64x128xf32, #tpu.memory_space<hbm>>) dst(%arg13 : memref<64x128xf32, #tpu.memory_space<vmem>>)
          %dma_start3A_160 = arith.constant 0 : i32
          %dma_start3A_161 = tpu.memref_slice %arg9[%add3A_141, %dma_start3A_160] : memref<40x64xi32, #tpu.memory_space<vmem>> -> memref<1x64xi32, #tpu.memory_space<vmem>>
          %dma_start3A_162 = tpu.memref_squeeze %dma_start3A_161 : memref<1x64xi32, #tpu.memory_space<vmem>> -> memref<64xi32, #tpu.memory_space<vmem>>
          %dma_start3A_163 = arith.constant 0 : i32
          %dma_start3A_164 = arith.constant 0 : i32
          %dma_start3A_165 = tpu.memref_slice %arg14[%dma_start3A_163, %dma_start3A_164] : memref<10240x128xf32, #tpu.memory_space<vmem_shared>> -> memref<10240x128xf32, #tpu.memory_space<vmem_shared>>
          tpu.enqueue_indirect_dma source(%arg13 : memref<64x128xf32, #tpu.memory_space<vmem>>) target(%dma_start3A_165 : memref<10240x128xf32, #tpu.memory_space<vmem_shared>>) offsets(%dma_start3A_162 : memref<64xi32, #tpu.memory_space<vmem>>) semaphore(%arg22 : memref<!tpu.dma_semaphore, #tpu.memory_space<semaphore_mem>>) {add = true}
        }
        %scan3A_53 = arith.constant 10 : i32
        %dma_wait3A = arith.constant 0 : i32
        %dma_wait3A_54 = arith.constant 0 : i32
        %dma_wait3A_55 = tpu.memref_slice %arg14[%dma_wait3A, %dma_wait3A_54] : memref<10240x128xf32, #tpu.memory_space<vmem_shared>> -> memref<64x128xf32, #tpu.memory_space<vmem_shared>>
        %dma_wait3A_56 = arith.constant 0 : i32
        %dma_wait3A_57 = arith.constant 0 : i32
        %dma_wait3A_58 = tpu.memref_slice %arg14[%dma_wait3A_56, %dma_wait3A_57] : memref<10240x128xf32, #tpu.memory_space<vmem_shared>> -> memref<64x128xf32, #tpu.memory_space<vmem_shared>>
        tpu.wait_dma2 semaphore(%arg22 : memref<!tpu.dma_semaphore, #tpu.memory_space<semaphore_mem>>) src(%arg13 : memref<64x128xf32, #tpu.memory_space<vmem>>) dst(%dma_wait3A_58 : memref<64x128xf32, #tpu.memory_space<vmem_shared>>)
      }
      %scan3A_13 = arith.constant 8 : i32
      %barrier3A_14 = arith.constant 0 : index
      tpu.barrier barrier_id(%barrier3A_14)
      %mul3A_15 = arith.constant 640 : i32
      %mul3A_16 = arith.muli %arg1, %mul3A_15 : i32
      %mul3A_17 = arith.constant 640 : i32
      %mul3A_18 = arith.muli %arg1, %mul3A_17 : i32
      "tpu.region"() ({
        %run_scoped3A = tpu.sem_alloc : memref<!tpu.dma_semaphore, #tpu.memory_space<semaphore_mem>>
        %dma_start3A = arith.constant 0 : i32
        %dma_start3A_20 = tpu.memref_slice %arg7[%mul3A_18, %dma_start3A] : memref<10240x128xf32, #tpu.memory_space<hbm>> -> memref<640x128xf32, #tpu.memory_space<hbm>>
        %dma_start3A_21 = arith.constant 0 : i32
        %dma_start3A_22 = tpu.memref_slice %arg14[%mul3A_16, %dma_start3A_21] : memref<10240x128xf32, #tpu.memory_space<vmem_shared>> -> memref<640x128xf32, #tpu.memory_space<vmem_shared>>
        tpu.enqueue_dma source(%dma_start3A_22 : memref<640x128xf32, #tpu.memory_space<vmem_shared>>) target(%dma_start3A_20 : memref<640x128xf32, #tpu.memory_space<hbm>>) target_semaphore(%run_scoped3A : memref<!tpu.dma_semaphore, #tpu.memory_space<semaphore_mem>>)
        %dma_wait3A = arith.constant 0 : i32
        %dma_wait3A_23 = tpu.memref_slice %arg7[%mul3A_18, %dma_wait3A] : memref<10240x128xf32, #tpu.memory_space<hbm>> -> memref<640x128xf32, #tpu.memory_space<hbm>>
        %dma_wait3A_24 = arith.constant 0 : i32
        %dma_wait3A_25 = tpu.memref_slice %arg14[%mul3A_16, %dma_wait3A_24] : memref<10240x128xf32, #tpu.memory_space<vmem_shared>> -> memref<640x128xf32, #tpu.memory_space<vmem_shared>>
        tpu.wait_dma2 semaphore(%run_scoped3A : memref<!tpu.dma_semaphore, #tpu.memory_space<semaphore_mem>>) src(%dma_wait3A_25 : memref<640x128xf32, #tpu.memory_space<vmem_shared>>) dst(%dma_wait3A_23 : memref<640x128xf32, #tpu.memory_space<hbm>>)
        tpu.yield
      }) : () -> ()
      %barrier3A_19 = arith.constant 0 : index
      tpu.barrier barrier_id(%barrier3A_19)
    } else {
    }
    return
  }
}

#map = affine_map<(d0, d1) -> (0, 0, 0)>
#map1 = affine_map<(d0, d1) -> (0)>
module attributes {stable_mosaic.version = 14 : i64} {
  func.func @sc_deg2(%arg0: i32, %arg1: i32, %arg2: memref<2x1x10240xf32, #tpu.memory_space<hbm>>, %arg3: memref<10240xf32, #tpu.memory_space<hbm>>, %arg4: memref<2x640xf32, #tpu.memory_space<vmem>>, %arg5: memref<640xf32, #tpu.memory_space<vmem>>) attributes {dimension_semantics = [#tpu.dimension_semantics<core_parallel>, #tpu.dimension_semantics<subcore_parallel>], iteration_bounds = array<i64: 2, 16>, scalar_prefetch = 0 : i64, scratch_operands = 2 : i64, tpu.core_type = #tpu.core_type<sc_vector_subcore>, window_params = [{transform_indices = #map}, {transform_indices = #map1}]} {
    %eq3A = arith.constant 0 : i32
    %eq3A_0 = arith.cmpi eq, %arg0, %eq3A : i32
    %convert_element_type3A = arith.extui %eq3A_0 : i1 to i32
    %cond3A = arith.constant 0 : i32
    %cond3A_1 = arith.cmpi ne, %convert_element_type3A, %cond3A : i32
    scf.if %cond3A_1 {
      %mul3A = arith.constant 640 : i32
      %mul3A_2 = arith.muli %arg1, %mul3A : i32
      %run_scoped3A = arith.constant 0 : i32
      "tpu.region"() ({
        %run_scoped3A_11 = tpu.sem_alloc : memref<!tpu.dma_semaphore, #tpu.memory_space<semaphore_mem>>
        %dma_start3A = arith.constant 0 : i32
        %dma_start3A_12 = tpu.memref_slice %arg2[%dma_start3A, %run_scoped3A, %mul3A_2] : memref<2x1x10240xf32, #tpu.memory_space<hbm>> -> memref<2x1x640xf32, #tpu.memory_space<hbm>>
        %dma_start3A_13 = tpu.memref_squeeze %dma_start3A_12 : memref<2x1x640xf32, #tpu.memory_space<hbm>> -> memref<2x640xf32, #tpu.memory_space<hbm>>
        %dma_start3A_14 = arith.constant 0 : i32
        %dma_start3A_15 = tpu.memref_slice %arg2[%dma_start3A_14, %run_scoped3A, %mul3A_2] : memref<2x1x10240xf32, #tpu.memory_space<hbm>> -> memref<2x1x640xf32, #tpu.memory_space<hbm>>
        %dma_start3A_16 = tpu.memref_squeeze %dma_start3A_15 : memref<2x1x640xf32, #tpu.memory_space<hbm>> -> memref<2x640xf32, #tpu.memory_space<hbm>>
        tpu.enqueue_dma source(%dma_start3A_16 : memref<2x640xf32, #tpu.memory_space<hbm>>) target(%arg4 : memref<2x640xf32, #tpu.memory_space<vmem>>) target_semaphore(%run_scoped3A_11 : memref<!tpu.dma_semaphore, #tpu.memory_space<semaphore_mem>>)
        %dma_wait3A = arith.constant 0 : i32
        %dma_wait3A_17 = tpu.memref_slice %arg2[%dma_wait3A, %run_scoped3A, %mul3A_2] : memref<2x1x10240xf32, #tpu.memory_space<hbm>> -> memref<2x1x640xf32, #tpu.memory_space<hbm>>
        %dma_wait3A_18 = tpu.memref_squeeze %dma_wait3A_17 : memref<2x1x640xf32, #tpu.memory_space<hbm>> -> memref<2x640xf32, #tpu.memory_space<hbm>>
        %dma_wait3A_19 = arith.constant 0 : i32
        %dma_wait3A_20 = tpu.memref_slice %arg2[%dma_wait3A_19, %run_scoped3A, %mul3A_2] : memref<2x1x10240xf32, #tpu.memory_space<hbm>> -> memref<2x1x640xf32, #tpu.memory_space<hbm>>
        %dma_wait3A_21 = tpu.memref_squeeze %dma_wait3A_20 : memref<2x1x640xf32, #tpu.memory_space<hbm>> -> memref<2x640xf32, #tpu.memory_space<hbm>>
        tpu.wait_dma2 semaphore(%run_scoped3A_11 : memref<!tpu.dma_semaphore, #tpu.memory_space<semaphore_mem>>) src(%dma_wait3A_21 : memref<2x640xf32, #tpu.memory_space<hbm>>) dst(%arg4 : memref<2x640xf32, #tpu.memory_space<vmem>>)
        tpu.yield
      }) : () -> ()
      %scan3A = arith.constant 0 : i32
      %scan3A_3 = arith.constant 0 : i32
      %scan3A_4 = arith.constant 40 : i32
      %scan3A_5 = arith.addi %scan3A_3, %scan3A_4 : i32
      %scan3A_6 = arith.constant 1 : i32
      %scan3A_7 = scf.for %scan3A_11 = %scan3A_3 to %scan3A_5 step %scan3A_6 iter_args(%scan3A_12 = %scan3A) -> (i32)  : i32 {
        %mul3A_13 = arith.constant 16 : i32
        %mul3A_14 = arith.muli %scan3A_11, %mul3A_13 : i32
        %get3A = arith.constant 0 : i32
        %get3A_15 = arith.index_cast %get3A : i32 to index
        %get3A_16 = arith.index_cast %mul3A_14 : i32 to index
        %get3A_17 = tpu.vector_load %arg4[%get3A_15, %get3A_16] {strides = array<i32>} : memref<2x640xf32, #tpu.memory_space<vmem>>, vector<1x16xf32>,
        %get3A_18 = vector.shape_cast %get3A_17 : vector<1x16xf32> to vector<16xf32>
        %mul3A_19 = arith.constant 16 : i32
        %mul3A_20 = arith.muli %scan3A_11, %mul3A_19 : i32
        %get3A_21 = arith.constant 1 : i32
        %get3A_22 = arith.index_cast %get3A_21 : i32 to index
        %get3A_23 = arith.index_cast %mul3A_20 : i32 to index
        %get3A_24 = tpu.vector_load %arg4[%get3A_22, %get3A_23] {strides = array<i32>} : memref<2x640xf32, #tpu.memory_space<vmem>>, vector<1x16xf32>,
        %get3A_25 = vector.shape_cast %get3A_24 : vector<1x16xf32> to vector<16xf32>
        %add3A = arith.addf %get3A_18, %get3A_25 : vector<16xf32>
        %mul3A_26 = arith.constant 16 : i32
        %mul3A_27 = arith.muli %scan3A_11, %mul3A_26 : i32
        %swap3A = arith.index_cast %mul3A_27 : i32 to index
        %swap3A_28 = tpu.vector_load %arg5[%swap3A] {strides = array<i32>} : memref<640xf32, #tpu.memory_space<vmem>>, vector<16xf32>,
        %swap3A_29 = vector.shape_cast %swap3A_28 : vector<16xf32> to vector<16xf32>
        %swap3A_30 = vector.shape_cast %add3A : vector<16xf32> to vector<16xf32>
        tpu.vector_store %arg5[%swap3A], %swap3A_30 {strides = array<i32>} : memref<640xf32, #tpu.memory_space<vmem>>, vector<16xf32>,
        %scan3A_31 = arith.constant 0 : i32
        scf.yield %scan3A_31 : i32
      }
      %scan3A_8 = arith.constant 40 : i32
      %mul3A_9 = arith.constant 640 : i32
      %mul3A_10 = arith.muli %arg1, %mul3A_9 : i32
      "tpu.region"() ({
        %run_scoped3A_11 = tpu.sem_alloc : memref<!tpu.dma_semaphore, #tpu.memory_space<semaphore_mem>>
        %dma_start3A = tpu.memref_slice %arg3[%mul3A_10] : memref<10240xf32, #tpu.memory_space<hbm>> -> memref<640xf32, #tpu.memory_space<hbm>>
        %dma_start3A_12 = tpu.memref_slice %arg3[%mul3A_10] : memref<10240xf32, #tpu.memory_space<hbm>> -> memref<640xf32, #tpu.memory_space<hbm>>
        tpu.enqueue_dma source(%arg5 : memref<640xf32, #tpu.memory_space<vmem>>) target(%dma_start3A_12 : memref<640xf32, #tpu.memory_space<hbm>>) target_semaphore(%run_scoped3A_11 : memref<!tpu.dma_semaphore, #tpu.memory_space<semaphore_mem>>)
        %dma_wait3A = tpu.memref_slice %arg3[%mul3A_10] : memref<10240xf32, #tpu.memory_space<hbm>> -> memref<640xf32, #tpu.memory_space<hbm>>
        %dma_wait3A_13 = tpu.memref_slice %arg3[%mul3A_10] : memref<10240xf32, #tpu.memory_space<hbm>> -> memref<640xf32, #tpu.memory_space<hbm>>
        tpu.wait_dma2 semaphore(%run_scoped3A_11 : memref<!tpu.dma_semaphore, #tpu.memory_space<semaphore_mem>>) src(%arg5 : memref<640xf32, #tpu.memory_space<vmem>>) dst(%dma_wait3A_13 : memref<640xf32, #tpu.memory_space<hbm>>)
        tpu.yield
      }) : () -> ()
    } else {
    }
    return
  }
}

module attributes {stable_mosaic.version = 14 : i64} {
  func.func @_tc_pre_body(%arg0: i32, %arg1: memref<5120x1xf32, #tpu.memory_space<vmem>>, %arg2: memref<5120x128xf32, #tpu.memory_space<vmem>>, %arg3: memref<128x256xf32, #tpu.memory_space<vmem>>, %arg4: memref<5120x1xi32, #tpu.memory_space<vmem>>, %arg5: memref<5120x128xf32, #tpu.memory_space<vmem>>, %arg6: memref<5120x128xf32, #tpu.memory_space<vmem>>, %arg7: memref<5120x1xf32, #tpu.memory_space<vmem>>, %arg8: memref<1x128xf32, #tpu.memory_space<vmem>>, %arg9: memref<1x128xf32, #tpu.memory_space<vmem>>) attributes {dimension_semantics = [#tpu.dimension_semantics<arbitrary>], iteration_bounds = array<i64: 2>, scalar_prefetch = 0 : i64, scratch_operands = 1 : i64, tpu.core_type = #tpu.core_type<tc>, window_params = [{transform_indices = @transform_0, window_bounds = array<i64: 5120, 1>}, {transform_indices = @transform_1, window_bounds = array<i64: 5120, 128>}, {pipeline_mode = #tpu.pipeline_mode<synchronous>, transform_indices = @transform_2, window_bounds = array<i64: 128, 256>}, {transform_indices = @transform_3, window_bounds = array<i64: 5120, 1>}, {transform_indices = @transform_4, window_bounds = array<i64: 5120, 128>}, {transform_indices = @transform_5, window_bounds = array<i64: 5120, 128>}, {transform_indices = @transform_6, window_bounds = array<i64: 5120, 1>}, {pipeline_mode = #tpu.pipeline_mode<synchronous>, transform_indices = @transform_7, window_bounds = array<i64: 1, 128>}]} {
    %eq3A = arith.constant 0 : i32
    %eq3A_0 = arith.cmpi eq, %arg0, %eq3A : i32
    %convert_element_type3A = arith.extui %eq3A_0 : i1 to i32
    %cond3A = arith.constant 0 : i32
    %cond3A_1 = arith.cmpi ne, %convert_element_type3A, %cond3A : i32
    scf.if %cond3A_1 {
      %broadcast_in_dim3A_43 = arith.constant 0.000000e+00 : f32
      %broadcast_in_dim3A_44 = vector.broadcast %broadcast_in_dim3A_43 : f32 to vector<1x128xf32>
      %swap3A_45 = arith.constant 0 : index
      %swap3A_46 = arith.constant 0 : index
      %swap3A_47 = vector.load %arg9[%swap3A_45, %swap3A_46] : memref<1x128xf32, #tpu.memory_space<vmem>>, vector<1x128xf32>
      tpu.vector_store %arg9[%swap3A_45, %swap3A_46], %broadcast_in_dim3A_44 {strides = array<i32>} : memref<1x128xf32, #tpu.memory_space<vmem>>, vector<1x128xf32>,
    } else {
    }
    %get3A = arith.constant 0 : index
    %get3A_2 = arith.constant 0 : index
    %get3A_3 = vector.load %arg1[%get3A, %get3A_2] : memref<5120x1xf32, #tpu.memory_space<vmem>>, vector<5120x1xf32>
    %add3A = arith.constant 1.000000e+00 : f32
    %add3A_4 = vector.broadcast %add3A : f32 to vector<5120x1xf32>
    %add3A_5 = arith.addf %get3A_3, %add3A_4 : vector<5120x1xf32>
    %rsqrt3A = math.rsqrt %add3A_5 : vector<5120x1xf32>
    %swap3A = arith.constant 0 : index
    %swap3A_6 = arith.constant 0 : index
    %swap3A_7 = vector.load %arg7[%swap3A, %swap3A_6] : memref<5120x1xf32, #tpu.memory_space<vmem>>, vector<5120x1xf32>
    tpu.vector_store %arg7[%swap3A, %swap3A_6], %rsqrt3A {strides = array<i32>} : memref<5120x1xf32, #tpu.memory_space<vmem>>, vector<5120x1xf32>,
    %get3A_8 = arith.constant 0 : index
    %get3A_9 = arith.constant 0 : index
    %get3A_10 = vector.load %arg2[%get3A_8, %get3A_9] : memref<5120x128xf32, #tpu.memory_space<vmem>>, vector<5120x128xf32>
    %get3A_11 = arith.constant 0 : index
    %get3A_12 = arith.constant 0 : index
    %get3A_13 = vector.load %arg3[%get3A_11, %get3A_12] : memref<128x256xf32, #tpu.memory_space<vmem>>, vector<128x256xf32>
    %dot_general3A = arith.constant dense<0.000000e+00> : vector<5120x256xf32>
    %dot_general3A_14 = tpu.matmul %get3A_10, %get3A_13, %dot_general3A {dimension_numbers = #tpu.dot_dimension_numbers<[1], [0], [0], [1], [0, 0, 1, 1], [], []>, transpose_lhs_hint = false} : vector<5120x128xf32>, vector<128x256xf32>, vector<5120x256xf32> -> vector<5120x256xf32>
    %mul3A = vector.broadcast %rsqrt3A : vector<5120x1xf32> to vector<5120x256xf32>
    %mul3A_15 = arith.mulf %dot_general3A_14, %mul3A : vector<5120x256xf32>
    %slice3A = vector.extract_strided_slice %mul3A_15 {offsets = [0, 0], sizes = [5120, 128], strides = [1, 1]} : vector<5120x256xf32> to vector<5120x128xf32>
    %swap3A_16 = arith.constant 0 : index
    %swap3A_17 = arith.constant 0 : index
    %swap3A_18 = vector.load %arg5[%swap3A_16, %swap3A_17] : memref<5120x128xf32, #tpu.memory_space<vmem>>, vector<5120x128xf32>
    tpu.vector_store %arg5[%swap3A_16, %swap3A_17], %slice3A {strides = array<i32>} : memref<5120x128xf32, #tpu.memory_space<vmem>>, vector<5120x128xf32>,
    %slice3A_19 = vector.extract_strided_slice %mul3A_15 {offsets = [0, 128], sizes = [5120, 128], strides = [1, 1]} : vector<5120x256xf32> to vector<5120x128xf32>
    %swap3A_20 = arith.constant 0 : index
    %swap3A_21 = arith.constant 0 : index
    %swap3A_22 = vector.load %arg6[%swap3A_20, %swap3A_21] : memref<5120x128xf32, #tpu.memory_space<vmem>>, vector<5120x128xf32>
    tpu.vector_store %arg6[%swap3A_20, %swap3A_21], %slice3A_19 {strides = array<i32>} : memref<5120x128xf32, #tpu.memory_space<vmem>>, vector<5120x128xf32>,
    %iota3A = tpu.iota {dimensions = array<i32: 1>} : vector<1x128xi32>
    %get3A_23 = arith.constant 0 : index
    %get3A_24 = arith.constant 0 : index
    %get3A_25 = vector.load %arg4[%get3A_23, %get3A_24] : memref<5120x1xi32, #tpu.memory_space<vmem>>, vector<5120x1xi32>
    %lt3A = vector.broadcast %get3A_25 : vector<5120x1xi32> to vector<5120x128xi32>
    %lt3A_26 = vector.broadcast %iota3A : vector<1x128xi32> to vector<5120x128xi32>
    %lt3A_27 = arith.cmpi slt, %lt3A, %lt3A_26 : vector<5120x128xi32>
    %convert_element_type3A_28 = arith.extui %lt3A_27 : vector<5120x128xi1> to vector<5120x128xi32>
    %convert_element_type3A_29 = arith.sitofp %convert_element_type3A_28 : vector<5120x128xi32> to vector<5120x128xf32>
    %get3A_30 = arith.constant 0 : index
    %get3A_31 = arith.constant 0 : index
    %get3A_32 = vector.load %arg9[%get3A_30, %get3A_31] : memref<1x128xf32, #tpu.memory_space<vmem>>, vector<1x128xf32>
    %reduce_sum3A = arith.constant dense<0.000000e+00> : vector<128xf32>
    %reduce_sum3A_33 = vector.multi_reduction <add>, %convert_element_type3A_29, %reduce_sum3A [0] : vector<5120x128xf32> to vector<128xf32>
    %broadcast_in_dim3A = vector.shape_cast %reduce_sum3A_33 : vector<128xf32> to vector<1x128xf32>
    %add3A_34 = arith.addf %get3A_32, %broadcast_in_dim3A : vector<1x128xf32>
    %swap3A_35 = arith.constant 0 : index
    %swap3A_36 = arith.constant 0 : index
    %swap3A_37 = vector.load %arg9[%swap3A_35, %swap3A_36] : memref<1x128xf32, #tpu.memory_space<vmem>>, vector<1x128xf32>
    tpu.vector_store %arg9[%swap3A_35, %swap3A_36], %add3A_34 {strides = array<i32>} : memref<1x128xf32, #tpu.memory_space<vmem>>, vector<1x128xf32>,
    %eq3A_38 = arith.constant 1 : i32
    %eq3A_39 = arith.cmpi eq, %arg0, %eq3A_38 : i32
    %convert_element_type3A_40 = arith.extui %eq3A_39 : i1 to i32
    %cond3A_41 = arith.constant 0 : i32
    %cond3A_42 = arith.cmpi ne, %convert_element_type3A_40, %cond3A_41 : i32
    scf.if %cond3A_42 {
      %get3A_43 = arith.constant 0 : index
      %get3A_44 = arith.constant 0 : index
      %get3A_45 = vector.load %arg9[%get3A_43, %get3A_44] : memref<1x128xf32, #tpu.memory_space<vmem>>, vector<1x128xf32>
      %min3A = arith.constant 9.999000e+03 : f32
      %min3A_46 = vector.broadcast %min3A : f32 to vector<1x128xf32>
      %min3A_47 = arith.minimumf %get3A_45, %min3A_46 : vector<1x128xf32>
      %swap3A_48 = arith.constant 0 : index
      %swap3A_49 = arith.constant 0 : index
      %swap3A_50 = vector.load %arg8[%swap3A_48, %swap3A_49] : memref<1x128xf32, #tpu.memory_space<vmem>>, vector<1x128xf32>
      tpu.vector_store %arg8[%swap3A_48, %swap3A_49], %min3A_47 {strides = array<i32>} : memref<1x128xf32, #tpu.memory_space<vmem>>, vector<1x128xf32>,
    } else {
    }
    return
  }
  func.func @transform_0(%arg0: i32) -> (i32, i32) {
    %c0_i32 = arith.constant 0 : i32
    %c0_i32_0 = arith.constant 0 : i32
    return %arg0, %c0_i32 : i32, i32
  }
  func.func @transform_1(%arg0: i32) -> (i32, i32) {
    %c0_i32 = arith.constant 0 : i32
    %c0_i32_0 = arith.constant 0 : i32
    return %arg0, %c0_i32 : i32, i32
  }
  func.func @transform_2(%arg0: i32) -> (i32, i32) {
    %c0_i32 = arith.constant 0 : i32
    %c0_i32_0 = arith.constant 0 : i32
    %c0_i32_1 = arith.constant 0 : i32
    return %c0_i32, %c0_i32_0 : i32, i32
  }
  func.func @transform_3(%arg0: i32) -> (i32, i32) {
    %c0_i32 = arith.constant 0 : i32
    %c0_i32_0 = arith.constant 0 : i32
    return %arg0, %c0_i32 : i32, i32
  }
  func.func @transform_4(%arg0: i32) -> (i32, i32) {
    %c0_i32 = arith.constant 0 : i32
    %c0_i32_0 = arith.constant 0 : i32
    return %arg0, %c0_i32 : i32, i32
  }
  func.func @transform_5(%arg0: i32) -> (i32, i32) {
    %c0_i32 = arith.constant 0 : i32
    %c0_i32_0 = arith.constant 0 : i32
    return %arg0, %c0_i32 : i32, i32
  }
  func.func @transform_6(%arg0: i32) -> (i32, i32) {
    %c0_i32 = arith.constant 0 : i32
    %c0_i32_0 = arith.constant 0 : i32
    return %arg0, %c0_i32 : i32, i32
  }
  func.func @transform_7(%arg0: i32) -> (i32, i32) {
    %c0_i32 = arith.constant 0 : i32
    %c0_i32_0 = arith.constant 0 : i32
    %c0_i32_1 = arith.constant 0 : i32
    return %c0_i32, %c0_i32_0 : i32, i32
  }
}

module attributes {stable_mosaic.version = 14 : i64} {
  func.func @_tc_mid_body(%arg0: i32, %arg1: memref<5120x128xf32, #tpu.memory_space<vmem>>, %arg2: memref<5120x128xf32, #tpu.memory_space<vmem>>, %arg3: memref<5120x1xf32, #tpu.memory_space<vmem>>, %arg4: memref<1x256xf32, #tpu.memory_space<vmem>>, %arg5: memref<256x256xf32, #tpu.memory_space<vmem>>, %arg6: memref<5120x128xf32, #tpu.memory_space<vmem>>, %arg7: memref<5120x128xf32, #tpu.memory_space<vmem>>) attributes {dimension_semantics = [#tpu.dimension_semantics<arbitrary>], iteration_bounds = array<i64: 2>, scalar_prefetch = 0 : i64, scratch_operands = 0 : i64, tpu.core_type = #tpu.core_type<tc>, window_params = [{transform_indices = @transform_0, window_bounds = array<i64: 5120, 128>}, {transform_indices = @transform_1, window_bounds = array<i64: 5120, 128>}, {transform_indices = @transform_2, window_bounds = array<i64: 5120, 1>}, {pipeline_mode = #tpu.pipeline_mode<synchronous>, transform_indices = @transform_3, window_bounds = array<i64: 1, 256>}, {pipeline_mode = #tpu.pipeline_mode<synchronous>, transform_indices = @transform_4, window_bounds = array<i64: 256, 256>}, {transform_indices = @transform_5, window_bounds = array<i64: 5120, 128>}, {transform_indices = @transform_6, window_bounds = array<i64: 5120, 128>}]} {
    %get3A = arith.constant 0 : index
    %get3A_0 = arith.constant 0 : index
    %get3A_1 = vector.load %arg3[%get3A, %get3A_0] : memref<5120x1xf32, #tpu.memory_space<vmem>>, vector<5120x1xf32>
    %get3A_2 = arith.constant 0 : index
    %get3A_3 = arith.constant 0 : index
    %get3A_4 = vector.load %arg1[%get3A_2, %get3A_3] : memref<5120x128xf32, #tpu.memory_space<vmem>>, vector<5120x128xf32>
    %get3A_5 = arith.constant 0 : index
    %get3A_6 = arith.constant 0 : index
    %get3A_7 = vector.load %arg2[%get3A_5, %get3A_6] : memref<5120x128xf32, #tpu.memory_space<vmem>>, vector<5120x128xf32>
    %concatenate3A = tpu.concatenate %get3A_4, %get3A_7 in 1 : vector<5120x128xf32>, vector<5120x128xf32> -> vector<5120x256xf32>
    %mul3A = vector.broadcast %get3A_1 : vector<5120x1xf32> to vector<5120x256xf32>
    %mul3A_8 = arith.mulf %concatenate3A, %mul3A : vector<5120x256xf32>
    %get3A_9 = arith.constant 0 : index
    %get3A_10 = arith.constant 0 : index
    %get3A_11 = vector.load %arg4[%get3A_9, %get3A_10] : memref<1x256xf32, #tpu.memory_space<vmem>>, vector<1x256xf32>
    %add3A = vector.broadcast %get3A_11 : vector<1x256xf32> to vector<5120x256xf32>
    %add3A_12 = arith.addf %mul3A_8, %add3A : vector<5120x256xf32>
    %gt3A = arith.constant 0.000000e+00 : f32
    %gt3A_13 = vector.broadcast %gt3A : f32 to vector<5120x256xf32>
    %gt3A_14 = arith.cmpf ogt, %add3A_12, %gt3A_13 : vector<5120x256xf32>
    %exp3A = math.exp %add3A_12 : vector<5120x256xf32>
    %sub3A = arith.constant 1.000000e+00 : f32
    %sub3A_15 = vector.broadcast %sub3A : f32 to vector<5120x256xf32>
    %sub3A_16 = arith.subf %exp3A, %sub3A_15 : vector<5120x256xf32>
    %mul3A_17 = arith.constant 1.67326319 : f32
    %mul3A_18 = vector.broadcast %mul3A_17 : f32 to vector<5120x256xf32>
    %mul3A_19 = arith.mulf %mul3A_18, %sub3A_16 : vector<5120x256xf32>
    %select_n3A = arith.select %gt3A_14, %add3A_12, %mul3A_19 : vector<5120x256xi1>, vector<5120x256xf32>
    %mul3A_20 = arith.constant 1.05070102 : f32
    %mul3A_21 = vector.broadcast %mul3A_20 : f32 to vector<5120x256xf32>
    %mul3A_22 = arith.mulf %mul3A_21, %select_n3A : vector<5120x256xf32>
    %get3A_23 = arith.constant 0 : index
    %get3A_24 = arith.constant 0 : index
    %get3A_25 = vector.load %arg5[%get3A_23, %get3A_24] : memref<256x256xf32, #tpu.memory_space<vmem>>, vector<256x256xf32>
    %dot_general3A = arith.constant dense<0.000000e+00> : vector<5120x256xf32>
    %dot_general3A_26 = tpu.matmul %mul3A_22, %get3A_25, %dot_general3A {dimension_numbers = #tpu.dot_dimension_numbers<[1], [0], [0], [1], [0, 0, 1, 1], [], []>, transpose_lhs_hint = false} : vector<5120x256xf32>, vector<256x256xf32>, vector<5120x256xf32> -> vector<5120x256xf32>
    %mul3A_27 = vector.broadcast %get3A_1 : vector<5120x1xf32> to vector<5120x256xf32>
    %mul3A_28 = arith.mulf %dot_general3A_26, %mul3A_27 : vector<5120x256xf32>
    %slice3A = vector.extract_strided_slice %mul3A_28 {offsets = [0, 0], sizes = [5120, 128], strides = [1, 1]} : vector<5120x256xf32> to vector<5120x128xf32>
    %swap3A = arith.constant 0 : index
    %swap3A_29 = arith.constant 0 : index
    %swap3A_30 = vector.load %arg6[%swap3A, %swap3A_29] : memref<5120x128xf32, #tpu.memory_space<vmem>>, vector<5120x128xf32>
    tpu.vector_store %arg6[%swap3A, %swap3A_29], %slice3A {strides = array<i32>} : memref<5120x128xf32, #tpu.memory_space<vmem>>, vector<5120x128xf32>,
    %slice3A_31 = vector.extract_strided_slice %mul3A_28 {offsets = [0, 128], sizes = [5120, 128], strides = [1, 1]} : vector<5120x256xf32> to vector<5120x128xf32>
    %swap3A_32 = arith.constant 0 : index
    %swap3A_33 = arith.constant 0 : index
    %swap3A_34 = vector.load %arg7[%swap3A_32, %swap3A_33] : memref<5120x128xf32, #tpu.memory_space<vmem>>, vector<5120x128xf32>
    tpu.vector_store %arg7[%swap3A_32, %swap3A_33], %slice3A_31 {strides = array<i32>} : memref<5120x128xf32, #tpu.memory_space<vmem>>, vector<5120x128xf32>,
    return
  }
  func.func @transform_0(%arg0: i32) -> (i32, i32) {
    %c0_i32 = arith.constant 0 : i32
    %c0_i32_0 = arith.constant 0 : i32
    return %arg0, %c0_i32 : i32, i32
  }
  func.func @transform_1(%arg0: i32) -> (i32, i32) {
    %c0_i32 = arith.constant 0 : i32
    %c0_i32_0 = arith.constant 0 : i32
    return %arg0, %c0_i32 : i32, i32
  }
  func.func @transform_2(%arg0: i32) -> (i32, i32) {
    %c0_i32 = arith.constant 0 : i32
    %c0_i32_0 = arith.constant 0 : i32
    return %arg0, %c0_i32 : i32, i32
  }
  func.func @transform_3(%arg0: i32) -> (i32, i32) {
    %c0_i32 = arith.constant 0 : i32
    %c0_i32_0 = arith.constant 0 : i32
    %c0_i32_1 = arith.constant 0 : i32
    return %c0_i32, %c0_i32_0 : i32, i32
  }
  func.func @transform_4(%arg0: i32) -> (i32, i32) {
    %c0_i32 = arith.constant 0 : i32
    %c0_i32_0 = arith.constant 0 : i32
    %c0_i32_1 = arith.constant 0 : i32
    return %c0_i32, %c0_i32_0 : i32, i32
  }
  func.func @transform_5(%arg0: i32) -> (i32, i32) {
    %c0_i32 = arith.constant 0 : i32
    %c0_i32_0 = arith.constant 0 : i32
    return %arg0, %c0_i32 : i32, i32
  }
  func.func @transform_6(%arg0: i32) -> (i32, i32) {
    %c0_i32 = arith.constant 0 : i32
    %c0_i32_0 = arith.constant 0 : i32
    return %arg0, %c0_i32 : i32, i32
  }
}

module attributes {stable_mosaic.version = 14 : i64} {
  func.func @_tc_head_body(%arg0: i32, %arg1: memref<5120x128xf32, #tpu.memory_space<vmem>>, %arg2: memref<5120x128xf32, #tpu.memory_space<vmem>>, %arg3: memref<5120x1xf32, #tpu.memory_space<vmem>>, %arg4: memref<1x256xf32, #tpu.memory_space<vmem>>, %arg5: memref<5120x1xi32, #tpu.memory_space<vmem>>, %arg6: memref<5120x128xf32, #tpu.memory_space<vmem>>, %arg7: memref<1x128xf32, #tpu.memory_space<vmem>>, %arg8: memref<128x256xf32, #tpu.memory_space<vmem>>, %arg9: memref<1x256xf32, #tpu.memory_space<vmem>>, %arg10: memref<512x128xf32, #tpu.memory_space<vmem>>, %arg11: memref<1x128xf32, #tpu.memory_space<vmem>>, %arg12: memref<128x2xf32, #tpu.memory_space<vmem>>, %arg13: memref<1x2xf32, #tpu.memory_space<vmem>>, %arg14: memref<128x2xf32, #tpu.memory_space<vmem>>, %arg15: memref<128x256xf32, #tpu.memory_space<vmem>>, %arg16: memref<128x1xf32, #tpu.memory_space<vmem>>, %arg17: memref<128x128xf32, #tpu.memory_space<vmem>>) attributes {dimension_semantics = [#tpu.dimension_semantics<arbitrary>], iteration_bounds = array<i64: 2>, scalar_prefetch = 0 : i64, scratch_operands = 3 : i64, tpu.core_type = #tpu.core_type<tc>, window_params = [{transform_indices = @transform_0, window_bounds = array<i64: 5120, 128>}, {transform_indices = @transform_1, window_bounds = array<i64: 5120, 128>}, {transform_indices = @transform_2, window_bounds = array<i64: 5120, 1>}, {pipeline_mode = #tpu.pipeline_mode<synchronous>, transform_indices = @transform_3, window_bounds = array<i64: 1, 256>}, {transform_indices = @transform_4, window_bounds = array<i64: 5120, 1>}, {transform_indices = @transform_5, window_bounds = array<i64: 5120, 128>}, {pipeline_mode = #tpu.pipeline_mode<synchronous>, transform_indices = @transform_6, window_bounds = array<i64: 1, 128>}, {pipeline_mode = #tpu.pipeline_mode<synchronous>, transform_indices = @transform_7, window_bounds = array<i64: 128, 256>}, {pipeline_mode = #tpu.pipeline_mode<synchronous>, transform_indices = @transform_8, window_bounds = array<i64: 1, 256>}, {pipeline_mode = #tpu.pipeline_mode<synchronous>, transform_indices = @transform_9, window_bounds = array<i64: 512, 128>}, {pipeline_mode = #tpu.pipeline_mode<synchronous>, transform_indices = @transform_10, window_bounds = array<i64: 1, 128>}, {pipeline_mode = #tpu.pipeline_mode<synchronous>, transform_indices = @transform_11, window_bounds = array<i64: 128, 2>}, {pipeline_mode = #tpu.pipeline_mode<synchronous>, transform_indices = @transform_12, window_bounds = array<i64: 1, 2>}, {pipeline_mode = #tpu.pipeline_mode<synchronous>, transform_indices = @transform_13, window_bounds = array<i64: 128, 2>}]} {
    %eq3A = arith.constant 0 : i32
    %eq3A_0 = arith.cmpi eq, %arg0, %eq3A : i32
    %convert_element_type3A = arith.extui %eq3A_0 : i1 to i32
    %cond3A = arith.constant 0 : i32
    %cond3A_1 = arith.cmpi ne, %convert_element_type3A, %cond3A : i32
    scf.if %cond3A_1 {
      %broadcast_in_dim3A_81 = arith.constant 0.000000e+00 : f32
      %broadcast_in_dim3A_82 = vector.broadcast %broadcast_in_dim3A_81 : f32 to vector<128x256xf32>
      %swap3A_83 = arith.constant 0 : index
      %swap3A_84 = arith.constant 0 : index
      %swap3A_85 = vector.load %arg15[%swap3A_83, %swap3A_84] : memref<128x256xf32, #tpu.memory_space<vmem>>, vector<128x256xf32>
      tpu.vector_store %arg15[%swap3A_83, %swap3A_84], %broadcast_in_dim3A_82 {strides = array<i32>} : memref<128x256xf32, #tpu.memory_space<vmem>>, vector<128x256xf32>,
      %broadcast_in_dim3A_86 = arith.constant 0.000000e+00 : f32
      %broadcast_in_dim3A_87 = vector.broadcast %broadcast_in_dim3A_86 : f32 to vector<128x1xf32>
      %swap3A_88 = arith.constant 0 : index
      %swap3A_89 = arith.constant 0 : index
      %swap3A_90 = vector.load %arg16[%swap3A_88, %swap3A_89] : memref<128x1xf32, #tpu.memory_space<vmem>>, vector<128x1xf32>
      tpu.vector_store %arg16[%swap3A_88, %swap3A_89], %broadcast_in_dim3A_87 {strides = array<i32>} : memref<128x1xf32, #tpu.memory_space<vmem>>, vector<128x1xf32>,
      %broadcast_in_dim3A_91 = arith.constant 0.000000e+00 : f32
      %broadcast_in_dim3A_92 = vector.broadcast %broadcast_in_dim3A_91 : f32 to vector<128x128xf32>
      %swap3A_93 = arith.constant 0 : index
      %swap3A_94 = arith.constant 0 : index
      %swap3A_95 = vector.load %arg17[%swap3A_93, %swap3A_94] : memref<128x128xf32, #tpu.memory_space<vmem>>, vector<128x128xf32>
      tpu.vector_store %arg17[%swap3A_93, %swap3A_94], %broadcast_in_dim3A_92 {strides = array<i32>} : memref<128x128xf32, #tpu.memory_space<vmem>>, vector<128x128xf32>,
    } else {
    }
    %get3A = arith.constant 0 : index
    %get3A_2 = arith.constant 0 : index
    %get3A_3 = vector.load %arg1[%get3A, %get3A_2] : memref<5120x128xf32, #tpu.memory_space<vmem>>, vector<5120x128xf32>
    %get3A_4 = arith.constant 0 : index
    %get3A_5 = arith.constant 0 : index
    %get3A_6 = vector.load %arg2[%get3A_4, %get3A_5] : memref<5120x128xf32, #tpu.memory_space<vmem>>, vector<5120x128xf32>
    %concatenate3A = tpu.concatenate %get3A_3, %get3A_6 in 1 : vector<5120x128xf32>, vector<5120x128xf32> -> vector<5120x256xf32>
    %get3A_7 = arith.constant 0 : index
    %get3A_8 = arith.constant 0 : index
    %get3A_9 = vector.load %arg3[%get3A_7, %get3A_8] : memref<5120x1xf32, #tpu.memory_space<vmem>>, vector<5120x1xf32>
    %mul3A = vector.broadcast %get3A_9 : vector<5120x1xf32> to vector<5120x256xf32>
    %mul3A_10 = arith.mulf %concatenate3A, %mul3A : vector<5120x256xf32>
    %get3A_11 = arith.constant 0 : index
    %get3A_12 = arith.constant 0 : index
    %get3A_13 = vector.load %arg4[%get3A_11, %get3A_12] : memref<1x256xf32, #tpu.memory_space<vmem>>, vector<1x256xf32>
    %add3A = vector.broadcast %get3A_13 : vector<1x256xf32> to vector<5120x256xf32>
    %add3A_14 = arith.addf %mul3A_10, %add3A : vector<5120x256xf32>
    %gt3A = arith.constant 0.000000e+00 : f32
    %gt3A_15 = vector.broadcast %gt3A : f32 to vector<5120x256xf32>
    %gt3A_16 = arith.cmpf ogt, %add3A_14, %gt3A_15 : vector<5120x256xf32>
    %exp3A = math.exp %add3A_14 : vector<5120x256xf32>
    %sub3A = arith.constant 1.000000e+00 : f32
    %sub3A_17 = vector.broadcast %sub3A : f32 to vector<5120x256xf32>
    %sub3A_18 = arith.subf %exp3A, %sub3A_17 : vector<5120x256xf32>
    %mul3A_19 = arith.constant 1.67326319 : f32
    %mul3A_20 = vector.broadcast %mul3A_19 : f32 to vector<5120x256xf32>
    %mul3A_21 = arith.mulf %mul3A_20, %sub3A_18 : vector<5120x256xf32>
    %select_n3A = arith.select %gt3A_16, %add3A_14, %mul3A_21 : vector<5120x256xi1>, vector<5120x256xf32>
    %mul3A_22 = arith.constant 1.05070102 : f32
    %mul3A_23 = vector.broadcast %mul3A_22 : f32 to vector<5120x256xf32>
    %mul3A_24 = arith.mulf %mul3A_23, %select_n3A : vector<5120x256xf32>
    %iota3A = tpu.iota {dimensions = array<i32: 1>} : vector<1x128xi32>
    %get3A_25 = arith.constant 0 : index
    %get3A_26 = arith.constant 0 : index
    %get3A_27 = vector.load %arg5[%get3A_25, %get3A_26] : memref<5120x1xi32, #tpu.memory_space<vmem>>, vector<5120x1xi32>
    %eq3A_28 = vector.broadcast %get3A_27 : vector<5120x1xi32> to vector<5120x128xi32>
    %eq3A_29 = vector.broadcast %iota3A : vector<1x128xi32> to vector<5120x128xi32>
    %eq3A_30 = arith.cmpi eq, %eq3A_28, %eq3A_29 : vector<5120x128xi32>
    %convert_element_type3A_31 = arith.extui %eq3A_30 : vector<5120x128xi1> to vector<5120x128xi32>
    %convert_element_type3A_32 = arith.sitofp %convert_element_type3A_31 : vector<5120x128xi32> to vector<5120x128xf32>
    %get3A_33 = arith.constant 0 : index
    %get3A_34 = arith.constant 0 : index
    %get3A_35 = vector.load %arg15[%get3A_33, %get3A_34] : memref<128x256xf32, #tpu.memory_space<vmem>>, vector<128x256xf32>
    %dot_general3A = arith.constant dense<0.000000e+00> : vector<128x256xf32>
    %dot_general3A_36 = tpu.matmul %convert_element_type3A_32, %mul3A_24, %dot_general3A {dimension_numbers = #tpu.dot_dimension_numbers<[0], [0], [1], [1], [0, 1, 1, 1], [], []>, transpose_lhs_hint = false} : vector<5120x128xf32>, vector<5120x256xf32>, vector<128x256xf32> -> vector<128x256xf32>
    %add3A_37 = arith.addf %get3A_35, %dot_general3A_36 : vector<128x256xf32>
    %swap3A = arith.constant 0 : index
    %swap3A_38 = arith.constant 0 : index
    %swap3A_39 = vector.load %arg15[%swap3A, %swap3A_38] : memref<128x256xf32, #tpu.memory_space<vmem>>, vector<128x256xf32>
    tpu.vector_store %arg15[%swap3A, %swap3A_38], %add3A_37 {strides = array<i32>} : memref<128x256xf32, #tpu.memory_space<vmem>>, vector<128x256xf32>,
    %get3A_40 = arith.constant 0 : index
    %get3A_41 = arith.constant 0 : index
    %get3A_42 = vector.load %arg16[%get3A_40, %get3A_41] : memref<128x1xf32, #tpu.memory_space<vmem>>, vector<128x1xf32>
    %broadcast_in_dim3A = arith.constant 1.000000e+00 : f32
    %broadcast_in_dim3A_43 = vector.broadcast %broadcast_in_dim3A : f32 to vector<5120x1xf32>
    %dot_general3A_44 = arith.constant dense<0.000000e+00> : vector<128x1xf32>
    %dot_general3A_45 = tpu.matmul %convert_element_type3A_32, %broadcast_in_dim3A_43, %dot_general3A_44 {dimension_numbers = #tpu.dot_dimension_numbers<[0], [0], [1], [1], [0, 1, 1, 1], [], []>, transpose_lhs_hint = false} : vector<5120x128xf32>, vector<5120x1xf32>, vector<128x1xf32> -> vector<128x1xf32>
    %add3A_46 = arith.addf %get3A_42, %dot_general3A_45 : vector<128x1xf32>
    %swap3A_47 = arith.constant 0 : index
    %swap3A_48 = arith.constant 0 : index
    %swap3A_49 = vector.load %arg16[%swap3A_47, %swap3A_48] : memref<128x1xf32, #tpu.memory_space<vmem>>, vector<128x1xf32>
    tpu.vector_store %arg16[%swap3A_47, %swap3A_48], %add3A_46 {strides = array<i32>} : memref<128x1xf32, #tpu.memory_space<vmem>>, vector<128x1xf32>,
    %iota3A_50 = tpu.iota {dimensions = array<i32: 0>} : vector<5120x1xi32>
    %mul3A_51 = arith.constant 5120 : i32
    %mul3A_52 = arith.muli %arg0, %mul3A_51 : i32
    %add3A_53 = vector.broadcast %mul3A_52 : i32 to vector<5120x1xi32>
    %add3A_54 = arith.addi %iota3A_50, %add3A_53 : vector<5120x1xi32>
    %convert_element_type3A_55 = arith.sitofp %add3A_54 : vector<5120x1xi32> to vector<5120x1xf32>
    %get3A_56 = arith.constant 0 : index
    %get3A_57 = arith.constant 0 : index
    %get3A_58 = vector.load %arg7[%get3A_56, %get3A_57] : memref<1x128xf32, #tpu.memory_space<vmem>>, vector<1x128xf32>
    %eq3A_59 = vector.broadcast %convert_element_type3A_55 : vector<5120x1xf32> to vector<5120x128xf32>
    %eq3A_60 = vector.broadcast %get3A_58 : vector<1x128xf32> to vector<5120x128xf32>
    %eq3A_61 = arith.cmpf oeq, %eq3A_59, %eq3A_60 : vector<5120x128xf32>
    %convert_element_type3A_62 = arith.extui %eq3A_61 : vector<5120x128xi1> to vector<5120x128xi32>
    %convert_element_type3A_63 = arith.sitofp %convert_element_type3A_62 : vector<5120x128xi32> to vector<5120x128xf32>
    %get3A_64 = arith.constant 0 : index
    %get3A_65 = arith.constant 0 : index
    %get3A_66 = vector.load %arg17[%get3A_64, %get3A_65] : memref<128x128xf32, #tpu.memory_space<vmem>>, vector<128x128xf32>
    %get3A_67 = arith.constant 0 : index
    %get3A_68 = arith.constant 0 : index
    %get3A_69 = vector.load %arg6[%get3A_67, %get3A_68] : memref<5120x128xf32, #tpu.memory_space<vmem>>, vector<5120x128xf32>
    %dot_general3A_70 = arith.constant dense<0.000000e+00> : vector<128x128xf32>
    %dot_general3A_71 = tpu.matmul %convert_element_type3A_63, %get3A_69, %dot_general3A_70 {dimension_numbers = #tpu.dot_dimension_numbers<[0], [0], [1], [1], [0, 1, 1, 1], [], []>, transpose_lhs_hint = false} : vector<5120x128xf32>, vector<5120x128xf32>, vector<128x128xf32> -> vector<128x128xf32>
    %add3A_72 = arith.addf %get3A_66, %dot_general3A_71 : vector<128x128xf32>
    %swap3A_73 = arith.constant 0 : index
    %swap3A_74 = arith.constant 0 : index
    %swap3A_75 = vector.load %arg17[%swap3A_73, %swap3A_74] : memref<128x128xf32, #tpu.memory_space<vmem>>, vector<128x128xf32>
    tpu.vector_store %arg17[%swap3A_73, %swap3A_74], %add3A_72 {strides = array<i32>} : memref<128x128xf32, #tpu.memory_space<vmem>>, vector<128x128xf32>,
    %eq3A_76 = arith.constant 1 : i32
    %eq3A_77 = arith.cmpi eq, %arg0, %eq3A_76 : i32
    %convert_element_type3A_78 = arith.extui %eq3A_77 : i1 to i32
    %cond3A_79 = arith.constant 0 : i32
    %cond3A_80 = arith.cmpi ne, %convert_element_type3A_78, %cond3A_79 : i32
    scf.if %cond3A_80 {
      %get3A_81 = arith.constant 0 : index
      %get3A_82 = arith.constant 0 : index
      %get3A_83 = vector.load %arg16[%get3A_81, %get3A_82] : memref<128x1xf32, #tpu.memory_space<vmem>>, vector<128x1xf32>
      %max3A = arith.constant 1.000000e+00 : f32
      %max3A_84 = vector.broadcast %max3A : f32 to vector<128x1xf32>
      %max3A_85 = arith.maximumf %get3A_83, %max3A_84 : vector<128x1xf32>
      %get3A_86 = arith.constant 0 : index
      %get3A_87 = arith.constant 0 : index
      %get3A_88 = vector.load %arg15[%get3A_86, %get3A_87] : memref<128x256xf32, #tpu.memory_space<vmem>>, vector<128x256xf32>
      %div3A = vector.broadcast %max3A_85 : vector<128x1xf32> to vector<128x256xf32>
      %div3A_89 = arith.divf %get3A_88, %div3A : vector<128x256xf32>
      %gt3A_90 = arith.constant 0.000000e+00 : f32
      %gt3A_91 = vector.broadcast %gt3A_90 : f32 to vector<128x256xf32>
      %gt3A_92 = arith.cmpf ogt, %div3A_89, %gt3A_91 : vector<128x256xf32>
      %exp3A_93 = math.exp %div3A_89 : vector<128x256xf32>
      %sub3A_94 = arith.constant 1.000000e+00 : f32
      %sub3A_95 = vector.broadcast %sub3A_94 : f32 to vector<128x256xf32>
      %sub3A_96 = arith.subf %exp3A_93, %sub3A_95 : vector<128x256xf32>
      %mul3A_97 = arith.constant 1.67326319 : f32
      %mul3A_98 = vector.broadcast %mul3A_97 : f32 to vector<128x256xf32>
      %mul3A_99 = arith.mulf %mul3A_98, %sub3A_96 : vector<128x256xf32>
      %select_n3A_100 = arith.select %gt3A_92, %div3A_89, %mul3A_99 : vector<128x256xi1>, vector<128x256xf32>
      %mul3A_101 = arith.constant 1.05070102 : f32
      %mul3A_102 = vector.broadcast %mul3A_101 : f32 to vector<128x256xf32>
      %mul3A_103 = arith.mulf %mul3A_102, %select_n3A_100 : vector<128x256xf32>
      %get3A_104 = arith.constant 0 : index
      %get3A_105 = arith.constant 0 : index
      %get3A_106 = vector.load %arg17[%get3A_104, %get3A_105] : memref<128x128xf32, #tpu.memory_space<vmem>>, vector<128x128xf32>
      %get3A_107 = arith.constant 0 : index
      %get3A_108 = arith.constant 0 : index
      %get3A_109 = vector.load %arg8[%get3A_107, %get3A_108] : memref<128x256xf32, #tpu.memory_space<vmem>>, vector<128x256xf32>
      %dot_general3A_110 = arith.constant dense<0.000000e+00> : vector<128x256xf32>
      %dot_general3A_111 = tpu.matmul %get3A_106, %get3A_109, %dot_general3A_110 {dimension_numbers = #tpu.dot_dimension_numbers<[1], [0], [0], [1], [0, 0, 1, 1], [], []>, transpose_lhs_hint = false} : vector<128x128xf32>, vector<128x256xf32>, vector<128x256xf32> -> vector<128x256xf32>
      %get3A_112 = arith.constant 0 : index
      %get3A_113 = arith.constant 0 : index
      %get3A_114 = vector.load %arg9[%get3A_112, %get3A_113] : memref<1x256xf32, #tpu.memory_space<vmem>>, vector<1x256xf32>
      %add3A_115 = vector.broadcast %get3A_114 : vector<1x256xf32> to vector<128x256xf32>
      %add3A_116 = arith.addf %dot_general3A_111, %add3A_115 : vector<128x256xf32>
      %max3A_117 = arith.constant 0.000000e+00 : f32
      %max3A_118 = vector.broadcast %max3A_117 : f32 to vector<128x256xf32>
      %max3A_119 = arith.maximumf %add3A_116, %max3A_118 : vector<128x256xf32>
      %concatenate3A_120 = tpu.concatenate %mul3A_103, %max3A_119 in 1 : vector<128x256xf32>, vector<128x256xf32> -> vector<128x512xf32>
      %get3A_121 = arith.constant 0 : index
      %get3A_122 = arith.constant 0 : index
      %get3A_123 = vector.load %arg10[%get3A_121, %get3A_122] : memref<512x128xf32, #tpu.memory_space<vmem>>, vector<512x128xf32>
      %dot_general3A_124 = arith.constant dense<0.000000e+00> : vector<128x128xf32>
      %dot_general3A_125 = tpu.matmul %concatenate3A_120, %get3A_123, %dot_general3A_124 {dimension_numbers = #tpu.dot_dimension_numbers<[1], [0], [0], [1], [0, 0, 1, 1], [], []>, transpose_lhs_hint = false} : vector<128x512xf32>, vector<512x128xf32>, vector<128x128xf32> -> vector<128x128xf32>
      %get3A_126 = arith.constant 0 : index
      %get3A_127 = arith.constant 0 : index
      %get3A_128 = vector.load %arg11[%get3A_126, %get3A_127] : memref<1x128xf32, #tpu.memory_space<vmem>>, vector<1x128xf32>
      %add3A_129 = vector.broadcast %get3A_128 : vector<1x128xf32> to vector<128x128xf32>
      %add3A_130 = arith.addf %dot_general3A_125, %add3A_129 : vector<128x128xf32>
      %gt3A_131 = arith.constant 0.000000e+00 : f32
      %gt3A_132 = vector.broadcast %gt3A_131 : f32 to vector<128x128xf32>
      %gt3A_133 = arith.cmpf ogt, %add3A_130, %gt3A_132 : vector<128x128xf32>
      %exp3A_134 = math.exp %add3A_130 : vector<128x128xf32>
      %sub3A_135 = arith.constant 1.000000e+00 : f32
      %sub3A_136 = vector.broadcast %sub3A_135 : f32 to vector<128x128xf32>
      %sub3A_137 = arith.subf %exp3A_134, %sub3A_136 : vector<128x128xf32>
      %mul3A_138 = arith.constant 1.67326319 : f32
      %mul3A_139 = vector.broadcast %mul3A_138 : f32 to vector<128x128xf32>
      %mul3A_140 = arith.mulf %mul3A_139, %sub3A_137 : vector<128x128xf32>
      %select_n3A_141 = arith.select %gt3A_133, %add3A_130, %mul3A_140 : vector<128x128xi1>, vector<128x128xf32>
      %mul3A_142 = arith.constant 1.05070102 : f32
      %mul3A_143 = vector.broadcast %mul3A_142 : f32 to vector<128x128xf32>
      %mul3A_144 = arith.mulf %mul3A_143, %select_n3A_141 : vector<128x128xf32>
      %get3A_145 = arith.constant 0 : index
      %get3A_146 = arith.constant 0 : index
      %get3A_147 = vector.load %arg12[%get3A_145, %get3A_146] : memref<128x2xf32, #tpu.memory_space<vmem>>, vector<128x2xf32>
      %dot_general3A_148 = arith.constant dense<0.000000e+00> : vector<128x2xf32>
      %dot_general3A_149 = tpu.matmul %mul3A_144, %get3A_147, %dot_general3A_148 {dimension_numbers = #tpu.dot_dimension_numbers<[1], [0], [0], [1], [0, 0, 1, 1], [], []>, transpose_lhs_hint = false} : vector<128x128xf32>, vector<128x2xf32>, vector<128x2xf32> -> vector<128x2xf32>
      %get3A_150 = arith.constant 0 : index
      %get3A_151 = arith.constant 0 : index
      %get3A_152 = vector.load %arg13[%get3A_150, %get3A_151] : memref<1x2xf32, #tpu.memory_space<vmem>>, vector<1x2xf32>
      %add3A_153 = vector.broadcast %get3A_152 : vector<1x2xf32> to vector<128x2xf32>
      %add3A_154 = arith.addf %dot_general3A_149, %add3A_153 : vector<128x2xf32>
      %reduce_max3A = arith.constant dense<0xFF800000> : vector<128xf32>
      %reduce_max3A_155 = vector.multi_reduction <maximumf>, %add3A_154, %reduce_max3A [1] : vector<128x2xf32> to vector<128xf32>
      %broadcast_in_dim3A_156 = vector.shape_cast %reduce_max3A_155 : vector<128xf32> to vector<128x1xf32>
      %sub3A_157 = vector.broadcast %broadcast_in_dim3A_156 : vector<128x1xf32> to vector<128x2xf32>
      %sub3A_158 = arith.subf %add3A_154, %sub3A_157 : vector<128x2xf32>
      %exp3A_159 = math.exp %sub3A_158 : vector<128x2xf32>
      %reduce_sum3A = arith.constant dense<0.000000e+00> : vector<128xf32>
      %reduce_sum3A_160 = vector.multi_reduction <add>, %exp3A_159, %reduce_sum3A [1] : vector<128x2xf32> to vector<128xf32>
      %broadcast_in_dim3A_161 = vector.shape_cast %reduce_sum3A_160 : vector<128xf32> to vector<128x1xf32>
      %log3A = math.log %broadcast_in_dim3A_161 : vector<128x1xf32>
      %add3A_162 = arith.addf %broadcast_in_dim3A_156, %log3A : vector<128x1xf32>
      %sub3A_163 = vector.broadcast %add3A_162 : vector<128x1xf32> to vector<128x2xf32>
      %sub3A_164 = arith.subf %add3A_154, %sub3A_163 : vector<128x2xf32>
      %swap3A_165 = arith.constant 0 : index
      %swap3A_166 = arith.constant 0 : index
      %swap3A_167 = vector.load %arg14[%swap3A_165, %swap3A_166] : memref<128x2xf32, #tpu.memory_space<vmem>>, vector<128x2xf32>
      tpu.vector_store %arg14[%swap3A_165, %swap3A_166], %sub3A_164 {strides = array<i32>} : memref<128x2xf32, #tpu.memory_space<vmem>>, vector<128x2xf32>,
    } else {
    }
    return
  }
  func.func @transform_0(%arg0: i32) -> (i32, i32) {
    %c0_i32 = arith.constant 0 : i32
    %c0_i32_0 = arith.constant 0 : i32
    return %arg0, %c0_i32 : i32, i32
  }
  func.func @transform_1(%arg0: i32) -> (i32, i32) {
    %c0_i32 = arith.constant 0 : i32
    %c0_i32_0 = arith.constant 0 : i32
    return %arg0, %c0_i32 : i32, i32
  }
  func.func @transform_2(%arg0: i32) -> (i32, i32) {
    %c0_i32 = arith.constant 0 : i32
    %c0_i32_0 = arith.constant 0 : i32
    return %arg0, %c0_i32 : i32, i32
  }
  func.func @transform_3(%arg0: i32) -> (i32, i32) {
    %c0_i32 = arith.constant 0 : i32
    %c0_i32_0 = arith.constant 0 : i32
    %c0_i32_1 = arith.constant 0 : i32
    return %c0_i32, %c0_i32_0 : i32, i32
  }
  func.func @transform_4(%arg0: i32) -> (i32, i32) {
    %c0_i32 = arith.constant 0 : i32
    %c0_i32_0 = arith.constant 0 : i32
    return %arg0, %c0_i32 : i32, i32
  }
  func.func @transform_5(%arg0: i32) -> (i32, i32) {
    %c0_i32 = arith.constant 0 : i32
    %c0_i32_0 = arith.constant 0 : i32
    return %arg0, %c0_i32 : i32, i32
  }
  func.func @transform_6(%arg0: i32) -> (i32, i32) {
    %c0_i32 = arith.constant 0 : i32
    %c0_i32_0 = arith.constant 0 : i32
    %c0_i32_1 = arith.constant 0 : i32
    return %c0_i32, %c0_i32_0 : i32, i32
  }
  func.func @transform_7(%arg0: i32) -> (i32, i32) {
    %c0_i32 = arith.constant 0 : i32
    %c0_i32_0 = arith.constant 0 : i32
    %c0_i32_1 = arith.constant 0 : i32
    return %c0_i32, %c0_i32_0 : i32, i32
  }
  func.func @transform_8(%arg0: i32) -> (i32, i32) {
    %c0_i32 = arith.constant 0 : i32
    %c0_i32_0 = arith.constant 0 : i32
    %c0_i32_1 = arith.constant 0 : i32
    return %c0_i32, %c0_i32_0 : i32, i32
  }
  func.func @transform_9(%arg0: i32) -> (i32, i32) {
    %c0_i32 = arith.constant 0 : i32
    %c0_i32_0 = arith.constant 0 : i32
    %c0_i32_1 = arith.constant 0 : i32
    return %c0_i32, %c0_i32_0 : i32, i32
  }
  func.func @transform_10(%arg0: i32) -> (i32, i32) {
    %c0_i32 = arith.constant 0 : i32
    %c0_i32_0 = arith.constant 0 : i32
    %c0_i32_1 = arith.constant 0 : i32
    return %c0_i32, %c0_i32_0 : i32, i32
  }
  func.func @transform_11(%arg0: i32) -> (i32, i32) {
    %c0_i32 = arith.constant 0 : i32
    %c0_i32_0 = arith.constant 0 : i32
    %c0_i32_1 = arith.constant 0 : i32
    return %c0_i32, %c0_i32_0 : i32, i32
  }
  func.func @transform_12(%arg0: i32) -> (i32, i32) {
    %c0_i32 = arith.constant 0 : i32
    %c0_i32_0 = arith.constant 0 : i32
    %c0_i32_1 = arith.constant 0 : i32
    return %c0_i32, %c0_i32_0 : i32, i32
  }
  func.func @transform_13(%arg0: i32) -> (i32, i32) {
    %c0_i32 = arith.constant 0 : i32
    %c0_i32_0 = arith.constant 0 : i32
    %c0_i32_1 = arith.constant 0 : i32
    return %c0_i32, %c0_i32_0 : i32, i32
  }
}

</mosaic_0001>

<sc_bundles>
// kernel: kernel.12.cloned.1.call-start
scs
__scs_entry_jumppad:
0x0: {  	(pc) =	sbr.rel $0x88, $3  }
0x1: {  	(tag) =	ssettag $0x0;
	lr =	simm.s32 $0x1  }
0x2: {  	[smem:$0x3F94] =	sst lr;
	_ =	strace $0xD0000000  }
0x3: {  	_ = 	snop  }
0x4: {  	_ = 	snop  }
0x5: {  	_ = 	snop  }
0x6: {  	_ = 	snop  }
0x7: {  	_ = 	snop  }
__scs_overlays_trampoline_lowered:
0x8: {  	[smem:$0x3FA3] =	sst s0  }
0x9: {  	[smem:$0x3FA4] =	sst s1  }
0xa: {  	[smem:$0x3FA5] =	sst s2  }
0xb: {  	[smem:$0x3FA6] =	sst s3  }
0xc: {  	[smem:$0x3FA7] =	sst s4  }
0xd: {  	[smem:$0x3FA8] =	sst s5  }
0xe: {  	[smem:$0x3FA9] =	sst s6  }
0xf: {  	[smem:$0x3FAA] =	sst s7  }
0x10: {  	[smem:$0x3FAB] =	sst s8  }
0x11: {  	[smem:$0x3FAC] =	sst s9;
	s0 =	simm.s32 @!p0 $0x0  }
0x12: {  	s1 =	sld [smem:$0x3F92];
	s0 =	simm.s32 @p0 $0x1  }
0x13: {  	[smem:$0x3FAD] =	sst s0;
	s0 =	simm.s32 @!p1 $0x0  }
0x14: {  	s2 =	sld [smem:$0x3F91];
	s0 =	simm.s32 @p1 $0x1  }
0x15: {  	[smem:$0x3FAE] =	sst s0;
	s0 =	simm.s32 @!p2 $0x0  }
0x16: {  	s3 =	sld [smem:$0x3FDB];
	s0 =	simm.s32 @p2 $0x1  }
0x17: {  	s4 =	simm.s32 $0x1BF5;
	[smem:$0x3FB0] =	sst s0  }
0x18: {  	s0 =	sld [smem:$0x3F93];
	_ =	swait.ge [sflag:s4], $0x0  }
0x19: {  	s7 =	sld [smem:$0x3F94]  }
0x1a: {  	s8 =	sadd.s32 $0xFFFFE003, lr  }
0x1b: {  	s9 =	sadd.s32 $0xFFFFFEF7, lr;
	s5 =	simm.s32 $0xFFFFFFFF;
	p2 =	slt.u32 s8, $0xFFFFF086  }
0x1c: {  	p1 =	slt.u32 s9, $0xF7A;
	s5 =	simm.s32 @!p2 $0x0  }
0x1d: {  	s5 =	simm.s32 @p1 $0x1;
	p0 =	seq.s32 s7, s2  }
0x1e: {  	s7 =	smul.u32 @!p0 $0xF7A, s2;
	p2 =	seq.s32 @!p0 s5, $0x0  }
0x1f: {  	s9 =	smul.u32 $0xF7A, s1;
	s8 =	simm.s32 @!p0 $0x1BF5;
	p2 =	por !p2, p0  }
0x20: {  	[sflag:s8] =	ssyncset.s32 @!p0 $0xFFFFF086;
	s6 =	sadd.s32 @!p0 s3, s7;
	s7 =	simm.s32 @!p0 $0x108  }
0x21: {  	s3 =	sadd.s32 s3, s9;
	s6 =	sadd.s32 @!p0 $0x88, s6;
	s7 =	simm.s32 @p2 $0x1082  }
0x22: {  	[simem:s7], [sflag:s8] =	dma.local @!p0 [hbm:s6], $0xF7A  }
0x23: {  	s9 =	sor.u32 $0xD0000000, s2;
	s6 =	simm.s32 $0x108;
	_ =	swait.ge @!p0 [sflag:s8], $0x0  }
0x24: {  	s3 =	sadd.s32 $0x88, s3;
	s6 =	simm.s32 @!p1 $0x1082;
	[sflag:s4] =	ssyncset.s32 $0xFFFFF086  }
0x25: {  	[simem:s6], [sflag:s4] =	dma.local [hbm:s3], $0xF7A  }
0x26: {  	[smem:$0x3F94] =	sst s1;
	(tag) =	ssettag s2;
	_ =	strace s9  }
0x27: {  	s1 =	sld [smem:$0x3FA4]  }
0x28: {  	s2 =	sld [smem:$0x3FA5]  }
0x29: {  	s4 =	sld [smem:$0x3FA7]  }
0x2a: {  	p0 =	seq.s32 s5, $0x0;
	s5 =	sld [smem:$0x3FA8]  }
0x2b: {  	s6 =	sld [smem:$0x3FA9]  }
0x2c: {  	s7 =	sld [smem:$0x3FAA]  }
0x2d: {  	s3 =	simm.s32 $0x108;
	s8 =	sld [smem:$0x3FAB]  }
0x2e: {  	s3 =	simm.s32 @!p0 $0x1082;
	s9 =	sld [smem:$0x3FAC]  }
0x2f: {  	lr =	sadd.s32 s0, s3;
	s0 =	sld [smem:$0x3FA3]  }
0x30: {  	s3 =	sld [smem:$0x3FA6]  }
0x31: {  	[smem:$0x3FAF] =	sst s10  }
0x32: {  	s10 =	sld [smem:$0x3FAD];
	_ =	sdelay $0x3  }
0x33: {  	p0 =	seq.s32 s10, $0x1;
	s10 =	sld [smem:$0x3FAF];
	_ =	sdelay $0x3  }
0x34: {  	[smem:$0x3FAF] =	sst s10  }
0x35: {  	s10 =	sld [smem:$0x3FAE];
	_ =	sdelay $0x3  }
0x36: {  	p1 =	seq.s32 s10, $0x1;
	s10 =	sld [smem:$0x3FAF];
	_ =	sdelay $0x3  }
0x37: {  	[smem:$0x3FAF] =	sst s10  }
0x38: {  	s10 =	sld [smem:$0x3FB0]  }
0x39: {  	_ = 	snop;
	(pc) =	sbr.ind lr, $3  }
0x3a: {  	_ = 	snop  }
0x3b: {  	_ = 	snop  }
0x3c: {  	p2 =	seq.s32 s10, $0x1;
	s10 =	sld [smem:$0x3FAF]  }
0x3d: {  	_ =	shalt  }
0x3e: {  	_ =	shalt  }
0x3f: {  	_ =	shalt  }
0x40: {  	_ =	shalt  }
0x41: {  	_ =	shalt  }
0x42: {  	_ =	shalt  }
0x43: {  	_ =	shalt  }
0x44: {  	_ =	shalt  }
0x45: {  	_ =	shalt  }
0x46: {  	_ =	shalt  }
0x47: {  	_ =	shalt  }
0x48: {  	_ =	shalt  }
0x49: {  	_ =	shalt  }
0x4a: {  	_ =	shalt  }
0x4b: {  	_ =	shalt  }
0x4c: {  	_ =	shalt  }
0x4d: {  	_ =	shalt  }
0x4e: {  	_ =	shalt  }
0x4f: {  	_ =	shalt  }
0x50: {  	_ =	shalt  }
0x51: {  	_ =	shalt  }
0x52: {  	_ =	shalt  }
0x53: {  	_ =	shalt  }
0x54: {  	_ =	shalt  }
0x55: {  	_ =	shalt  }
0x56: {  	_ =	shalt  }
0x57: {  	_ =	shalt  }
0x58: {  	_ =	shalt  }
0x59: {  	_ =	shalt  }
0x5a: {  	_ =	shalt  }
0x5b: {  	_ =	shalt  }
0x5c: {  	_ =	shalt  }
0x5d: {  	_ =	shalt  }
0x5e: {  	_ =	shalt  }
0x5f: {  	_ =	shalt  }
0x60: {  	_ =	shalt  }
0x61: {  	_ =	shalt  }
0x62: {  	_ =	shalt  }
0x63: {  	_ =	shalt  }
0x64: {  	_ =	shalt  }
0x65: {  	_ =	shalt  }
0x66: {  	_ =	shalt  }
0x67: {  	_ =	shalt  }
0x68: {  	_ =	shalt  }
0x69: {  	_ =	shalt  }
0x6a: {  	_ =	shalt  }
0x6b: {  	_ =	shalt  }
0x6c: {  	_ =	shalt  }
0x6d: {  	_ =	shalt  }
0x6e: {  	_ =	shalt  }
0x6f: {  	_ =	shalt  }
0x70: {  	_ =	shalt  }
0x71: {  	_ =	shalt  }
0x72: {  	_ =	shalt  }
0x73: {  	_ =	shalt  }
0x74: {  	_ =	shalt  }
0x75: {  	_ =	shalt  }
0x76: {  	_ =	shalt  }
0x77: {  	_ =	shalt  }
0x78: {  	_ =	shalt  }
0x79: {  	_ =	shalt  }
0x7a: {  	_ =	shalt  }
0x7b: {  	_ =	shalt  }
0x7c: {  	_ =	shalt  }
0x7d: {  	_ =	shalt  }
0x7e: {  	_ =	shalt  }
0x7f: {  	_ =	shalt  }
0x80: {  	_ =	shalt  }
0x81: {  	_ =	shalt  }
0x82: {  	_ =	shalt  }
0x83: {  	_ =	shalt  }
0x84: {  	_ =	shalt  }
0x85: {  	_ =	shalt  }
0x86: {  	_ =	shalt  }
0x87: {  	_ =	shalt  }
.Lfunc_end0:
.L_simem_size_0:
called_computation.1_lowered:
.L_overlay_start_0:
0x88: {  	s2 =	sld [smem:$0x3FD9]  }
0x89: {  	s3 =	sld [smem:$0x3FFE];
	_ =	sdelay $0x1  }
0x8a: {  	s1 =	srdreg.scid  }
0x8b: {  	s0 =	sand.u32 $0x1, s1  }
0x8c: {  	s16 =	sshll.u32 s0, $0xA;
	s2 =	sadd.s32 s3, s2  }
0x8d: {  	s2 =	sadd.s32 s2, s16  }
0x8e: {  	[smem:$0x3FBB] =	sst s2  }
0x8f: {  	_ = 	snop  }
0x90: {  	(tm) =	ssettm $0x1  }
0x91: {  	s17 =	sld [smem:$0x3FFB];
	_ =	sdelay $0x3  }
0x92: {  	_ =	strace s17  }
0x93: {  	s2 =	sld [smem:$0x3FFC];
	_ =	sdelay $0x3  }
0x94: {  	_ =	strace s2  }
0x95: {  	s2 =	sld [smem:$0x3FFD];
	_ =	sdelay $0x3  }
0x96: {  	_ =	strace s2  }
0x97: {  	_ =	strace $0x8FFFFFFF  }
0x98: {  	s18 =	sld [smem:$0x3FDB];
	_ =	sdelay $0x1  }
0x99: {  	s19 =	simm.s32 $_scs_section_size  }
0x9a: {  	s4 =	simm.s32 $_size__tile_overlayer_lowered;
	s5 =	simm.s32 $_tile_overlayer_lowered  }
0x9b: {  	s22 =	simm.s32 $0x1BFF;
	s21 =	sshll.u32 s5, $0x1;
	s2 =	sadd.s32 s19, s18  }
0x9c: {  	s6 =	simm.s32 $0x0;
	s20 =	sshll.u32 s4, $0x1;
	s4 =	sadd.s32 s21, s2  }
0x9d: {  	[timem:s6], [sflag:s22] =	dma.local [hbm:s4], s20  }
0x9e: {  	_ =	swait.ge [sflag:s22], s20  }
0x9f: {  	s3 =	ssub.s32 $0x0, s20;
	[sflag:s22] =	ssyncset.done $0x0  }
0xa0: {  	[sflag:s22] =	ssyncadd.s32 s3;
	_ =	sdelay $0x1  }
0xa1: {  	s23 =	simm.s32 $0x1B8B  }
0xa2: {  	_ =	swait.ge [sflag:s23], $0x1  }
0xa3: {  	[sflag:s23] =	ssyncset.done $0x0  }
0xa4: {  	s25 =	simm.s32 $0x1B8E;
	s24 =	sld [smem:$0x3FFE];
	[sflag:s23] =	ssyncadd.s32 $0xFFFFFFFF  }
0xa5: {  	s26 =	simm.s32 $execute0_lowered;
	[smem:$0x3FD2] =	sst s25  }
0xa6: {  	s4 =	sshll.u32 s26, $0x1;
	_ =	strace $0x80000049;
	[dreg:$0x1] =	wrdreg $0xFFFFFFFF  }
0xa7: {  	s28 =	simm.s32 $_size_execute0_lowered;
	s2 =	sadd.s32 s2, s4;
	[dreg:$0x0] =	wrdreg $0x0  }
0xa8: {  	s4 =	sshll.u32 s28, $0x1;
	[dreg:$0x2] =	wrdreg s2  }
0xa9: {  	[dreg:$0x3] =	wrdreg s4  }
0xaa: {  	[dreg:$0x4] =	wrdreg $0xC0  }
0xab: {  	_ =	task [dreg:s6], $0x5FFFF  }
0xac: {  	[dreg:$0x1] =	wrdreg $0xFFFFFFFF  }
0xad: {  	[dreg:$0x0] =	wrdreg $0x60  }
0xae: {  	[dreg:$0x2] =	wrdreg s24  }
0xaf: {  	[dreg:$0x3] =	wrdreg $0x9  }
0xb0: {  	_ =	task.clear_ibuf [dreg:s6], $0x4FFFF;
	_ =	strace $0x90000049  }
0xb1: {  	s29 =	simm.s32 $0x9;
	_ =	strace $0x8000004B  }
0xb2: {  	_ =	swait.ge [sflag:s29], $0x1  }
0xb3: {  	[sflag:s29] =	ssyncadd.s32 $0xFFFFFFFF  }
0xb4: {  	_ =	strace $0x9000004B  }
0xb5: {  	_ =	sfence  }
0xb6: {  	s30 =	sld [smem:$0x0];
	_ =	sdelay $0x2  }
0xb7: {  	s31 =	sshll.u32 s1, $0xD;
	s1 =	sshrl.u32 s1, $0x2  }
0xb8: {  	s3 =	sand.u32 $0x4000, s31;
	s1 =	sadd.s32 s1, s30  }
0xb9: {  	s0 =	sor.u32 s3, s0;
	s1 =	sshll.u32 s1, $0x11  }
0xba: {  	s0 =	sor.u32 s1, s0  }
0xbb: {  	s0 =	sadd.s32 $0x8F2B, s0  }
0xbc: {  	[sflag:s0] =	ssyncadd.remote.s32 $0x1  }
0xbd: {  	_ =	sfence.sel $0xFFFF  }
0xbe: {  	[dreg:$0x0] =	wrdreg $0xFFFFFFFF;
	(pc) =	sbr.abs _section_cstart, $3  }
0xbf: {  	[dreg:$0x1] =	wrdreg $0xFFFFFFFF  }
0xc0: {  	_ =	task.clear_ibuf [dreg:s6], $0x2FFFF;
	_ =	strace $0x9FFFFFFF  }
0xc1: {  	(tm) =	ssettm $0x7FFFFFFF  }
tec
execute0_lowered:
.L_overlay_start_1:
0x0: {  	(tag) =	ssettag $0x1  }
0x1: {  	s1 =	srdreg.scid  }
0x2: {  	s1 =	sand.u32 $0x1, s1  }
0x3: {  	p0 =	seq.s32 s1, $0x1  }
.Ltmp0:
0x4: {  	_ = 	snop;
	(pc) =	sbr.rel @p0 .LBB2_4-.Ltmp0, $4  }
0x5: {  	_ = 	snop  }
0x6: {  	s2 =	rddreg [dreg:$0x0];
	s3 =	simm.s32 $0x0  }
0x7: {  	[smem:$0x7FF] =	sst s3  }
0x8: {  	s0 =	rddreg [dreg:$0x1];
	_ =	strace $0x8000004A;
	s1 =	stileid.u32  }
0x9: {  	s4 =	smul.u32 $0x50, s1  }
0xa: {  	s5 =	sadd.s32 $0xF600, s2  }
0xb: {  	s6 =	simm.s32 $0x80;
	s7 =	simm.s32 $0x2800;
	s5 =	sadd.s32 s5, s4  }
0xc: {  	[tilespmem:s3], [sflag:$0x1] =	stream.strided.gather [hbm4b:s5+s6], $0x100, s7, s6, $0x38;
	[tilespmem:$0x780] =	vst v63  }
0xd: {  	s9 =	simm.s32 $0x100;
	s8 =	sadd.s32 $0x10, s5  }
0xe: {  	[tilespmem:s9], [sflag:$0x1] =	stream.strided.gather [hbm4b:s8+s6], $0x100, s7, s6, $0x38;
	[tilespmem:$0x780] =	vst v63  }
0xf: {  	s21 =	simm.s32 $0x200;
	s20 =	sadd.s32 $0x20, s5  }
0x10: {  	[tilespmem:s21], [sflag:$0x1] =	stream.strided.gather [hbm4b:s20+s6], $0x100, s7, s6, $0x38;
	[tilespmem:$0x780] =	vst v63  }
0x11: {  	s23 =	simm.s32 $0x300;
	s22 =	sadd.s32 $0x30, s5  }
0x12: {  	[tilespmem:s23], [sflag:$0x1] =	stream.strided.gather [hbm4b:s22+s6], $0x100, s7, s6, $0x38;
	[tilespmem:$0x780] =	vst v63  }
0x13: {  	s24 =	simm.s32 $0x400;
	s25 =	simm.s32 $0x1;
	s5 =	sadd.s32 $0x40, s5  }
0x14: {  	[tilespmem:s24], [sflag:$0x1] =	stream.strided.gather [hbm4b:s5+s6], $0x100, s7, s6, $0x38;
	[tilespmem:$0x780] =	vst v63  }
0x15: {  	_ =	swait.ge [sflag:s25], $0x500  }
0x16: {  	s26 =	sand.u32 $0x70, s3;
	s28 =	sand.u32 $0x700, s3;
	[sflag:s25] =	ssyncset.done $0x0  }
0x17: {  	s3 =	sor.u32 s26, s28;
	[sflag:s25] =	ssyncadd.s32 $0xFFFFFB00  }
0x18: {  	v0 =	vld [tilespmem:s3+$0x80]  }
0x19: {  	v1 =	vld [tilespmem:s3+$0x0];
	_ =	sdelay $0x4  }
0x1a: {  	s30 =	simm.s32 $0x10;
	s29 =	sadd.s32 s4, s2;
	s4 =	simm.s32 $0x20;
	v0 =	vadd.f32 v0, v1  }
0x1b: {  	s31 =	sand.u32 $0x700, s4;
	s5 =	sand.u32 $0x70, s30;
	s3 =	simm.s32 $0x500  }
0x1c: {  	s2 =	sadd.s32 $0x5600, s29;
	s6 =	sor.u32 s5, s31;
	s5 =	simm.s32 $0x20;
	[tilespmem:s3+$0x0] =	vst v0  }
.LBB2_2:
0x1d: {  	p0 =	sne.s32 s5, $0x270;
	v0 =	vld [tilespmem:s6+$0x80]  }
0x1e: {  	v1 =	vld [tilespmem:s6+$0x0];
	_ =	sdelay $0x2  }
.Ltmp1:
0x1f: {  	(pc) =	sbr.rel @p0 .LBB2_2-.Ltmp1, $4  }
0x20: {  	_ = 	snop  }
0x21: {  	s4 =	sadd.s32 $0x20, s4;
	v0 =	vadd.f32 v0, v1  }
0x22: {  	s3 =	sadd.s32 $0x10, s3;
	s6 =	sand.u32 $0x70, s5;
	s7 =	sand.u32 $0x700, s4  }
0x23: {  	s5 =	sadd.s32 $0x10, s5;
	s6 =	sor.u32 s6, s7;
	[tilespmem:s3+$0x0] =	vst v0  }
0x24: {  	v0 =	vld [tilespmem:s6+$0x80]  }
0x25: {  	v1 =	vld [tilespmem:s6+$0x0];
	_ =	sdelay $0x4  }
0x26: {  	v0 =	vadd.f32 v0, v1  }
0x27: {  	s3 =	sadd.s32 $0x10, s3  }
0x28: {  	s30 =	simm.s32 $0x0;
	s4 =	simm.s32 $0x500;
	s31 =	simm.s32 $0x1;
	[tilespmem:s3+$0x0] =	vst v0  }
0x29: {  	[hbm4b:s2+s30] =	stream.linear.scatter [tilespmem:s4], [sflag:$0x1], $0x280, $0x38;
	[tilespmem:$0x780] =	vst v63  }
0x2a: {  	_ =	swait.ge [sflag:s31], $0x280  }
0x2b: {  	[sflag:s31] =	ssyncset.done $0x0  }
0x2c: {  	[sflag:s31] =	ssyncadd.s32 $0xFFFFFD80  }
.LBB2_4:
0x2d: {  	_ =	sfence.sel $0x180000  }
0x2e: {  	[bflag:$0x0] =	sbarrier.arrive $0xFFFF  }
0x2f: {  	p0 =	sne.s32 s1, $0x0;
	_ =	strace $0x9000004A  }
0x30: {  	s0 =	sadd.s32 @!p0 $0x100000, s0;
	[bflag:$0x2] =	sbarrier.arrive $0xFFFF  }
0x31: {  	[sflag:s0] =	ssyncadd.tile.s32 @!p0 $0x1;
	_ =	shalt  }
.Lfunc_end2:
_tile_overlayer_lowered:
.L_overlay_start_2:
0x32: {  	(tag) =	ssettag $0x2  }
0x33: {  	s0 =	rddreg [dreg:$0x0];
	s2 =	stileid.u32  }
0x34: {  	s1 =	rddreg [dreg:$0x1];
	p0 =	sne.s32 s2, $0x0  }
0x35: {  	s3 =	rddreg [dreg:$0x2];
	[bflag:$0x3] =	sbarrier.arrive $0xFFFF;
	s2 =	simm.s32 @!p0 $0x1C01  }
0x36: {  	[timem:s3], [sflag:s2] =	dma.local @!p0 [hbm:s0], s1  }
0x37: {  	s0 =	simm.s32 @!p0 $0x1  }
0x38: {  	_ =	swait.ge @!p0 [sflag:s0], s1  }
0x39: {  	s1 =	ssub.s32 @!p0 $0x0, s1;
	[sflag:s0] =	ssyncset.done @!p0 $0x0  }
0x3a: {  	[sflag:s0] =	ssyncadd.s32 @!p0 s1  }
0x3b: {  	[bflag:$0x3] =	sbarrier.arrive $0xFFFF  }
0x3c: {  	_ =	shalt  }

// kernel: kernel.15.cloned.1.call-start
scs
__scs_entry_jumppad:
0x0: {  	(pc) =	sbr.rel $0x88, $3  }
0x1: {  	(tag) =	ssettag $0x0;
	lr =	simm.s32 $0x1  }
0x2: {  	[smem:$0x3F94] =	sst lr;
	_ =	strace $0xD0000000  }
0x3: {  	_ = 	snop  }
0x4: {  	_ = 	snop  }
0x5: {  	_ = 	snop  }
0x6: {  	_ = 	snop  }
0x7: {  	_ = 	snop  }
__scs_overlays_trampoline_lowered:
0x8: {  	[smem:$0x3FA3] =	sst s0  }
0x9: {  	[smem:$0x3FA4] =	sst s1  }
0xa: {  	[smem:$0x3FA5] =	sst s2  }
0xb: {  	[smem:$0x3FA6] =	sst s3  }
0xc: {  	[smem:$0x3FA7] =	sst s4  }
0xd: {  	[smem:$0x3FA8] =	sst s5  }
0xe: {  	[smem:$0x3FA9] =	sst s6  }
0xf: {  	[smem:$0x3FAA] =	sst s7  }
0x10: {  	[smem:$0x3FAB] =	sst s8  }
0x11: {  	[smem:$0x3FAC] =	sst s9;
	s0 =	simm.s32 @!p0 $0x0  }
0x12: {  	s1 =	sld [smem:$0x3F92];
	s0 =	simm.s32 @p0 $0x1  }
0x13: {  	[smem:$0x3FAD] =	sst s0;
	s0 =	simm.s32 @!p1 $0x0  }
0x14: {  	s2 =	sld [smem:$0x3F91];
	s0 =	simm.s32 @p1 $0x1  }
0x15: {  	[smem:$0x3FAE] =	sst s0;
	s0 =	simm.s32 @!p2 $0x0  }
0x16: {  	s3 =	sld [smem:$0x3FDB];
	s0 =	simm.s32 @p2 $0x1  }
0x17: {  	s4 =	simm.s32 $0x1BF5;
	[smem:$0x3FB0] =	sst s0  }
0x18: {  	s0 =	sld [smem:$0x3F93];
	_ =	swait.ge [sflag:s4], $0x0  }
0x19: {  	s7 =	sld [smem:$0x3F94]  }
0x1a: {  	s8 =	sadd.s32 $0xFFFFE003, lr  }
0x1b: {  	s9 =	sadd.s32 $0xFFFFFEF7, lr;
	s5 =	simm.s32 $0xFFFFFFFF;
	p2 =	slt.u32 s8, $0xFFFFF086  }
0x1c: {  	p1 =	slt.u32 s9, $0xF7A;
	s5 =	simm.s32 @!p2 $0x0  }
0x1d: {  	s5 =	simm.s32 @p1 $0x1;
	p0 =	seq.s32 s7, s2  }
0x1e: {  	s7 =	smul.u32 @!p0 $0xF7A, s2;
	p2 =	seq.s32 @!p0 s5, $0x0  }
0x1f: {  	s9 =	smul.u32 $0xF7A, s1;
	s8 =	simm.s32 @!p0 $0x1BF5;
	p2 =	por !p2, p0  }
0x20: {  	[sflag:s8] =	ssyncset.s32 @!p0 $0xFFFFF086;
	s6 =	sadd.s32 @!p0 s3, s7;
	s7 =	simm.s32 @!p0 $0x108  }
0x21: {  	s3 =	sadd.s32 s3, s9;
	s6 =	sadd.s32 @!p0 $0x88, s6;
	s7 =	simm.s32 @p2 $0x1082  }
0x22: {  	[simem:s7], [sflag:s8] =	dma.local @!p0 [hbm:s6], $0xF7A  }
0x23: {  	s9 =	sor.u32 $0xD0000000, s2;
	s6 =	simm.s32 $0x108;
	_ =	swait.ge @!p0 [sflag:s8], $0x0  }
0x24: {  	s3 =	sadd.s32 $0x88, s3;
	s6 =	simm.s32 @!p1 $0x1082;
	[sflag:s4] =	ssyncset.s32 $0xFFFFF086  }
0x25: {  	[simem:s6], [sflag:s4] =	dma.local [hbm:s3], $0xF7A  }
0x26: {  	[smem:$0x3F94] =	sst s1;
	(tag) =	ssettag s2;
	_ =	strace s9  }
0x27: {  	s1 =	sld [smem:$0x3FA4]  }
0x28: {  	s2 =	sld [smem:$0x3FA5]  }
0x29: {  	s4 =	sld [smem:$0x3FA7]  }
0x2a: {  	p0 =	seq.s32 s5, $0x0;
	s5 =	sld [smem:$0x3FA8]  }
0x2b: {  	s6 =	sld [smem:$0x3FA9]  }
0x2c: {  	s7 =	sld [smem:$0x3FAA]  }
0x2d: {  	s3 =	simm.s32 $0x108;
	s8 =	sld [smem:$0x3FAB]  }
0x2e: {  	s3 =	simm.s32 @!p0 $0x1082;
	s9 =	sld [smem:$0x3FAC]  }
0x2f: {  	lr =	sadd.s32 s0, s3;
	s0 =	sld [smem:$0x3FA3]  }
0x30: {  	s3 =	sld [smem:$0x3FA6]  }
0x31: {  	[smem:$0x3FAF] =	sst s10  }
0x32: {  	s10 =	sld [smem:$0x3FAD];
	_ =	sdelay $0x3  }
0x33: {  	p0 =	seq.s32 s10, $0x1;
	s10 =	sld [smem:$0x3FAF];
	_ =	sdelay $0x3  }
0x34: {  	[smem:$0x3FAF] =	sst s10  }
0x35: {  	s10 =	sld [smem:$0x3FAE];
	_ =	sdelay $0x3  }
0x36: {  	p1 =	seq.s32 s10, $0x1;
	s10 =	sld [smem:$0x3FAF];
	_ =	sdelay $0x3  }
0x37: {  	[smem:$0x3FAF] =	sst s10  }
0x38: {  	s10 =	sld [smem:$0x3FB0]  }
0x39: {  	_ = 	snop;
	(pc) =	sbr.ind lr, $3  }
0x3a: {  	_ = 	snop  }
0x3b: {  	_ = 	snop  }
0x3c: {  	p2 =	seq.s32 s10, $0x1;
	s10 =	sld [smem:$0x3FAF]  }
0x3d: {  	_ =	shalt  }
0x3e: {  	_ =	shalt  }
0x3f: {  	_ =	shalt  }
0x40: {  	_ =	shalt  }
0x41: {  	_ =	shalt  }
0x42: {  	_ =	shalt  }
0x43: {  	_ =	shalt  }
0x44: {  	_ =	shalt  }
0x45: {  	_ =	shalt  }
0x46: {  	_ =	shalt  }
0x47: {  	_ =	shalt  }
0x48: {  	_ =	shalt  }
0x49: {  	_ =	shalt  }
0x4a: {  	_ =	shalt  }
0x4b: {  	_ =	shalt  }
0x4c: {  	_ =	shalt  }
0x4d: {  	_ =	shalt  }
0x4e: {  	_ =	shalt  }
0x4f: {  	_ =	shalt  }
0x50: {  	_ =	shalt  }
0x51: {  	_ =	shalt  }
0x52: {  	_ =	shalt  }
0x53: {  	_ =	shalt  }
0x54: {  	_ =	shalt  }
0x55: {  	_ =	shalt  }
0x56: {  	_ =	shalt  }
0x57: {  	_ =	shalt  }
0x58: {  	_ =	shalt  }
0x59: {  	_ =	shalt  }
0x5a: {  	_ =	shalt  }
0x5b: {  	_ =	shalt  }
0x5c: {  	_ =	shalt  }
0x5d: {  	_ =	shalt  }
0x5e: {  	_ =	shalt  }
0x5f: {  	_ =	shalt  }
0x60: {  	_ =	shalt  }
0x61: {  	_ =	shalt  }
0x62: {  	_ =	shalt  }
0x63: {  	_ =	shalt  }
0x64: {  	_ =	shalt  }
0x65: {  	_ =	shalt  }
0x66: {  	_ =	shalt  }
0x67: {  	_ =	shalt  }
0x68: {  	_ =	shalt  }
0x69: {  	_ =	shalt  }
0x6a: {  	_ =	shalt  }
0x6b: {  	_ =	shalt  }
0x6c: {  	_ =	shalt  }
0x6d: {  	_ =	shalt  }
0x6e: {  	_ =	shalt  }
0x6f: {  	_ =	shalt  }
0x70: {  	_ =	shalt  }
0x71: {  	_ =	shalt  }
0x72: {  	_ =	shalt  }
0x73: {  	_ =	shalt  }
0x74: {  	_ =	shalt  }
0x75: {  	_ =	shalt  }
0x76: {  	_ =	shalt  }
0x77: {  	_ =	shalt  }
0x78: {  	_ =	shalt  }
0x79: {  	_ =	shalt  }
0x7a: {  	_ =	shalt  }
0x7b: {  	_ =	shalt  }
0x7c: {  	_ =	shalt  }
0x7d: {  	_ =	shalt  }
0x7e: {  	_ =	shalt  }
0x7f: {  	_ =	shalt  }
0x80: {  	_ =	shalt  }
0x81: {  	_ =	shalt  }
0x82: {  	_ =	shalt  }
0x83: {  	_ =	shalt  }
0x84: {  	_ =	shalt  }
0x85: {  	_ =	shalt  }
0x86: {  	_ =	shalt  }
0x87: {  	_ =	shalt  }
.Lfunc_end0:
.L_simem_size_0:
called_computation.2_lowered:
.L_overlay_start_0:
0x88: {  	s2 =	sld [smem:$0x3FD9]  }
0x89: {  	s3 =	sld [smem:$0x3FFE];
	_ =	sdelay $0x1  }
0x8a: {  	s1 =	srdreg.scid  }
0x8b: {  	s0 =	sand.u32 $0x1, s1  }
0x8c: {  	s16 =	sshll.u32 s0, $0xA;
	s2 =	sadd.s32 s3, s2  }
0x8d: {  	s2 =	sadd.s32 s2, s16  }
0x8e: {  	[smem:$0x3FBB] =	sst s2  }
0x8f: {  	_ = 	snop  }
0x90: {  	(tm) =	ssettm $0x1  }
0x91: {  	s17 =	sld [smem:$0x3FFB];
	_ =	sdelay $0x3  }
0x92: {  	_ =	strace s17  }
0x93: {  	s2 =	sld [smem:$0x3FFC];
	_ =	sdelay $0x3  }
0x94: {  	_ =	strace s2  }
0x95: {  	s2 =	sld [smem:$0x3FFD];
	_ =	sdelay $0x3  }
0x96: {  	_ =	strace s2  }
0x97: {  	_ =	strace $0x8FFFFFFF  }
0x98: {  	s18 =	sld [smem:$0x3FDB];
	_ =	sdelay $0x1  }
0x99: {  	s19 =	simm.s32 $_scs_section_size  }
0x9a: {  	s4 =	simm.s32 $_size__tile_overlayer_lowered;
	s5 =	simm.s32 $_tile_overlayer_lowered  }
0x9b: {  	s22 =	simm.s32 $0x1BFF;
	s21 =	sshll.u32 s5, $0x1;
	s2 =	sadd.s32 s19, s18  }
0x9c: {  	s6 =	simm.s32 $0x0;
	s20 =	sshll.u32 s4, $0x1;
	s4 =	sadd.s32 s21, s2  }
0x9d: {  	[timem:s6], [sflag:s22] =	dma.local [hbm:s4], s20  }
0x9e: {  	_ =	swait.ge [sflag:s22], s20  }
0x9f: {  	s3 =	ssub.s32 $0x0, s20;
	[sflag:s22] =	ssyncset.done $0x0  }
0xa0: {  	[sflag:s22] =	ssyncadd.s32 s3;
	_ =	sdelay $0x1  }
0xa1: {  	s23 =	simm.s32 $0x1B8B  }
0xa2: {  	_ =	swait.ge [sflag:s23], $0x1  }
0xa3: {  	[sflag:s23] =	ssyncset.done $0x0  }
0xa4: {  	s25 =	simm.s32 $0x1B8E;
	s24 =	sld [smem:$0x3FFE];
	[sflag:s23] =	ssyncadd.s32 $0xFFFFFFFF  }
0xa5: {  	s26 =	simm.s32 $execute0_lowered;
	[smem:$0x3FD2] =	sst s25  }
0xa6: {  	s4 =	sshll.u32 s26, $0x1;
	_ =	strace $0x8000004C;
	[dreg:$0x1] =	wrdreg $0xFFFFFFFF  }
0xa7: {  	s28 =	simm.s32 $_size_execute0_lowered;
	s2 =	sadd.s32 s2, s4;
	[dreg:$0x0] =	wrdreg $0x0  }
0xa8: {  	s4 =	sshll.u32 s28, $0x1;
	[dreg:$0x2] =	wrdreg s2  }
0xa9: {  	[dreg:$0x3] =	wrdreg s4  }
0xaa: {  	[dreg:$0x4] =	wrdreg $0xC0  }
0xab: {  	_ =	task [dreg:s6], $0x5FFFF  }
0xac: {  	[dreg:$0x1] =	wrdreg $0xFFFFFFFF  }
0xad: {  	[dreg:$0x0] =	wrdreg $0x60  }
0xae: {  	[dreg:$0x2] =	wrdreg s24  }
0xaf: {  	[dreg:$0x3] =	wrdreg $0xA8000  }
0xb0: {  	[dreg:$0x4] =	wrdreg $0x9  }
0xb1: {  	_ =	task.clear_ibuf [dreg:s6], $0x5FFFF;
	_ =	strace $0x9000004C  }
0xb2: {  	s29 =	simm.s32 $0x9;
	_ =	strace $0x8000004E  }
0xb3: {  	_ =	swait.ge [sflag:s29], $0x1  }
0xb4: {  	[sflag:s29] =	ssyncadd.s32 $0xFFFFFFFF  }
0xb5: {  	_ =	strace $0x9000004E  }
0xb6: {  	_ =	sfence  }
0xb7: {  	s30 =	sld [smem:$0x0];
	_ =	sdelay $0x2  }
0xb8: {  	s31 =	sshll.u32 s1, $0xD;
	s1 =	sshrl.u32 s1, $0x2  }
0xb9: {  	s3 =	sand.u32 $0x4000, s31;
	s1 =	sadd.s32 s1, s30  }
0xba: {  	s0 =	sor.u32 s3, s0;
	s1 =	sshll.u32 s1, $0x11  }
0xbb: {  	s0 =	sor.u32 s1, s0  }
0xbc: {  	s0 =	sadd.s32 $0x8F2B, s0  }
0xbd: {  	[sflag:s0] =	ssyncadd.remote.s32 $0x1  }
0xbe: {  	_ =	sfence.sel $0xFFFF  }
0xbf: {  	[dreg:$0x0] =	wrdreg $0xFFFFFFFF;
	(pc) =	sbr.abs _section_cstart, $3  }
0xc0: {  	[dreg:$0x1] =	wrdreg $0xFFFFFFFF  }
0xc1: {  	_ =	task.clear_ibuf [dreg:s6], $0x2FFFF;
	_ =	strace $0x9FFFFFFF  }
0xc2: {  	(tm) =	ssettm $0x7FFFFFFF  }
0xc3: {  	_ =	shalt  }
tec
execute0_lowered:
.L_overlay_start_1:
0x0: {  	(tag) =	ssettag $0x1  }
0x1: {  	s0 =	rddreg [dreg:$0x0]  }
0x2: {  	s1 =	rddreg [dreg:$0x1]  }
0x3: {  	s9 =	simm.s32 $0x0;
	s2 =	srdreg.scid;
	s10 =	stileid.u32  }
0x4: {  	s18 =	simm.s32 $0x9;
	s19 =	simm.s32 $0x1400;
	s28 =	simm.s32 $0x8800  }
0x5: {  	s29 =	simm.s32 $0x1;
	s30 =	simm.s32 $0x5;
	s13 =	simm.s32 $0x7  }
0x6: {  	s16 =	simm.s32 $0x4;
	s17 =	simm.s32 $0x8;
	s31 =	simm.s32 $0x2780  }
0x7: {  	[smem:$0x7FF] =	sst s9;
	s4 =	sadd.s32 $0x88000, s0;
	s5 =	sadd.s32 $0xB0000, s0  }
0x8: {  	s6 =	sadd.s32 $0x4C000, s0;
	s7 =	sadd.s32 $0x38000, s0;
	s2 =	sand.u32 $0x1, s2  }
0x9: {  	s3 =	smul.u32 $0x50000, s10;
	s8 =	sadd.s32 $0x100000, s0;
	s0 =	sadd.s32 $0x128000, s0  }
0xa: {  	s11 =	smul.u32 $0x2800, s10;
	_ =	strace $0x8000004D;
	[dreg:$0x4] =	wrdreg s8  }
0xb: {  	s12 =	smul.u32 $0x140, s10;
	s24 =	sshll.u32 s10, $0x6;
	[dreg:$0x5] =	wrdreg s0  }
0xc: {  	s20 =	ssub.s32 $0x2, s2;
	p0 =	seq.s32 s2, $0x1;
	[dreg:$0x8] =	wrdreg s24  }
0xd: {  	s26 =	sor.u32 $0x1C09, s24;
	s8 =	simm.s32 $0x6;
	s2 =	simm.s32 $0x1380  }
0xe: {  	s24 =	simm.s32 $0x2680;
	s21 =	sshrl.u32 s20, $0x1;
	s3 =	sshrl.u32 s3, $0x2  }
0xf: {  	s23 =	sadd.s32 s4, s11;
	[dreg:$0x6] =	wrdreg s11;
	s25 =	sadd.s32 s5, s11  }
0x10: {  	[dreg:$0xb] =	wrdreg s26;
	s11 =	simm.s32 $0x3;
	s26 =	simm.s32 $0x2700  }
.Ltmp0:
0x11: {  	s0 =	ssub.s32 s20, s21;
	[dreg:$0x7] =	wrdreg s23;
	(pc) =	sbr.rel .LBB2_1-.Ltmp0, $4  }
0x12: {  	s22 =	sadd.s32 s3, s1;
	[dreg:$0x9] =	wrdreg s25;
	s20 =	simm.s32 $0x40  }
0x13: {  	s21 =	simm.s32 $0x2800;
	s23 =	simm.s32 $0x4800;
	s0 =	smax.u32 s0, $0x1  }
0x14: {  	s25 =	simm.s32 $0x6800;
	s10 =	sshrl.u32 s22, $0x3;
	[dreg:$0xa] =	wrdreg s0  }
0x15: {  	s22 =	simm.s32 $0x2600;
	s0 =	simm.s32 $0x2;
	[dreg:$0xc] =	wrdreg s10  }
.LBB2_12:
0x16: {  	s10 =	rddreg [dreg:$0x6];
	[bflag:$0x0] =	sbarrier.arrive $0xFFFF  }
0x17: {  	s3 =	sadd.s32 s3, s10;
	s10 =	rddreg [dreg:$0xc]  }
0x18: {  	[hbm:s3], [sflag:s14] =	dma.local [spmem:s10], $0x2800  }
0x19: {  	_ =	swait.ge [sflag:s18], $0x2800  }
0x1a: {  	s9 =	sadd.s32 $0x1, s9;
	s15 =	rddreg [dreg:$0xa]  }
0x1b: {  	p1 =	sne.s32 s9, s15  }
.Ltmp1:
0x1c: {  	_ = 	snop;
	(pc) =	sbr.rel @!p1 .LBB2_13-.Ltmp1, $3  }
0x1d: {  	[sflag:s18] =	ssyncset.done $0x0  }
0x1e: {  	[sflag:s18] =	ssyncadd.s32 $0xFFFFD800  }
0x1f: {  	[bflag:$0x0] =	sbarrier.arrive $0xFFFF;
	_ =	sdelay $0x1  }
.LBB2_1:
.Ltmp2:
0x20: {  	(pc) =	sbr.rel @!p0 .LBB2_2-.Ltmp2, $2  }
0x21: {  	_ =	sdelay $0x2  }
0x22: {  	[dreg:$0x3] =	wrdreg s9  }
0x23: {  	s3 =	rddreg [dreg:$0x9]  }
0x24: {  	s9 =	rddreg [dreg:$0xb]  }
0x25: {  	[spmem:s10], [sflag:s9] =	dma.local [hbm:s3], $0x2800  }
0x26: {  	_ =	swait.ge [sflag:s18], $0x2800  }
0x27: {  	[sflag:s18] =	ssyncset.done $0x0  }
0x28: {  	[sflag:s18] =	ssyncadd.s32 $0xFFFFD800  }
0x29: {  	s3 =	simm.s32 $0x0;
	s9 =	simm.s32 $0x0;
	[bflag:$0x0] =	sbarrier.arrive $0xFFFF  }
.LBB2_8:
0x2a: {  	s10 =	smul.u32 $0x28, s9;
	_ =	sdelay $0x1  }
0x2b: {  	s10 =	sadd.s32 s12, s10  }
0x2c: {  	s10 =	sshll.u32 s10, $0x4  }
0x2d: {  	s14 =	sadd.s32 s6, s10  }
0x2e: {  	[tilespmem:s3], [sflag:$0x9] =	stream.linear.gather [hbm4b:s14+s3], $0x1400, $0x38;
	[tilespmem:$0x1E800] =	vst v63  }
0x2f: {  	_ =	swait.ge [sflag:s18], $0x1400  }
0x30: {  	[sflag:s18] =	ssyncset.done $0x0  }
0x31: {  	s10 =	sadd.s32 s7, s10;
	[sflag:s18] =	ssyncadd.s32 $0xFFFFEC00  }
0x32: {  	[tilespmem:s19], [sflag:$0x9] =	stream.linear.gather [hbm4b:s10+s3], $0x1400, $0x38;
	[tilespmem:$0x1E800] =	vst v63  }
0x33: {  	_ =	swait.ge [sflag:s18], $0x1400  }
0x34: {  	[sflag:s18] =	ssyncset.done $0x0  }
0x35: {  	[sflag:s18] =	ssyncadd.s32 $0xFFFFEC00  }
0x36: {  	[tilespmem:s21], [sflag:$0x1] =	stream.indirect.gather [hbm4b:s5+s20], $0x80, s3, s20, $0xb8;
	[tilespmem:$0x1E800] =	vst v63  }
0x37: {  	s14 =	simm.s32 $0x80  }
0x38: {  	[tilespmem:s23], [sflag:$0x2] =	stream.indirect.gather [hbm4b:s5+s20], $0x80, s14, s20, $0xb8;
	[tilespmem:$0x1E800] =	vst v63  }
0x39: {  	s15 =	simm.s32 $0x100  }
0x3a: {  	[tilespmem:s25], [sflag:$0x3] =	stream.indirect.gather [hbm4b:s5+s20], $0x80, s15, s20, $0xb8;
	[tilespmem:$0x1E800] =	vst v63  }
0x3b: {  	s14 =	simm.s32 $0x180  }
0x3c: {  	[tilespmem:s28], [sflag:$0x4] =	stream.indirect.gather [hbm4b:s5+s20], $0x80, s14, s20, $0xb8;
	[tilespmem:$0x1E800] =	vst v63  }
0x3d: {  	_ =	swait.ge [sflag:s29], $0x2000  }
0x3e: {  	[sflag:s29] =	ssyncset.done $0x0  }
0x3f: {  	[sflag:s29] =	ssyncadd.s32 $0xFFFFE000  }
0x40: {  	[spmem:s1] =	stream.indirect.scatter.add.f32 [tilespmem:s21], [sflag:$0x5], $0x80, s19, s20, $0xb8;
	[tilespmem:$0x1E800] =	vst v63  }
0x41: {  	_ =	swait.ge [sflag:s30], $0x2000  }
0x42: {  	[sflag:s30] =	ssyncset.done $0x0  }
0x43: {  	s15 =	simm.s32 $0x200;
	[sflag:s30] =	ssyncadd.s32 $0xFFFFE000  }
0x44: {  	[tilespmem:s21], [sflag:$0x1] =	stream.indirect.gather [hbm4b:s5+s20], $0x80, s15, s20, $0xb8;
	[tilespmem:$0x1E800] =	vst v63  }
0x45: {  	_ =	swait.ge [sflag:s0], $0x2000  }
0x46: {  	[sflag:s0] =	ssyncset.done $0x0  }
0x47: {  	s14 =	simm.s32 $0x1480;
	[sflag:s0] =	ssyncadd.s32 $0xFFFFE000  }
0x48: {  	[spmem:s1] =	stream.indirect.scatter.add.f32 [tilespmem:s23], [sflag:$0x6], $0x80, s14, s20, $0xb8;
	[tilespmem:$0x1E800] =	vst v63  }
0x49: {  	_ =	swait.ge [sflag:s8], $0x2000  }
0x4a: {  	[sflag:s8] =	ssyncset.done $0x0  }
0x4b: {  	s15 =	simm.s32 $0x280;
	[sflag:s8] =	ssyncadd.s32 $0xFFFFE000  }
0x4c: {  	[tilespmem:s23], [sflag:$0x2] =	stream.indirect.gather [hbm4b:s5+s20], $0x80, s15, s20, $0xb8;
	[tilespmem:$0x1E800] =	vst v63  }
0x4d: {  	_ =	swait.ge [sflag:s11], $0x2000  }
0x4e: {  	[sflag:s11] =	ssyncset.done $0x0  }
0x4f: {  	s14 =	simm.s32 $0x1500;
	[sflag:s11] =	ssyncadd.s32 $0xFFFFE000  }
0x50: {  	[spmem:s1] =	stream.indirect.scatter.add.f32 [tilespmem:s25], [sflag:$0x7], $0x80, s14, s20, $0xb8;
	[tilespmem:$0x1E800] =	vst v63  }
0x51: {  	_ =	swait.ge [sflag:s13], $0x2000  }
0x52: {  	[sflag:s13] =	ssyncset.done $0x0  }
0x53: {  	s15 =	simm.s32 $0x300;
	[sflag:s13] =	ssyncadd.s32 $0xFFFFE000  }
0x54: {  	[tilespmem:s25], [sflag:$0x3] =	stream.indirect.gather [hbm4b:s5+s20], $0x80, s15, s20, $0xb8;
	[tilespmem:$0x1E800] =	vst v63  }
0x55: {  	_ =	swait.ge [sflag:s16], $0x2000  }
0x56: {  	[sflag:s16] =	ssyncset.done $0x0  }
0x57: {  	s14 =	simm.s32 $0x1580;
	[sflag:s16] =	ssyncadd.s32 $0xFFFFE000  }
0x58: {  	[spmem:s1] =	stream.indirect.scatter.add.f32 [tilespmem:s28], [sflag:$0x8], $0x80, s14, s20, $0xb8;
	[tilespmem:$0x1E800] =	vst v63  }
0x59: {  	_ =	swait.ge [sflag:s17], $0x2000  }
0x5a: {  	[sflag:s17] =	ssyncset.done $0x0  }
0x5b: {  	s15 =	simm.s32 $0x380;
	[sflag:s17] =	ssyncadd.s32 $0xFFFFE000  }
0x5c: {  	[tilespmem:s28], [sflag:$0x4] =	stream.indirect.gather [hbm4b:s5+s20], $0x80, s15, s20, $0xb8;
	[tilespmem:$0x1E800] =	vst v63  }
0x5d: {  	_ =	swait.ge [sflag:s29], $0x2000  }
0x5e: {  	[sflag:s29] =	ssyncset.done $0x0  }
0x5f: {  	s14 =	simm.s32 $0x1600;
	[sflag:s29] =	ssyncadd.s32 $0xFFFFE000  }
0x60: {  	[spmem:s1] =	stream.indirect.scatter.add.f32 [tilespmem:s21], [sflag:$0x5], $0x80, s14, s20, $0xb8;
	[tilespmem:$0x1E800] =	vst v63  }
0x61: {  	_ =	swait.ge [sflag:s30], $0x2000  }
0x62: {  	[sflag:s30] =	ssyncset.done $0x0  }
0x63: {  	s15 =	simm.s32 $0x400;
	[sflag:s30] =	ssyncadd.s32 $0xFFFFE000  }
0x64: {  	[tilespmem:s21], [sflag:$0x1] =	stream.indirect.gather [hbm4b:s5+s20], $0x80, s15, s20, $0xb8;
	[tilespmem:$0x1E800] =	vst v63  }
0x65: {  	_ =	swait.ge [sflag:s0], $0x2000  }
0x66: {  	[sflag:s0] =	ssyncset.done $0x0  }
0x67: {  	s14 =	simm.s32 $0x1680;
	[sflag:s0] =	ssyncadd.s32 $0xFFFFE000  }
0x68: {  	[spmem:s1] =	stream.indirect.scatter.add.f32 [tilespmem:s23], [sflag:$0x6], $0x80, s14, s20, $0xb8;
	[tilespmem:$0x1E800] =	vst v63  }
0x69: {  	_ =	swait.ge [sflag:s8], $0x2000  }
0x6a: {  	[sflag:s8] =	ssyncset.done $0x0  }
0x6b: {  	s15 =	simm.s32 $0x480;
	[sflag:s8] =	ssyncadd.s32 $0xFFFFE000  }
0x6c: {  	[tilespmem:s23], [sflag:$0x2] =	stream.indirect.gather [hbm4b:s5+s20], $0x80, s15, s20, $0xb8;
	[tilespmem:$0x1E800] =	vst v63  }
0x6d: {  	_ =	swait.ge [sflag:s11], $0x2000  }
0x6e: {  	[sflag:s11] =	ssyncset.done $0x0  }
0x6f: {  	s14 =	simm.s32 $0x1700;
	[sflag:s11] =	ssyncadd.s32 $0xFFFFE000  }
0x70: {  	[spmem:s1] =	stream.indirect.scatter.add.f32 [tilespmem:s25], [sflag:$0x7], $0x80, s14, s20, $0xb8;
	[tilespmem:$0x1E800] =	vst v63  }
0x71: {  	_ =	swait.ge [sflag:s13], $0x2000  }
0x72: {  	[sflag:s13] =	ssyncset.done $0x0  }
0x73: {  	s15 =	simm.s32 $0x500;
	[sflag:s13] =	ssyncadd.s32 $0xFFFFE000  }
0x74: {  	[tilespmem:s25], [sflag:$0x3] =	stream.indirect.gather [hbm4b:s5+s20], $0x80, s15, s20, $0xb8;
	[tilespmem:$0x1E800] =	vst v63  }
0x75: {  	_ =	swait.ge [sflag:s16], $0x2000  }
0x76: {  	[sflag:s16] =	ssyncset.done $0x0  }
0x77: {  	s14 =	simm.s32 $0x800;
	s15 =	simm.s32 $0x1780;
	[sflag:s16] =	ssyncadd.s32 $0xFFFFE000  }
.LBB2_9:
0x78: {  	[spmem:s1] =	stream.indirect.scatter.add.f32 [tilespmem:s28], [sflag:$0x8], $0x80, s15, s20, $0xb8;
	[tilespmem:$0x1E800] =	vst v63  }
0x79: {  	s10 =	smov.u32 s14  }
0x7a: {  	p1 =	sne.s32 s14, $0x3800;
	s14 =	sadd.s32 $0x800, s14;
	_ =	swait.ge [sflag:s17], $0x2000  }
0x7b: {  	s15 =	sshra.s32 s10, $0x2;
	[sflag:s17] =	ssyncset.done $0x0  }
0x7c: {  	s10 =	sadd.s32 $0x380, s15;
	[sflag:s17] =	ssyncadd.s32 $0xFFFFE000  }
0x7d: {  	[tilespmem:s28], [sflag:$0x4] =	stream.indirect.gather [hbm4b:s5+s20], $0x80, s10, s20, $0xb8;
	[tilespmem:$0x1E800] =	vst v63  }
0x7e: {  	_ =	swait.ge [sflag:s29], $0x2000  }
0x7f: {  	[sflag:s29] =	ssyncset.done $0x0  }
0x80: {  	s10 =	sadd.s32 $0x1600, s15;
	[sflag:s29] =	ssyncadd.s32 $0xFFFFE000  }
0x81: {  	[spmem:s1] =	stream.indirect.scatter.add.f32 [tilespmem:s21], [sflag:$0x5], $0x80, s10, s20, $0xb8;
	[tilespmem:$0x1E800] =	vst v63  }
0x82: {  	_ =	swait.ge [sflag:s30], $0x2000  }
0x83: {  	[sflag:s30] =	ssyncset.done $0x0  }
0x84: {  	s10 =	sadd.s32 $0x400, s15;
	[sflag:s30] =	ssyncadd.s32 $0xFFFFE000  }
0x85: {  	[tilespmem:s21], [sflag:$0x1] =	stream.indirect.gather [hbm4b:s5+s20], $0x80, s10, s20, $0xb8;
	[tilespmem:$0x1E800] =	vst v63  }
0x86: {  	_ =	swait.ge [sflag:s0], $0x2000  }
0x87: {  	[sflag:s0] =	ssyncset.done $0x0  }
0x88: {  	s10 =	sadd.s32 $0x1680, s15;
	[sflag:s0] =	ssyncadd.s32 $0xFFFFE000  }
0x89: {  	[spmem:s1] =	stream.indirect.scatter.add.f32 [tilespmem:s23], [sflag:$0x6], $0x80, s10, s20, $0xb8;
	[tilespmem:$0x1E800] =	vst v63  }
0x8a: {  	_ =	swait.ge [sflag:s8], $0x2000  }
0x8b: {  	[sflag:s8] =	ssyncset.done $0x0  }
0x8c: {  	s10 =	sadd.s32 $0x480, s15;
	[sflag:s8] =	ssyncadd.s32 $0xFFFFE000  }
0x8d: {  	[tilespmem:s23], [sflag:$0x2] =	stream.indirect.gather [hbm4b:s5+s20], $0x80, s10, s20, $0xb8;
	[tilespmem:$0x1E800] =	vst v63  }
0x8e: {  	_ =	swait.ge [sflag:s11], $0x2000  }
0x8f: {  	[sflag:s11] =	ssyncset.done $0x0  }
0x90: {  	s10 =	sadd.s32 $0x1700, s15;
	[sflag:s11] =	ssyncadd.s32 $0xFFFFE000  }
0x91: {  	[spmem:s1] =	stream.indirect.scatter.add.f32 [tilespmem:s25], [sflag:$0x7], $0x80, s10, s20, $0xb8;
	[tilespmem:$0x1E800] =	vst v63  }
0x92: {  	_ =	swait.ge [sflag:s13], $0x2000  }
0x93: {  	[sflag:s13] =	ssyncset.done $0x0  }
.Ltmp3:
0x94: {  	s10 =	sadd.s32 $0x500, s15;
	[sflag:s13] =	ssyncadd.s32 $0xFFFFE000;
	(pc) =	sbr.rel @p1 .LBB2_9-.Ltmp3, $4  }
0x95: {  	[tilespmem:s25], [sflag:$0x3] =	stream.indirect.gather [hbm4b:s5+s20], $0x80, s10, s20, $0xb8;
	[tilespmem:$0x1E800] =	vst v63  }
0x96: {  	_ =	swait.ge [sflag:s16], $0x2000  }
0x97: {  	[sflag:s16] =	ssyncset.done $0x0  }
0x98: {  	s15 =	sadd.s32 $0x1780, s15;
	[sflag:s16] =	ssyncadd.s32 $0xFFFFE000  }
0x99: {  	[spmem:s1] =	stream.indirect.scatter.add.f32 [tilespmem:s28], [sflag:$0x8], $0x80, s15, s20, $0xb8;
	[tilespmem:$0x1E800] =	vst v63  }
0x9a: {  	_ =	swait.ge [sflag:s17], $0x2000  }
0x9b: {  	[sflag:s17] =	ssyncset.done $0x0  }
0x9c: {  	[sflag:s17] =	ssyncadd.s32 $0xFFFFE000  }
0x9d: {  	[tilespmem:s28], [sflag:$0x4] =	stream.indirect.gather [hbm4b:s5+s20], $0x80, s2, s20, $0xb8;
	[tilespmem:$0x1E800] =	vst v63  }
0x9e: {  	_ =	swait.ge [sflag:s29], $0x2000  }
0x9f: {  	[sflag:s29] =	ssyncset.done $0x0  }
0xa0: {  	[sflag:s29] =	ssyncadd.s32 $0xFFFFE000  }
0xa1: {  	[spmem:s1] =	stream.indirect.scatter.add.f32 [tilespmem:s21], [sflag:$0x5], $0x80, s22, s20, $0xb8;
	[tilespmem:$0x1E800] =	vst v63  }
0xa2: {  	_ =	swait.ge [sflag:s30], $0x2000  }
0xa3: {  	[sflag:s30] =	ssyncset.done $0x0  }
0xa4: {  	[sflag:s30] =	ssyncadd.s32 $0xFFFFE000  }
0xa5: {  	_ =	swait.ge [sflag:s0], $0x2000  }
0xa6: {  	[sflag:s0] =	ssyncset.done $0x0  }
0xa7: {  	[sflag:s0] =	ssyncadd.s32 $0xFFFFE000  }
0xa8: {  	[spmem:s1] =	stream.indirect.scatter.add.f32 [tilespmem:s23], [sflag:$0x6], $0x80, s24, s20, $0xb8;
	[tilespmem:$0x1E800] =	vst v63  }
0xa9: {  	_ =	swait.ge [sflag:s8], $0x2000  }
0xaa: {  	[sflag:s8] =	ssyncset.done $0x0  }
0xab: {  	[sflag:s8] =	ssyncadd.s32 $0xFFFFE000  }
0xac: {  	_ =	swait.ge [sflag:s11], $0x2000  }
0xad: {  	[sflag:s11] =	ssyncset.done $0x0  }
0xae: {  	[sflag:s11] =	ssyncadd.s32 $0xFFFFE000  }
0xaf: {  	[spmem:s1] =	stream.indirect.scatter.add.f32 [tilespmem:s25], [sflag:$0x7], $0x80, s26, s20, $0xb8;
	[tilespmem:$0x1E800] =	vst v63  }
0xb0: {  	_ =	swait.ge [sflag:s13], $0x2000  }
0xb1: {  	[sflag:s13] =	ssyncset.done $0x0  }
0xb2: {  	[sflag:s13] =	ssyncadd.s32 $0xFFFFE000  }
0xb3: {  	s9 =	sadd.s32 $0x1, s9;
	_ =	swait.ge [sflag:s16], $0x2000  }
0xb4: {  	p1 =	sne.s32 s9, $0x8;
	[sflag:s16] =	ssyncset.done $0x0  }
.Ltmp4:
0xb5: {  	[sflag:s16] =	ssyncadd.s32 $0xFFFFE000;
	(pc) =	sbr.rel @p1 .LBB2_8-.Ltmp4, $4  }
0xb6: {  	[spmem:s1] =	stream.indirect.scatter.add.f32 [tilespmem:s28], [sflag:$0x8], $0x80, s31, s20, $0xb8;
	[tilespmem:$0x1E800] =	vst v63  }
0xb7: {  	_ =	swait.ge [sflag:s17], $0x2000  }
0xb8: {  	[sflag:s17] =	ssyncset.done $0x0  }
0xb9: {  	[sflag:s17] =	ssyncadd.s32 $0xFFFFE000  }
.Ltmp5:
0xba: {  	(pc) =	sbr.rel .LBB2_12-.Ltmp5, $4  }
0xbb: {  	_ = 	snop  }
0xbc: {  	s3 =	rddreg [dreg:$0x5]  }
0xbd: {  	s14 =	rddreg [dreg:$0xb]  }
0xbe: {  	s9 =	rddreg [dreg:$0x3]  }
.LBB2_2:
0xbf: {  	s3 =	rddreg [dreg:$0x8]  }
0xc0: {  	s15 =	rddreg [dreg:$0x7];
	s9 =	sor.u32 $0x1C09, s3  }
0xc1: {  	[dreg:$0xd] =	wrdreg s9  }
0xc2: {  	[spmem:s10], [sflag:s9] =	dma.local [hbm:s15], $0x2800  }
0xc3: {  	_ =	swait.ge [sflag:s18], $0x2800  }
0xc4: {  	[sflag:s18] =	ssyncset.done $0x0  }
0xc5: {  	[sflag:s18] =	ssyncadd.s32 $0xFFFFD800  }
0xc6: {  	s3 =	simm.s32 $0x0;
	s9 =	simm.s32 $0x0;
	[bflag:$0x0] =	sbarrier.arrive $0xFFFF  }
.LBB2_3:
0xc7: {  	s14 =	smul.u32 $0x28, s9;
	_ =	sdelay $0x1  }
0xc8: {  	s14 =	sadd.s32 s12, s14  }
0xc9: {  	s14 =	sshll.u32 s14, $0x4  }
0xca: {  	s15 =	sadd.s32 s6, s14  }
0xcb: {  	[tilespmem:s3], [sflag:$0x9] =	stream.linear.gather [hbm4b:s15+s3], $0x1400, $0x38;
	[tilespmem:$0x1E800] =	vst v63  }
0xcc: {  	_ =	swait.ge [sflag:s18], $0x1400  }
0xcd: {  	[sflag:s18] =	ssyncset.done $0x0  }
0xce: {  	s14 =	sadd.s32 s7, s14;
	[sflag:s18] =	ssyncadd.s32 $0xFFFFEC00  }
0xcf: {  	[tilespmem:s19], [sflag:$0x9] =	stream.linear.gather [hbm4b:s14+s3], $0x1400, $0x38;
	[tilespmem:$0x1E800] =	vst v63  }
0xd0: {  	_ =	swait.ge [sflag:s18], $0x1400  }
0xd1: {  	[sflag:s18] =	ssyncset.done $0x0  }
0xd2: {  	[sflag:s18] =	ssyncadd.s32 $0xFFFFEC00  }
0xd3: {  	[tilespmem:s21], [sflag:$0x1] =	stream.indirect.gather [hbm4b:s4+s20], $0x80, s3, s20, $0xb8;
	[tilespmem:$0x1E800] =	vst v63  }
0xd4: {  	s10 =	simm.s32 $0x80  }
0xd5: {  	[tilespmem:s23], [sflag:$0x2] =	stream.indirect.gather [hbm4b:s4+s20], $0x80, s10, s20, $0xb8;
	[tilespmem:$0x1E800] =	vst v63  }
0xd6: {  	s15 =	simm.s32 $0x100  }
0xd7: {  	[tilespmem:s25], [sflag:$0x3] =	stream.indirect.gather [hbm4b:s4+s20], $0x80, s15, s20, $0xb8;
	[tilespmem:$0x1E800] =	vst v63  }
0xd8: {  	s14 =	simm.s32 $0x180  }
0xd9: {  	[tilespmem:s28], [sflag:$0x4] =	stream.indirect.gather [hbm4b:s4+s20], $0x80, s14, s20, $0xb8;
	[tilespmem:$0x1E800] =	vst v63  }
0xda: {  	_ =	swait.ge [sflag:s29], $0x2000  }
0xdb: {  	[sflag:s29] =	ssyncset.done $0x0  }
0xdc: {  	[sflag:s29] =	ssyncadd.s32 $0xFFFFE000  }
0xdd: {  	[spmem:s1] =	stream.indirect.scatter.add.f32 [tilespmem:s21], [sflag:$0x5], $0x80, s19, s20, $0xb8;
	[tilespmem:$0x1E800] =	vst v63  }
0xde: {  	_ =	swait.ge [sflag:s30], $0x2000  }
0xdf: {  	[sflag:s30] =	ssyncset.done $0x0  }
0xe0: {  	s15 =	simm.s32 $0x200;
	[sflag:s30] =	ssyncadd.s32 $0xFFFFE000  }
0xe1: {  	[tilespmem:s21], [sflag:$0x1] =	stream.indirect.gather [hbm4b:s4+s20], $0x80, s15, s20, $0xb8;
	[tilespmem:$0x1E800] =	vst v63  }
0xe2: {  	_ =	swait.ge [sflag:s0], $0x2000  }
0xe3: {  	[sflag:s0] =	ssyncset.done $0x0  }
0xe4: {  	s14 =	simm.s32 $0x1480;
	[sflag:s0] =	ssyncadd.s32 $0xFFFFE000  }
0xe5: {  	[spmem:s1] =	stream.indirect.scatter.add.f32 [tilespmem:s23], [sflag:$0x6], $0x80, s14, s20, $0xb8;
	[tilespmem:$0x1E800] =	vst v63  }
0xe6: {  	_ =	swait.ge [sflag:s8], $0x2000  }
0xe7: {  	[sflag:s8] =	ssyncset.done $0x0  }
0xe8: {  	s15 =	simm.s32 $0x280;
	[sflag:s8] =	ssyncadd.s32 $0xFFFFE000  }
0xe9: {  	[tilespmem:s23], [sflag:$0x2] =	stream.indirect.gather [hbm4b:s4+s20], $0x80, s15, s20, $0xb8;
	[tilespmem:$0x1E800] =	vst v63  }
0xea: {  	_ =	swait.ge [sflag:s11], $0x2000  }
0xeb: {  	[sflag:s11] =	ssyncset.done $0x0  }
0xec: {  	s14 =	simm.s32 $0x1500;
	[sflag:s11] =	ssyncadd.s32 $0xFFFFE000  }
0xed: {  	[spmem:s1] =	stream.indirect.scatter.add.f32 [tilespmem:s25], [sflag:$0x7], $0x80, s14, s20, $0xb8;
	[tilespmem:$0x1E800] =	vst v63  }
0xee: {  	_ =	swait.ge [sflag:s13], $0x2000  }
0xef: {  	[sflag:s13] =	ssyncset.done $0x0  }
0xf0: {  	s15 =	simm.s32 $0x300;
	[sflag:s13] =	ssyncadd.s32 $0xFFFFE000  }
0xf1: {  	[tilespmem:s25], [sflag:$0x3] =	stream.indirect.gather [hbm4b:s4+s20], $0x80, s15, s20, $0xb8;
	[tilespmem:$0x1E800] =	vst v63  }
0xf2: {  	_ =	swait.ge [sflag:s16], $0x2000  }
0xf3: {  	[sflag:s16] =	ssyncset.done $0x0  }
0xf4: {  	s14 =	simm.s32 $0x1580;
	[sflag:s16] =	ssyncadd.s32 $0xFFFFE000  }
0xf5: {  	[spmem:s1] =	stream.indirect.scatter.add.f32 [tilespmem:s28], [sflag:$0x8], $0x80, s14, s20, $0xb8;
	[tilespmem:$0x1E800] =	vst v63  }
0xf6: {  	_ =	swait.ge [sflag:s17], $0x2000  }
0xf7: {  	[sflag:s17] =	ssyncset.done $0x0  }
0xf8: {  	s15 =	simm.s32 $0x380;
	[sflag:s17] =	ssyncadd.s32 $0xFFFFE000  }
0xf9: {  	[tilespmem:s28], [sflag:$0x4] =	stream.indirect.gather [hbm4b:s4+s20], $0x80, s15, s20, $0xb8;
	[tilespmem:$0x1E800] =	vst v63  }
0xfa: {  	_ =	swait.ge [sflag:s29], $0x2000  }
0xfb: {  	[sflag:s29] =	ssyncset.done $0x0  }
0xfc: {  	s10 =	simm.s32 $0x1600;
	[sflag:s29] =	ssyncadd.s32 $0xFFFFE000  }
0xfd: {  	[spmem:s1] =	stream.indirect.scatter.add.f32 [tilespmem:s21], [sflag:$0x5], $0x80, s10, s20, $0xb8;
	[tilespmem:$0x1E800] =	vst v63  }
0xfe: {  	_ =	swait.ge [sflag:s30], $0x2000  }
0xff: {  	[sflag:s30] =	ssyncset.done $0x0  }
0x100: {  	s15 =	simm.s32 $0x400;
	[sflag:s30] =	ssyncadd.s32 $0xFFFFE000  }
0x101: {  	[tilespmem:s21], [sflag:$0x1] =	stream.indirect.gather [hbm4b:s4+s20], $0x80, s15, s20, $0xb8;
	[tilespmem:$0x1E800] =	vst v63  }
0x102: {  	_ =	swait.ge [sflag:s0], $0x2000  }
0x103: {  	[sflag:s0] =	ssyncset.done $0x0  }
0x104: {  	s10 =	simm.s32 $0x1680;
	[sflag:s0] =	ssyncadd.s32 $0xFFFFE000  }
0x105: {  	[spmem:s1] =	stream.indirect.scatter.add.f32 [tilespmem:s23], [sflag:$0x6], $0x80, s10, s20, $0xb8;
	[tilespmem:$0x1E800] =	vst v63  }
0x106: {  	_ =	swait.ge [sflag:s8], $0x2000  }
0x107: {  	[sflag:s8] =	ssyncset.done $0x0  }
0x108: {  	s15 =	simm.s32 $0x480;
	[sflag:s8] =	ssyncadd.s32 $0xFFFFE000  }
0x109: {  	[tilespmem:s23], [sflag:$0x2] =	stream.indirect.gather [hbm4b:s4+s20], $0x80, s15, s20, $0xb8;
	[tilespmem:$0x1E800] =	vst v63  }
0x10a: {  	_ =	swait.ge [sflag:s11], $0x2000  }
0x10b: {  	[sflag:s11] =	ssyncset.done $0x0  }
0x10c: {  	s10 =	simm.s32 $0x1700;
	[sflag:s11] =	ssyncadd.s32 $0xFFFFE000  }
0x10d: {  	[spmem:s1] =	stream.indirect.scatter.add.f32 [tilespmem:s25], [sflag:$0x7], $0x80, s10, s20, $0xb8;
	[tilespmem:$0x1E800] =	vst v63  }
0x10e: {  	_ =	swait.ge [sflag:s13], $0x2000  }
0x10f: {  	[sflag:s13] =	ssyncset.done $0x0  }
0x110: {  	s15 =	simm.s32 $0x500;
	[sflag:s13] =	ssyncadd.s32 $0xFFFFE000  }
0x111: {  	[tilespmem:s25], [sflag:$0x3] =	stream.indirect.gather [hbm4b:s4+s20], $0x80, s15, s20, $0xb8;
	[tilespmem:$0x1E800] =	vst v63  }
0x112: {  	_ =	swait.ge [sflag:s16], $0x2000  }
0x113: {  	[sflag:s16] =	ssyncset.done $0x0  }
0x114: {  	s14 =	simm.s32 $0x800;
	s15 =	simm.s32 $0x1780;
	[sflag:s16] =	ssyncadd.s32 $0xFFFFE000  }
.LBB2_4:
0x115: {  	[spmem:s1] =	stream.indirect.scatter.add.f32 [tilespmem:s28], [sflag:$0x8], $0x80, s15, s20, $0xb8;
	[tilespmem:$0x1E800] =	vst v63  }
0x116: {  	s15 =	smov.u32 s14  }
0x117: {  	p1 =	sne.s32 s14, $0x3800;
	s14 =	sadd.s32 $0x800, s14;
	_ =	swait.ge [sflag:s17], $0x2000  }
0x118: {  	s15 =	sshra.s32 s15, $0x2;
	[sflag:s17] =	ssyncset.done $0x0  }
0x119: {  	s10 =	sadd.s32 $0x380, s15;
	[sflag:s17] =	ssyncadd.s32 $0xFFFFE000  }
0x11a: {  	[tilespmem:s28], [sflag:$0x4] =	stream.indirect.gather [hbm4b:s4+s20], $0x80, s10, s20, $0xb8;
	[tilespmem:$0x1E800] =	vst v63  }
0x11b: {  	_ =	swait.ge [sflag:s29], $0x2000  }
0x11c: {  	[sflag:s29] =	ssyncset.done $0x0  }
0x11d: {  	s10 =	sadd.s32 $0x1600, s15;
	[sflag:s29] =	ssyncadd.s32 $0xFFFFE000  }
0x11e: {  	[spmem:s1] =	stream.indirect.scatter.add.f32 [tilespmem:s21], [sflag:$0x5], $0x80, s10, s20, $0xb8;
	[tilespmem:$0x1E800] =	vst v63  }
0x11f: {  	_ =	swait.ge [sflag:s30], $0x2000  }
0x120: {  	[sflag:s30] =	ssyncset.done $0x0  }
0x121: {  	s10 =	sadd.s32 $0x400, s15;
	[sflag:s30] =	ssyncadd.s32 $0xFFFFE000  }
0x122: {  	[tilespmem:s21], [sflag:$0x1] =	stream.indirect.gather [hbm4b:s4+s20], $0x80, s10, s20, $0xb8;
	[tilespmem:$0x1E800] =	vst v63  }
0x123: {  	_ =	swait.ge [sflag:s0], $0x2000  }
0x124: {  	[sflag:s0] =	ssyncset.done $0x0  }
0x125: {  	s10 =	sadd.s32 $0x1680, s15;
	[sflag:s0] =	ssyncadd.s32 $0xFFFFE000  }
0x126: {  	[spmem:s1] =	stream.indirect.scatter.add.f32 [tilespmem:s23], [sflag:$0x6], $0x80, s10, s20, $0xb8;
	[tilespmem:$0x1E800] =	vst v63  }
0x127: {  	_ =	swait.ge [sflag:s8], $0x2000  }
0x128: {  	[sflag:s8] =	ssyncset.done $0x0  }
0x129: {  	s10 =	sadd.s32 $0x480, s15;
	[sflag:s8] =	ssyncadd.s32 $0xFFFFE000  }
0x12a: {  	[tilespmem:s23], [sflag:$0x2] =	stream.indirect.gather [hbm4b:s4+s20], $0x80, s10, s20, $0xb8;
	[tilespmem:$0x1E800] =	vst v63  }
0x12b: {  	_ =	swait.ge [sflag:s11], $0x2000  }
0x12c: {  	[sflag:s11] =	ssyncset.done $0x0  }
0x12d: {  	s10 =	sadd.s32 $0x1700, s15;
	[sflag:s11] =	ssyncadd.s32 $0xFFFFE000  }
0x12e: {  	[spmem:s1] =	stream.indirect.scatter.add.f32 [tilespmem:s25], [sflag:$0x7], $0x80, s10, s20, $0xb8;
	[tilespmem:$0x1E800] =	vst v63  }
0x12f: {  	_ =	swait.ge [sflag:s13], $0x2000  }
0x130: {  	[sflag:s13] =	ssyncset.done $0x0  }
.Ltmp6:
0x131: {  	s10 =	sadd.s32 $0x500, s15;
	[sflag:s13] =	ssyncadd.s32 $0xFFFFE000;
	(pc) =	sbr.rel @p1 .LBB2_4-.Ltmp6, $4  }
0x132: {  	[tilespmem:s25], [sflag:$0x3] =	stream.indirect.gather [hbm4b:s4+s20], $0x80, s10, s20, $0xb8;
	[tilespmem:$0x1E800] =	vst v63  }
0x133: {  	_ =	swait.ge [sflag:s16], $0x2000  }
0x134: {  	[sflag:s16] =	ssyncset.done $0x0  }
0x135: {  	s15 =	sadd.s32 $0x1780, s15;
	[sflag:s16] =	ssyncadd.s32 $0xFFFFE000  }
0x136: {  	[spmem:s1] =	stream.indirect.scatter.add.f32 [tilespmem:s28], [sflag:$0x8], $0x80, s15, s20, $0xb8;
	[tilespmem:$0x1E800] =	vst v63  }
0x137: {  	_ =	swait.ge [sflag:s17], $0x2000  }
0x138: {  	[sflag:s17] =	ssyncset.done $0x0  }
0x139: {  	[sflag:s17] =	ssyncadd.s32 $0xFFFFE000  }
0x13a: {  	[tilespmem:s28], [sflag:$0x4] =	stream.indirect.gather [hbm4b:s4+s20], $0x80, s2, s20, $0xb8;
	[tilespmem:$0x1E800] =	vst v63  }
0x13b: {  	_ =	swait.ge [sflag:s29], $0x2000  }
0x13c: {  	[sflag:s29] =	ssyncset.done $0x0  }
0x13d: {  	[sflag:s29] =	ssyncadd.s32 $0xFFFFE000  }
0x13e: {  	[spmem:s1] =	stream.indirect.scatter.add.f32 [tilespmem:s21], [sflag:$0x5], $0x80, s22, s20, $0xb8;
	[tilespmem:$0x1E800] =	vst v63  }
0x13f: {  	_ =	swait.ge [sflag:s30], $0x2000  }
0x140: {  	[sflag:s30] =	ssyncset.done $0x0  }
0x141: {  	[sflag:s30] =	ssyncadd.s32 $0xFFFFE000  }
0x142: {  	_ =	swait.ge [sflag:s0], $0x2000  }
0x143: {  	[sflag:s0] =	ssyncset.done $0x0  }
0x144: {  	[sflag:s0] =	ssyncadd.s32 $0xFFFFE000  }
0x145: {  	[spmem:s1] =	stream.indirect.scatter.add.f32 [tilespmem:s23], [sflag:$0x6], $0x80, s24, s20, $0xb8;
	[tilespmem:$0x1E800] =	vst v63  }
0x146: {  	_ =	swait.ge [sflag:s8], $0x2000  }
0x147: {  	[sflag:s8] =	ssyncset.done $0x0  }
0x148: {  	[sflag:s8] =	ssyncadd.s32 $0xFFFFE000  }
0x149: {  	_ =	swait.ge [sflag:s11], $0x2000  }
0x14a: {  	[sflag:s11] =	ssyncset.done $0x0  }
0x14b: {  	[sflag:s11] =	ssyncadd.s32 $0xFFFFE000  }
0x14c: {  	[spmem:s1] =	stream.indirect.scatter.add.f32 [tilespmem:s25], [sflag:$0x7], $0x80, s26, s20, $0xb8;
	[tilespmem:$0x1E800] =	vst v63  }
0x14d: {  	_ =	swait.ge [sflag:s13], $0x2000  }
0x14e: {  	[sflag:s13] =	ssyncset.done $0x0  }
0x14f: {  	[sflag:s13] =	ssyncadd.s32 $0xFFFFE000  }
0x150: {  	s9 =	sadd.s32 $0x1, s9;
	_ =	swait.ge [sflag:s16], $0x2000  }
0x151: {  	p1 =	seq.s32 s9, $0x8;
	[sflag:s16] =	ssyncset.done $0x0  }
.Ltmp7:
0x152: {  	[sflag:s16] =	ssyncadd.s32 $0xFFFFE000;
	(pc) =	sbr.rel @!p1 .LBB2_3-.Ltmp7, $4  }
0x153: {  	[spmem:s1] =	stream.indirect.scatter.add.f32 [tilespmem:s28], [sflag:$0x8], $0x80, s31, s20, $0xb8;
	[tilespmem:$0x1E800] =	vst v63  }
0x154: {  	_ =	swait.ge [sflag:s17], $0x2000  }
0x155: {  	[sflag:s17] =	ssyncset.done $0x0  }
0x156: {  	[sflag:s17] =	ssyncadd.s32 $0xFFFFE000  }
.Ltmp8:
0x157: {  	(pc) =	sbr.rel .LBB2_12-.Ltmp8, $4  }
0x158: {  	_ = 	snop  }
0x159: {  	s3 =	rddreg [dreg:$0x4]  }
0x15a: {  	s9 =	rddreg [dreg:$0x3]  }
0x15b: {  	s14 =	rddreg [dreg:$0xd]  }
.LBB2_13:
0x15c: {  	_ =	sfence.sel $0x180000  }
0x15d: {  	[bflag:$0x0] =	sbarrier.arrive $0xFFFF  }
0x15e: {  	_ =	strace $0x9000004D  }
0x15f: {  	s0 =	stileid.u32;
	[bflag:$0x2] =	sbarrier.arrive $0xFFFF  }
0x160: {  	p0 =	sne.s32 s0, $0x0;
	s0 =	rddreg [dreg:$0x2]  }
0x161: {  	s0 =	sadd.s32 @!p0 $0x100000, s0  }
0x162: {  	[sflag:s0] =	ssyncadd.tile.s32 @!p0 $0x1;
	_ =	shalt  }
.Lfunc_end2:
_tile_overlayer_lowered:
.L_overlay_start_2:
0x163: {  	(tag) =	ssettag $0x2  }
0x164: {  	s0 =	rddreg [dreg:$0x0];
	s2 =	stileid.u32  }
0x165: {  	s1 =	rddreg [dreg:$0x1];
	p0 =	sne.s32 s2, $0x0  }
0x166: {  	s3 =	rddreg [dreg:$0x2];
	[bflag:$0x3] =	sbarrier.arrive $0xFFFF;
	s2 =	simm.s32 @!p0 $0x1C09  }
0x167: {  	[timem:s3], [sflag:s2] =	dma.local @!p0 [hbm:s0], s1  }
0x168: {  	s0 =	simm.s32 @!p0 $0x9  }
0x169: {  	_ =	swait.ge @!p0 [sflag:s0], s1  }
0x16a: {  	s1 =	ssub.s32 @!p0 $0x0, s1;
	[sflag:s0] =	ssyncset.done @!p0 $0x0  }
0x16b: {  	[sflag:s0] =	ssyncadd.s32 @!p0 s1  }
0x16c: {  	[bflag:$0x3] =	sbarrier.arrive $0xFFFF  }
0x16d: {  	_ =	shalt  }

// kernel: kernel.18.cloned.1.call-start
scs
__scs_entry_jumppad:
0x0: {  	(pc) =	sbr.rel $0x88, $3  }
0x1: {  	(tag) =	ssettag $0x0;
	lr =	simm.s32 $0x1  }
0x2: {  	[smem:$0x3F94] =	sst lr;
	_ =	strace $0xD0000000  }
0x3: {  	_ = 	snop  }
0x4: {  	_ = 	snop  }
0x5: {  	_ = 	snop  }
0x6: {  	_ = 	snop  }
0x7: {  	_ = 	snop  }
__scs_overlays_trampoline_lowered:
0x8: {  	[smem:$0x3FA3] =	sst s0  }
0x9: {  	[smem:$0x3FA4] =	sst s1  }
0xa: {  	[smem:$0x3FA5] =	sst s2  }
0xb: {  	[smem:$0x3FA6] =	sst s3  }
0xc: {  	[smem:$0x3FA7] =	sst s4  }
0xd: {  	[smem:$0x3FA8] =	sst s5  }
0xe: {  	[smem:$0x3FA9] =	sst s6  }
0xf: {  	[smem:$0x3FAA] =	sst s7  }
0x10: {  	[smem:$0x3FAB] =	sst s8  }
0x11: {  	[smem:$0x3FAC] =	sst s9;
	s0 =	simm.s32 @!p0 $0x0  }
0x12: {  	s1 =	sld [smem:$0x3F92];
	s0 =	simm.s32 @p0 $0x1  }
0x13: {  	[smem:$0x3FAD] =	sst s0;
	s0 =	simm.s32 @!p1 $0x0  }
0x14: {  	s2 =	sld [smem:$0x3F91];
	s0 =	simm.s32 @p1 $0x1  }
0x15: {  	[smem:$0x3FAE] =	sst s0;
	s0 =	simm.s32 @!p2 $0x0  }
0x16: {  	s3 =	sld [smem:$0x3FDB];
	s0 =	simm.s32 @p2 $0x1  }
0x17: {  	s4 =	simm.s32 $0x1BF5;
	[smem:$0x3FB0] =	sst s0  }
0x18: {  	s0 =	sld [smem:$0x3F93];
	_ =	swait.ge [sflag:s4], $0x0  }
0x19: {  	s7 =	sld [smem:$0x3F94]  }
0x1a: {  	s8 =	sadd.s32 $0xFFFFE003, lr  }
0x1b: {  	s9 =	sadd.s32 $0xFFFFFEF7, lr;
	s5 =	simm.s32 $0xFFFFFFFF;
	p2 =	slt.u32 s8, $0xFFFFF086  }
0x1c: {  	p1 =	slt.u32 s9, $0xF7A;
	s5 =	simm.s32 @!p2 $0x0  }
0x1d: {  	s5 =	simm.s32 @p1 $0x1;
	p0 =	seq.s32 s7, s2  }
0x1e: {  	s7 =	smul.u32 @!p0 $0xF7A, s2;
	p2 =	seq.s32 @!p0 s5, $0x0  }
0x1f: {  	s9 =	smul.u32 $0xF7A, s1;
	s8 =	simm.s32 @!p0 $0x1BF5;
	p2 =	por !p2, p0  }
0x20: {  	[sflag:s8] =	ssyncset.s32 @!p0 $0xFFFFF086;
	s6 =	sadd.s32 @!p0 s3, s7;
	s7 =	simm.s32 @!p0 $0x108  }
0x21: {  	s3 =	sadd.s32 s3, s9;
	s6 =	sadd.s32 @!p0 $0x88, s6;
	s7 =	simm.s32 @p2 $0x1082  }
0x22: {  	[simem:s7], [sflag:s8] =	dma.local @!p0 [hbm:s6], $0xF7A  }
0x23: {  	s9 =	sor.u32 $0xD0000000, s2;
	s6 =	simm.s32 $0x108;
	_ =	swait.ge @!p0 [sflag:s8], $0x0  }
0x24: {  	s3 =	sadd.s32 $0x88, s3;
	s6 =	simm.s32 @!p1 $0x1082;
	[sflag:s4] =	ssyncset.s32 $0xFFFFF086  }
0x25: {  	[simem:s6], [sflag:s4] =	dma.local [hbm:s3], $0xF7A  }
0x26: {  	[smem:$0x3F94] =	sst s1;
	(tag) =	ssettag s2;
	_ =	strace s9  }
0x27: {  	s1 =	sld [smem:$0x3FA4]  }
0x28: {  	s2 =	sld [smem:$0x3FA5]  }
0x29: {  	s4 =	sld [smem:$0x3FA7]  }
0x2a: {  	p0 =	seq.s32 s5, $0x0;
	s5 =	sld [smem:$0x3FA8]  }
0x2b: {  	s6 =	sld [smem:$0x3FA9]  }
0x2c: {  	s7 =	sld [smem:$0x3FAA]  }
0x2d: {  	s3 =	simm.s32 $0x108;
	s8 =	sld [smem:$0x3FAB]  }
0x2e: {  	s3 =	simm.s32 @!p0 $0x1082;
	s9 =	sld [smem:$0x3FAC]  }
0x2f: {  	lr =	sadd.s32 s0, s3;
	s0 =	sld [smem:$0x3FA3]  }
0x30: {  	s3 =	sld [smem:$0x3FA6]  }
0x31: {  	[smem:$0x3FAF] =	sst s10  }
0x32: {  	s10 =	sld [smem:$0x3FAD];
	_ =	sdelay $0x3  }
0x33: {  	p0 =	seq.s32 s10, $0x1;
	s10 =	sld [smem:$0x3FAF];
	_ =	sdelay $0x3  }
0x34: {  	[smem:$0x3FAF] =	sst s10  }
0x35: {  	s10 =	sld [smem:$0x3FAE];
	_ =	sdelay $0x3  }
0x36: {  	p1 =	seq.s32 s10, $0x1;
	s10 =	sld [smem:$0x3FAF];
	_ =	sdelay $0x3  }
0x37: {  	[smem:$0x3FAF] =	sst s10  }
0x38: {  	s10 =	sld [smem:$0x3FB0]  }
0x39: {  	_ = 	snop;
	(pc) =	sbr.ind lr, $3  }
0x3a: {  	_ = 	snop  }
0x3b: {  	_ = 	snop  }
0x3c: {  	p2 =	seq.s32 s10, $0x1;
	s10 =	sld [smem:$0x3FAF]  }
0x3d: {  	_ =	shalt  }
0x3e: {  	_ =	shalt  }
0x3f: {  	_ =	shalt  }
0x40: {  	_ =	shalt  }
0x41: {  	_ =	shalt  }
0x42: {  	_ =	shalt  }
0x43: {  	_ =	shalt  }
0x44: {  	_ =	shalt  }
0x45: {  	_ =	shalt  }
0x46: {  	_ =	shalt  }
0x47: {  	_ =	shalt  }
0x48: {  	_ =	shalt  }
0x49: {  	_ =	shalt  }
0x4a: {  	_ =	shalt  }
0x4b: {  	_ =	shalt  }
0x4c: {  	_ =	shalt  }
0x4d: {  	_ =	shalt  }
0x4e: {  	_ =	shalt  }
0x4f: {  	_ =	shalt  }
0x50: {  	_ =	shalt  }
0x51: {  	_ =	shalt  }
0x52: {  	_ =	shalt  }
0x53: {  	_ =	shalt  }
0x54: {  	_ =	shalt  }
0x55: {  	_ =	shalt  }
0x56: {  	_ =	shalt  }
0x57: {  	_ =	shalt  }
0x58: {  	_ =	shalt  }
0x59: {  	_ =	shalt  }
0x5a: {  	_ =	shalt  }
0x5b: {  	_ =	shalt  }
0x5c: {  	_ =	shalt  }
0x5d: {  	_ =	shalt  }
0x5e: {  	_ =	shalt  }
0x5f: {  	_ =	shalt  }
0x60: {  	_ =	shalt  }
0x61: {  	_ =	shalt  }
0x62: {  	_ =	shalt  }
0x63: {  	_ =	shalt  }
0x64: {  	_ =	shalt  }
0x65: {  	_ =	shalt  }
0x66: {  	_ =	shalt  }
0x67: {  	_ =	shalt  }
0x68: {  	_ =	shalt  }
0x69: {  	_ =	shalt  }
0x6a: {  	_ =	shalt  }
0x6b: {  	_ =	shalt  }
0x6c: {  	_ =	shalt  }
0x6d: {  	_ =	shalt  }
0x6e: {  	_ =	shalt  }
0x6f: {  	_ =	shalt  }
0x70: {  	_ =	shalt  }
0x71: {  	_ =	shalt  }
0x72: {  	_ =	shalt  }
0x73: {  	_ =	shalt  }
0x74: {  	_ =	shalt  }
0x75: {  	_ =	shalt  }
0x76: {  	_ =	shalt  }
0x77: {  	_ =	shalt  }
0x78: {  	_ =	shalt  }
0x79: {  	_ =	shalt  }
0x7a: {  	_ =	shalt  }
0x7b: {  	_ =	shalt  }
0x7c: {  	_ =	shalt  }
0x7d: {  	_ =	shalt  }
0x7e: {  	_ =	shalt  }
0x7f: {  	_ =	shalt  }
0x80: {  	_ =	shalt  }
0x81: {  	_ =	shalt  }
0x82: {  	_ =	shalt  }
0x83: {  	_ =	shalt  }
0x84: {  	_ =	shalt  }
0x85: {  	_ =	shalt  }
0x86: {  	_ =	shalt  }
0x87: {  	_ =	shalt  }
.Lfunc_end0:
.L_simem_size_0:
called_computation.3_lowered:
.L_overlay_start_0:
0x88: {  	s2 =	sld [smem:$0x3FD9]  }
0x89: {  	s3 =	sld [smem:$0x3FFE];
	_ =	sdelay $0x1  }
0x8a: {  	s1 =	srdreg.scid  }
0x8b: {  	s0 =	sand.u32 $0x1, s1  }
0x8c: {  	s16 =	sshll.u32 s0, $0xA;
	s2 =	sadd.s32 s3, s2  }
0x8d: {  	s2 =	sadd.s32 s2, s16  }
0x8e: {  	[smem:$0x3FBB] =	sst s2  }
0x8f: {  	_ = 	snop  }
0x90: {  	(tm) =	ssettm $0x1  }
0x91: {  	s17 =	sld [smem:$0x3FFB];
	_ =	sdelay $0x3  }
0x92: {  	_ =	strace s17  }
0x93: {  	s2 =	sld [smem:$0x3FFC];
	_ =	sdelay $0x3  }
0x94: {  	_ =	strace s2  }
0x95: {  	s2 =	sld [smem:$0x3FFD];
	_ =	sdelay $0x3  }
0x96: {  	_ =	strace s2  }
0x97: {  	_ =	strace $0x8FFFFFFF  }
0x98: {  	s18 =	sld [smem:$0x3FDB];
	_ =	sdelay $0x1  }
0x99: {  	s19 =	simm.s32 $_scs_section_size  }
0x9a: {  	s4 =	simm.s32 $_size__tile_overlayer_lowered;
	s5 =	simm.s32 $_tile_overlayer_lowered  }
0x9b: {  	s22 =	simm.s32 $0x1BFF;
	s21 =	sshll.u32 s5, $0x1;
	s2 =	sadd.s32 s19, s18  }
0x9c: {  	s6 =	simm.s32 $0x0;
	s20 =	sshll.u32 s4, $0x1;
	s4 =	sadd.s32 s21, s2  }
0x9d: {  	[timem:s6], [sflag:s22] =	dma.local [hbm:s4], s20  }
0x9e: {  	_ =	swait.ge [sflag:s22], s20  }
0x9f: {  	s3 =	ssub.s32 $0x0, s20;
	[sflag:s22] =	ssyncset.done $0x0  }
0xa0: {  	[sflag:s22] =	ssyncadd.s32 s3;
	_ =	sdelay $0x1  }
0xa1: {  	s23 =	simm.s32 $0x1B8B  }
0xa2: {  	_ =	swait.ge [sflag:s23], $0x1  }
0xa3: {  	[sflag:s23] =	ssyncset.done $0x0  }
0xa4: {  	s25 =	simm.s32 $0x1B8E;
	s24 =	sld [smem:$0x3FFE];
	[sflag:s23] =	ssyncadd.s32 $0xFFFFFFFF  }
0xa5: {  	s26 =	simm.s32 $execute0_lowered;
	[smem:$0x3FD2] =	sst s25  }
0xa6: {  	s4 =	sshll.u32 s26, $0x1;
	_ =	strace $0x8000004F;
	[dreg:$0x1] =	wrdreg $0xFFFFFFFF  }
0xa7: {  	s28 =	simm.s32 $_size_execute0_lowered;
	s2 =	sadd.s32 s2, s4;
	[dreg:$0x0] =	wrdreg $0x0  }
0xa8: {  	s4 =	sshll.u32 s28, $0x1;
	[dreg:$0x2] =	wrdreg s2  }
0xa9: {  	[dreg:$0x3] =	wrdreg s4  }
0xaa: {  	[dreg:$0x4] =	wrdreg $0xC0  }
0xab: {  	_ =	task [dreg:s6], $0x5FFFF  }
0xac: {  	[dreg:$0x1] =	wrdreg $0xFFFFFFFF  }
0xad: {  	[dreg:$0x0] =	wrdreg $0x60  }
0xae: {  	[dreg:$0x2] =	wrdreg s24  }
0xaf: {  	[dreg:$0x3] =	wrdreg $0xA8000  }
0xb0: {  	[dreg:$0x4] =	wrdreg $0x9  }
0xb1: {  	_ =	task.clear_ibuf [dreg:s6], $0x5FFFF;
	_ =	strace $0x9000004F  }
0xb2: {  	s29 =	simm.s32 $0x9;
	_ =	strace $0x80000051  }
0xb3: {  	_ =	swait.ge [sflag:s29], $0x1  }
0xb4: {  	[sflag:s29] =	ssyncadd.s32 $0xFFFFFFFF  }
0xb5: {  	_ =	strace $0x90000051  }
0xb6: {  	_ =	sfence  }
0xb7: {  	s30 =	sld [smem:$0x0];
	_ =	sdelay $0x2  }
0xb8: {  	s31 =	sshll.u32 s1, $0xD;
	s1 =	sshrl.u32 s1, $0x2  }
0xb9: {  	s3 =	sand.u32 $0x4000, s31;
	s1 =	sadd.s32 s1, s30  }
0xba: {  	s0 =	sor.u32 s3, s0;
	s1 =	sshll.u32 s1, $0x11  }
0xbb: {  	s0 =	sor.u32 s1, s0  }
0xbc: {  	s0 =	sadd.s32 $0x8F2B, s0  }
0xbd: {  	[sflag:s0] =	ssyncadd.remote.s32 $0x1  }
0xbe: {  	_ =	sfence.sel $0xFFFF  }
0xbf: {  	[dreg:$0x0] =	wrdreg $0xFFFFFFFF;
	(pc) =	sbr.abs _section_cstart, $3  }
0xc0: {  	[dreg:$0x1] =	wrdreg $0xFFFFFFFF  }
0xc1: {  	_ =	task.clear_ibuf [dreg:s6], $0x2FFFF;
	_ =	strace $0x9FFFFFFF  }
0xc2: {  	(tm) =	ssettm $0x7FFFFFFF  }
0xc3: {  	_ =	shalt  }
tec
execute0_lowered:
.L_overlay_start_1:
0x0: {  	(tag) =	ssettag $0x1  }
0x1: {  	s0 =	rddreg [dreg:$0x0]  }
0x2: {  	s1 =	rddreg [dreg:$0x1]  }
0x3: {  	s9 =	simm.s32 $0x0;
	s2 =	srdreg.scid;
	s10 =	stileid.u32  }
0x4: {  	s18 =	simm.s32 $0x9;
	s19 =	simm.s32 $0x1400;
	s28 =	simm.s32 $0x8800  }
0x5: {  	s29 =	simm.s32 $0x1;
	s30 =	simm.s32 $0x5;
	s13 =	simm.s32 $0x7  }
0x6: {  	s16 =	simm.s32 $0x4;
	s17 =	simm.s32 $0x8;
	s31 =	simm.s32 $0x2780  }
0x7: {  	[smem:$0x7FF] =	sst s9;
	s4 =	sadd.s32 $0x88000, s0;
	s5 =	sadd.s32 $0xB0000, s0  }
0x8: {  	s6 =	sadd.s32 $0x4C000, s0;
	s7 =	sadd.s32 $0x38000, s0;
	s2 =	sand.u32 $0x1, s2  }
0x9: {  	s3 =	smul.u32 $0x50000, s10;
	s8 =	sadd.s32 $0x100000, s0;
	s0 =	sadd.s32 $0x128000, s0  }
0xa: {  	s11 =	smul.u32 $0x2800, s10;
	_ =	strace $0x80000050;
	[dreg:$0x4] =	wrdreg s8  }
0xb: {  	s12 =	smul.u32 $0x140, s10;
	s24 =	sshll.u32 s10, $0x6;
	[dreg:$0x5] =	wrdreg s0  }
0xc: {  	s20 =	ssub.s32 $0x2, s2;
	p0 =	seq.s32 s2, $0x1;
	[dreg:$0x8] =	wrdreg s24  }
0xd: {  	s26 =	sor.u32 $0x1C09, s24;
	s8 =	simm.s32 $0x6;
	s2 =	simm.s32 $0x1380  }
0xe: {  	s24 =	simm.s32 $0x2680;
	s21 =	sshrl.u32 s20, $0x1;
	s3 =	sshrl.u32 s3, $0x2  }
0xf: {  	s23 =	sadd.s32 s4, s11;
	[dreg:$0x6] =	wrdreg s11;
	s25 =	sadd.s32 s5, s11  }
0x10: {  	[dreg:$0xb] =	wrdreg s26;
	s11 =	simm.s32 $0x3;
	s26 =	simm.s32 $0x2700  }
.Ltmp0:
0x11: {  	s0 =	ssub.s32 s20, s21;
	[dreg:$0x7] =	wrdreg s23;
	(pc) =	sbr.rel .LBB2_1-.Ltmp0, $4  }
0x12: {  	s22 =	sadd.s32 s3, s1;
	[dreg:$0x9] =	wrdreg s25;
	s20 =	simm.s32 $0x40  }
0x13: {  	s21 =	simm.s32 $0x2800;
	s23 =	simm.s32 $0x4800;
	s0 =	smax.u32 s0, $0x1  }
0x14: {  	s25 =	simm.s32 $0x6800;
	s10 =	sshrl.u32 s22, $0x3;
	[dreg:$0xa] =	wrdreg s0  }
0x15: {  	s22 =	simm.s32 $0x2600;
	s0 =	simm.s32 $0x2;
	[dreg:$0xc] =	wrdreg s10  }
.LBB2_12:
0x16: {  	s10 =	rddreg [dreg:$0x6];
	[bflag:$0x0] =	sbarrier.arrive $0xFFFF  }
0x17: {  	s3 =	sadd.s32 s3, s10;
	s10 =	rddreg [dreg:$0xc]  }
0x18: {  	[hbm:s3], [sflag:s14] =	dma.local [spmem:s10], $0x2800  }
0x19: {  	_ =	swait.ge [sflag:s18], $0x2800  }
0x1a: {  	s9 =	sadd.s32 $0x1, s9;
	s15 =	rddreg [dreg:$0xa]  }
0x1b: {  	p1 =	sne.s32 s9, s15  }
.Ltmp1:
0x1c: {  	_ = 	snop;
	(pc) =	sbr.rel @!p1 .LBB2_13-.Ltmp1, $3  }
0x1d: {  	[sflag:s18] =	ssyncset.done $0x0  }
0x1e: {  	[sflag:s18] =	ssyncadd.s32 $0xFFFFD800  }
0x1f: {  	[bflag:$0x0] =	sbarrier.arrive $0xFFFF;
	_ =	sdelay $0x1  }
.LBB2_1:
.Ltmp2:
0x20: {  	(pc) =	sbr.rel @!p0 .LBB2_2-.Ltmp2, $2  }
0x21: {  	_ =	sdelay $0x2  }
0x22: {  	[dreg:$0x3] =	wrdreg s9  }
0x23: {  	s3 =	rddreg [dreg:$0x9]  }
0x24: {  	s9 =	rddreg [dreg:$0xb]  }
0x25: {  	[spmem:s10], [sflag:s9] =	dma.local [hbm:s3], $0x2800  }
0x26: {  	_ =	swait.ge [sflag:s18], $0x2800  }
0x27: {  	[sflag:s18] =	ssyncset.done $0x0  }
0x28: {  	[sflag:s18] =	ssyncadd.s32 $0xFFFFD800  }
0x29: {  	s3 =	simm.s32 $0x0;
	s9 =	simm.s32 $0x0;
	[bflag:$0x0] =	sbarrier.arrive $0xFFFF  }
.LBB2_8:
0x2a: {  	s10 =	smul.u32 $0x28, s9;
	_ =	sdelay $0x1  }
0x2b: {  	s10 =	sadd.s32 s12, s10  }
0x2c: {  	s10 =	sshll.u32 s10, $0x4  }
0x2d: {  	s14 =	sadd.s32 s6, s10  }
0x2e: {  	[tilespmem:s3], [sflag:$0x9] =	stream.linear.gather [hbm4b:s14+s3], $0x1400, $0x38;
	[tilespmem:$0x1E800] =	vst v63  }
0x2f: {  	_ =	swait.ge [sflag:s18], $0x1400  }
0x30: {  	[sflag:s18] =	ssyncset.done $0x0  }
0x31: {  	s10 =	sadd.s32 s7, s10;
	[sflag:s18] =	ssyncadd.s32 $0xFFFFEC00  }
0x32: {  	[tilespmem:s19], [sflag:$0x9] =	stream.linear.gather [hbm4b:s10+s3], $0x1400, $0x38;
	[tilespmem:$0x1E800] =	vst v63  }
0x33: {  	_ =	swait.ge [sflag:s18], $0x1400  }
0x34: {  	[sflag:s18] =	ssyncset.done $0x0  }
0x35: {  	[sflag:s18] =	ssyncadd.s32 $0xFFFFEC00  }
0x36: {  	[tilespmem:s21], [sflag:$0x1] =	stream.indirect.gather [hbm4b:s5+s20], $0x80, s3, s20, $0xb8;
	[tilespmem:$0x1E800] =	vst v63  }
0x37: {  	s14 =	simm.s32 $0x80  }
0x38: {  	[tilespmem:s23], [sflag:$0x2] =	stream.indirect.gather [hbm4b:s5+s20], $0x80, s14, s20, $0xb8;
	[tilespmem:$0x1E800] =	vst v63  }
0x39: {  	s15 =	simm.s32 $0x100  }
0x3a: {  	[tilespmem:s25], [sflag:$0x3] =	stream.indirect.gather [hbm4b:s5+s20], $0x80, s15, s20, $0xb8;
	[tilespmem:$0x1E800] =	vst v63  }
0x3b: {  	s14 =	simm.s32 $0x180  }
0x3c: {  	[tilespmem:s28], [sflag:$0x4] =	stream.indirect.gather [hbm4b:s5+s20], $0x80, s14, s20, $0xb8;
	[tilespmem:$0x1E800] =	vst v63  }
0x3d: {  	_ =	swait.ge [sflag:s29], $0x2000  }
0x3e: {  	[sflag:s29] =	ssyncset.done $0x0  }
0x3f: {  	[sflag:s29] =	ssyncadd.s32 $0xFFFFE000  }
0x40: {  	[spmem:s1] =	stream.indirect.scatter.add.f32 [tilespmem:s21], [sflag:$0x5], $0x80, s19, s20, $0xb8;
	[tilespmem:$0x1E800] =	vst v63  }
0x41: {  	_ =	swait.ge [sflag:s30], $0x2000  }
0x42: {  	[sflag:s30] =	ssyncset.done $0x0  }
0x43: {  	s15 =	simm.s32 $0x200;
	[sflag:s30] =	ssyncadd.s32 $0xFFFFE000  }
0x44: {  	[tilespmem:s21], [sflag:$0x1] =	stream.indirect.gather [hbm4b:s5+s20], $0x80, s15, s20, $0xb8;
	[tilespmem:$0x1E800] =	vst v63  }
0x45: {  	_ =	swait.ge [sflag:s0], $0x2000  }
0x46: {  	[sflag:s0] =	ssyncset.done $0x0  }
0x47: {  	s14 =	simm.s32 $0x1480;
	[sflag:s0] =	ssyncadd.s32 $0xFFFFE000  }
0x48: {  	[spmem:s1] =	stream.indirect.scatter.add.f32 [tilespmem:s23], [sflag:$0x6], $0x80, s14, s20, $0xb8;
	[tilespmem:$0x1E800] =	vst v63  }
0x49: {  	_ =	swait.ge [sflag:s8], $0x2000  }
0x4a: {  	[sflag:s8] =	ssyncset.done $0x0  }
0x4b: {  	s15 =	simm.s32 $0x280;
	[sflag:s8] =	ssyncadd.s32 $0xFFFFE000  }
0x4c: {  	[tilespmem:s23], [sflag:$0x2] =	stream.indirect.gather [hbm4b:s5+s20], $0x80, s15, s20, $0xb8;
	[tilespmem:$0x1E800] =	vst v63  }
0x4d: {  	_ =	swait.ge [sflag:s11], $0x2000  }
0x4e: {  	[sflag:s11] =	ssyncset.done $0x0  }
0x4f: {  	s14 =	simm.s32 $0x1500;
	[sflag:s11] =	ssyncadd.s32 $0xFFFFE000  }
0x50: {  	[spmem:s1] =	stream.indirect.scatter.add.f32 [tilespmem:s25], [sflag:$0x7], $0x80, s14, s20, $0xb8;
	[tilespmem:$0x1E800] =	vst v63  }
0x51: {  	_ =	swait.ge [sflag:s13], $0x2000  }
0x52: {  	[sflag:s13] =	ssyncset.done $0x0  }
0x53: {  	s15 =	simm.s32 $0x300;
	[sflag:s13] =	ssyncadd.s32 $0xFFFFE000  }
0x54: {  	[tilespmem:s25], [sflag:$0x3] =	stream.indirect.gather [hbm4b:s5+s20], $0x80, s15, s20, $0xb8;
	[tilespmem:$0x1E800] =	vst v63  }
0x55: {  	_ =	swait.ge [sflag:s16], $0x2000  }
0x56: {  	[sflag:s16] =	ssyncset.done $0x0  }
0x57: {  	s14 =	simm.s32 $0x1580;
	[sflag:s16] =	ssyncadd.s32 $0xFFFFE000  }
0x58: {  	[spmem:s1] =	stream.indirect.scatter.add.f32 [tilespmem:s28], [sflag:$0x8], $0x80, s14, s20, $0xb8;
	[tilespmem:$0x1E800] =	vst v63  }
0x59: {  	_ =	swait.ge [sflag:s17], $0x2000  }
0x5a: {  	[sflag:s17] =	ssyncset.done $0x0  }
0x5b: {  	s15 =	simm.s32 $0x380;
	[sflag:s17] =	ssyncadd.s32 $0xFFFFE000  }
0x5c: {  	[tilespmem:s28], [sflag:$0x4] =	stream.indirect.gather [hbm4b:s5+s20], $0x80, s15, s20, $0xb8;
	[tilespmem:$0x1E800] =	vst v63  }
0x5d: {  	_ =	swait.ge [sflag:s29], $0x2000  }
0x5e: {  	[sflag:s29] =	ssyncset.done $0x0  }
0x5f: {  	s14 =	simm.s32 $0x1600;
	[sflag:s29] =	ssyncadd.s32 $0xFFFFE000  }
0x60: {  	[spmem:s1] =	stream.indirect.scatter.add.f32 [tilespmem:s21], [sflag:$0x5], $0x80, s14, s20, $0xb8;
	[tilespmem:$0x1E800] =	vst v63  }
0x61: {  	_ =	swait.ge [sflag:s30], $0x2000  }
0x62: {  	[sflag:s30] =	ssyncset.done $0x0  }
0x63: {  	s15 =	simm.s32 $0x400;
	[sflag:s30] =	ssyncadd.s32 $0xFFFFE000  }
0x64: {  	[tilespmem:s21], [sflag:$0x1] =	stream.indirect.gather [hbm4b:s5+s20], $0x80, s15, s20, $0xb8;
	[tilespmem:$0x1E800] =	vst v63  }
0x65: {  	_ =	swait.ge [sflag:s0], $0x2000  }
0x66: {  	[sflag:s0] =	ssyncset.done $0x0  }
0x67: {  	s14 =	simm.s32 $0x1680;
	[sflag:s0] =	ssyncadd.s32 $0xFFFFE000  }
0x68: {  	[spmem:s1] =	stream.indirect.scatter.add.f32 [tilespmem:s23], [sflag:$0x6], $0x80, s14, s20, $0xb8;
	[tilespmem:$0x1E800] =	vst v63  }
0x69: {  	_ =	swait.ge [sflag:s8], $0x2000  }
0x6a: {  	[sflag:s8] =	ssyncset.done $0x0  }
0x6b: {  	s15 =	simm.s32 $0x480;
	[sflag:s8] =	ssyncadd.s32 $0xFFFFE000  }
0x6c: {  	[tilespmem:s23], [sflag:$0x2] =	stream.indirect.gather [hbm4b:s5+s20], $0x80, s15, s20, $0xb8;
	[tilespmem:$0x1E800] =	vst v63  }
0x6d: {  	_ =	swait.ge [sflag:s11], $0x2000  }
0x6e: {  	[sflag:s11] =	ssyncset.done $0x0  }
0x6f: {  	s14 =	simm.s32 $0x1700;
	[sflag:s11] =	ssyncadd.s32 $0xFFFFE000  }
0x70: {  	[spmem:s1] =	stream.indirect.scatter.add.f32 [tilespmem:s25], [sflag:$0x7], $0x80, s14, s20, $0xb8;
	[tilespmem:$0x1E800] =	vst v63  }
0x71: {  	_ =	swait.ge [sflag:s13], $0x2000  }
0x72: {  	[sflag:s13] =	ssyncset.done $0x0  }
0x73: {  	s15 =	simm.s32 $0x500;
	[sflag:s13] =	ssyncadd.s32 $0xFFFFE000  }
0x74: {  	[tilespmem:s25], [sflag:$0x3] =	stream.indirect.gather [hbm4b:s5+s20], $0x80, s15, s20, $0xb8;
	[tilespmem:$0x1E800] =	vst v63  }
0x75: {  	_ =	swait.ge [sflag:s16], $0x2000  }
0x76: {  	[sflag:s16] =	ssyncset.done $0x0  }
0x77: {  	s14 =	simm.s32 $0x800;
	s15 =	simm.s32 $0x1780;
	[sflag:s16] =	ssyncadd.s32 $0xFFFFE000  }
.LBB2_9:
0x78: {  	[spmem:s1] =	stream.indirect.scatter.add.f32 [tilespmem:s28], [sflag:$0x8], $0x80, s15, s20, $0xb8;
	[tilespmem:$0x1E800] =	vst v63  }
0x79: {  	s10 =	smov.u32 s14  }
0x7a: {  	p1 =	sne.s32 s14, $0x3800;
	s14 =	sadd.s32 $0x800, s14;
	_ =	swait.ge [sflag:s17], $0x2000  }
0x7b: {  	s15 =	sshra.s32 s10, $0x2;
	[sflag:s17] =	ssyncset.done $0x0  }
0x7c: {  	s10 =	sadd.s32 $0x380, s15;
	[sflag:s17] =	ssyncadd.s32 $0xFFFFE000  }
0x7d: {  	[tilespmem:s28], [sflag:$0x4] =	stream.indirect.gather [hbm4b:s5+s20], $0x80, s10, s20, $0xb8;
	[tilespmem:$0x1E800] =	vst v63  }
0x7e: {  	_ =	swait.ge [sflag:s29], $0x2000  }
0x7f: {  	[sflag:s29] =	ssyncset.done $0x0  }
0x80: {  	s10 =	sadd.s32 $0x1600, s15;
	[sflag:s29] =	ssyncadd.s32 $0xFFFFE000  }
0x81: {  	[spmem:s1] =	stream.indirect.scatter.add.f32 [tilespmem:s21], [sflag:$0x5], $0x80, s10, s20, $0xb8;
	[tilespmem:$0x1E800] =	vst v63  }
0x82: {  	_ =	swait.ge [sflag:s30], $0x2000  }
0x83: {  	[sflag:s30] =	ssyncset.done $0x0  }
0x84: {  	s10 =	sadd.s32 $0x400, s15;
	[sflag:s30] =	ssyncadd.s32 $0xFFFFE000  }
0x85: {  	[tilespmem:s21], [sflag:$0x1] =	stream.indirect.gather [hbm4b:s5+s20], $0x80, s10, s20, $0xb8;
	[tilespmem:$0x1E800] =	vst v63  }
0x86: {  	_ =	swait.ge [sflag:s0], $0x2000  }
0x87: {  	[sflag:s0] =	ssyncset.done $0x0  }
0x88: {  	s10 =	sadd.s32 $0x1680, s15;
	[sflag:s0] =	ssyncadd.s32 $0xFFFFE000  }
0x89: {  	[spmem:s1] =	stream.indirect.scatter.add.f32 [tilespmem:s23], [sflag:$0x6], $0x80, s10, s20, $0xb8;
	[tilespmem:$0x1E800] =	vst v63  }
0x8a: {  	_ =	swait.ge [sflag:s8], $0x2000  }
0x8b: {  	[sflag:s8] =	ssyncset.done $0x0  }
0x8c: {  	s10 =	sadd.s32 $0x480, s15;
	[sflag:s8] =	ssyncadd.s32 $0xFFFFE000  }
0x8d: {  	[tilespmem:s23], [sflag:$0x2] =	stream.indirect.gather [hbm4b:s5+s20], $0x80, s10, s20, $0xb8;
	[tilespmem:$0x1E800] =	vst v63  }
0x8e: {  	_ =	swait.ge [sflag:s11], $0x2000  }
0x8f: {  	[sflag:s11] =	ssyncset.done $0x0  }
0x90: {  	s10 =	sadd.s32 $0x1700, s15;
	[sflag:s11] =	ssyncadd.s32 $0xFFFFE000  }
0x91: {  	[spmem:s1] =	stream.indirect.scatter.add.f32 [tilespmem:s25], [sflag:$0x7], $0x80, s10, s20, $0xb8;
	[tilespmem:$0x1E800] =	vst v63  }
0x92: {  	_ =	swait.ge [sflag:s13], $0x2000  }
0x93: {  	[sflag:s13] =	ssyncset.done $0x0  }
.Ltmp3:
0x94: {  	s10 =	sadd.s32 $0x500, s15;
	[sflag:s13] =	ssyncadd.s32 $0xFFFFE000;
	(pc) =	sbr.rel @p1 .LBB2_9-.Ltmp3, $4  }
0x95: {  	[tilespmem:s25], [sflag:$0x3] =	stream.indirect.gather [hbm4b:s5+s20], $0x80, s10, s20, $0xb8;
	[tilespmem:$0x1E800] =	vst v63  }
0x96: {  	_ =	swait.ge [sflag:s16], $0x2000  }
0x97: {  	[sflag:s16] =	ssyncset.done $0x0  }
0x98: {  	s15 =	sadd.s32 $0x1780, s15;
	[sflag:s16] =	ssyncadd.s32 $0xFFFFE000  }
0x99: {  	[spmem:s1] =	stream.indirect.scatter.add.f32 [tilespmem:s28], [sflag:$0x8], $0x80, s15, s20, $0xb8;
	[tilespmem:$0x1E800] =	vst v63  }
0x9a: {  	_ =	swait.ge [sflag:s17], $0x2000  }
0x9b: {  	[sflag:s17] =	ssyncset.done $0x0  }
0x9c: {  	[sflag:s17] =	ssyncadd.s32 $0xFFFFE000  }
0x9d: {  	[tilespmem:s28], [sflag:$0x4] =	stream.indirect.gather [hbm4b:s5+s20], $0x80, s2, s20, $0xb8;
	[tilespmem:$0x1E800] =	vst v63  }
0x9e: {  	_ =	swait.ge [sflag:s29], $0x2000  }
0x9f: {  	[sflag:s29] =	ssyncset.done $0x0  }
0xa0: {  	[sflag:s29] =	ssyncadd.s32 $0xFFFFE000  }
0xa1: {  	[spmem:s1] =	stream.indirect.scatter.add.f32 [tilespmem:s21], [sflag:$0x5], $0x80, s22, s20, $0xb8;
	[tilespmem:$0x1E800] =	vst v63  }
0xa2: {  	_ =	swait.ge [sflag:s30], $0x2000  }
0xa3: {  	[sflag:s30] =	ssyncset.done $0x0  }
0xa4: {  	[sflag:s30] =	ssyncadd.s32 $0xFFFFE000  }
0xa5: {  	_ =	swait.ge [sflag:s0], $0x2000  }
0xa6: {  	[sflag:s0] =	ssyncset.done $0x0  }
0xa7: {  	[sflag:s0] =	ssyncadd.s32 $0xFFFFE000  }
0xa8: {  	[spmem:s1] =	stream.indirect.scatter.add.f32 [tilespmem:s23], [sflag:$0x6], $0x80, s24, s20, $0xb8;
	[tilespmem:$0x1E800] =	vst v63  }
0xa9: {  	_ =	swait.ge [sflag:s8], $0x2000  }
0xaa: {  	[sflag:s8] =	ssyncset.done $0x0  }
0xab: {  	[sflag:s8] =	ssyncadd.s32 $0xFFFFE000  }
0xac: {  	_ =	swait.ge [sflag:s11], $0x2000  }
0xad: {  	[sflag:s11] =	ssyncset.done $0x0  }
0xae: {  	[sflag:s11] =	ssyncadd.s32 $0xFFFFE000  }
0xaf: {  	[spmem:s1] =	stream.indirect.scatter.add.f32 [tilespmem:s25], [sflag:$0x7], $0x80, s26, s20, $0xb8;
	[tilespmem:$0x1E800] =	vst v63  }
0xb0: {  	_ =	swait.ge [sflag:s13], $0x2000  }
0xb1: {  	[sflag:s13] =	ssyncset.done $0x0  }
0xb2: {  	[sflag:s13] =	ssyncadd.s32 $0xFFFFE000  }
0xb3: {  	s9 =	sadd.s32 $0x1, s9;
	_ =	swait.ge [sflag:s16], $0x2000  }
0xb4: {  	p1 =	sne.s32 s9, $0x8;
	[sflag:s16] =	ssyncset.done $0x0  }
.Ltmp4:
0xb5: {  	[sflag:s16] =	ssyncadd.s32 $0xFFFFE000;
	(pc) =	sbr.rel @p1 .LBB2_8-.Ltmp4, $4  }
0xb6: {  	[spmem:s1] =	stream.indirect.scatter.add.f32 [tilespmem:s28], [sflag:$0x8], $0x80, s31, s20, $0xb8;
	[tilespmem:$0x1E800] =	vst v63  }
0xb7: {  	_ =	swait.ge [sflag:s17], $0x2000  }
0xb8: {  	[sflag:s17] =	ssyncset.done $0x0  }
0xb9: {  	[sflag:s17] =	ssyncadd.s32 $0xFFFFE000  }
.Ltmp5:
0xba: {  	(pc) =	sbr.rel .LBB2_12-.Ltmp5, $4  }
0xbb: {  	_ = 	snop  }
0xbc: {  	s3 =	rddreg [dreg:$0x5]  }
0xbd: {  	s14 =	rddreg [dreg:$0xb]  }
0xbe: {  	s9 =	rddreg [dreg:$0x3]  }
.LBB2_2:
0xbf: {  	s3 =	rddreg [dreg:$0x8]  }
0xc0: {  	s15 =	rddreg [dreg:$0x7];
	s9 =	sor.u32 $0x1C09, s3  }
0xc1: {  	[dreg:$0xd] =	wrdreg s9  }
0xc2: {  	[spmem:s10], [sflag:s9] =	dma.local [hbm:s15], $0x2800  }
0xc3: {  	_ =	swait.ge [sflag:s18], $0x2800  }
0xc4: {  	[sflag:s18] =	ssyncset.done $0x0  }
0xc5: {  	[sflag:s18] =	ssyncadd.s32 $0xFFFFD800  }
0xc6: {  	s3 =	simm.s32 $0x0;
	s9 =	simm.s32 $0x0;
	[bflag:$0x0] =	sbarrier.arrive $0xFFFF  }
.LBB2_3:
0xc7: {  	s14 =	smul.u32 $0x28, s9;
	_ =	sdelay $0x1  }
0xc8: {  	s14 =	sadd.s32 s12, s14  }
0xc9: {  	s14 =	sshll.u32 s14, $0x4  }
0xca: {  	s15 =	sadd.s32 s6, s14  }
0xcb: {  	[tilespmem:s3], [sflag:$0x9] =	stream.linear.gather [hbm4b:s15+s3], $0x1400, $0x38;
	[tilespmem:$0x1E800] =	vst v63  }
0xcc: {  	_ =	swait.ge [sflag:s18], $0x1400  }
0xcd: {  	[sflag:s18] =	ssyncset.done $0x0  }
0xce: {  	s14 =	sadd.s32 s7, s14;
	[sflag:s18] =	ssyncadd.s32 $0xFFFFEC00  }
0xcf: {  	[tilespmem:s19], [sflag:$0x9] =	stream.linear.gather [hbm4b:s14+s3], $0x1400, $0x38;
	[tilespmem:$0x1E800] =	vst v63  }
0xd0: {  	_ =	swait.ge [sflag:s18], $0x1400  }
0xd1: {  	[sflag:s18] =	ssyncset.done $0x0  }
0xd2: {  	[sflag:s18] =	ssyncadd.s32 $0xFFFFEC00  }
0xd3: {  	[tilespmem:s21], [sflag:$0x1] =	stream.indirect.gather [hbm4b:s4+s20], $0x80, s3, s20, $0xb8;
	[tilespmem:$0x1E800] =	vst v63  }
0xd4: {  	s10 =	simm.s32 $0x80  }
0xd5: {  	[tilespmem:s23], [sflag:$0x2] =	stream.indirect.gather [hbm4b:s4+s20], $0x80, s10, s20, $0xb8;
	[tilespmem:$0x1E800] =	vst v63  }
0xd6: {  	s15 =	simm.s32 $0x100  }
0xd7: {  	[tilespmem:s25], [sflag:$0x3] =	stream.indirect.gather [hbm4b:s4+s20], $0x80, s15, s20, $0xb8;
	[tilespmem:$0x1E800] =	vst v63  }
0xd8: {  	s14 =	simm.s32 $0x180  }
0xd9: {  	[tilespmem:s28], [sflag:$0x4] =	stream.indirect.gather [hbm4b:s4+s20], $0x80, s14, s20, $0xb8;
	[tilespmem:$0x1E800] =	vst v63  }
0xda: {  	_ =	swait.ge [sflag:s29], $0x2000  }
0xdb: {  	[sflag:s29] =	ssyncset.done $0x0  }
0xdc: {  	[sflag:s29] =	ssyncadd.s32 $0xFFFFE000  }
0xdd: {  	[spmem:s1] =	stream.indirect.scatter.add.f32 [tilespmem:s21], [sflag:$0x5], $0x80, s19, s20, $0xb8;
	[tilespmem:$0x1E800] =	vst v63  }
0xde: {  	_ =	swait.ge [sflag:s30], $0x2000  }
0xdf: {  	[sflag:s30] =	ssyncset.done $0x0  }
0xe0: {  	s15 =	simm.s32 $0x200;
	[sflag:s30] =	ssyncadd.s32 $0xFFFFE000  }
0xe1: {  	[tilespmem:s21], [sflag:$0x1] =	stream.indirect.gather [hbm4b:s4+s20], $0x80, s15, s20, $0xb8;
	[tilespmem:$0x1E800] =	vst v63  }
0xe2: {  	_ =	swait.ge [sflag:s0], $0x2000  }
0xe3: {  	[sflag:s0] =	ssyncset.done $0x0  }
0xe4: {  	s14 =	simm.s32 $0x1480;
	[sflag:s0] =	ssyncadd.s32 $0xFFFFE000  }
0xe5: {  	[spmem:s1] =	stream.indirect.scatter.add.f32 [tilespmem:s23], [sflag:$0x6], $0x80, s14, s20, $0xb8;
	[tilespmem:$0x1E800] =	vst v63  }
0xe6: {  	_ =	swait.ge [sflag:s8], $0x2000  }
0xe7: {  	[sflag:s8] =	ssyncset.done $0x0  }
0xe8: {  	s15 =	simm.s32 $0x280;
	[sflag:s8] =	ssyncadd.s32 $0xFFFFE000  }
0xe9: {  	[tilespmem:s23], [sflag:$0x2] =	stream.indirect.gather [hbm4b:s4+s20], $0x80, s15, s20, $0xb8;
	[tilespmem:$0x1E800] =	vst v63  }
0xea: {  	_ =	swait.ge [sflag:s11], $0x2000  }
0xeb: {  	[sflag:s11] =	ssyncset.done $0x0  }
0xec: {  	s14 =	simm.s32 $0x1500;
	[sflag:s11] =	ssyncadd.s32 $0xFFFFE000  }
0xed: {  	[spmem:s1] =	stream.indirect.scatter.add.f32 [tilespmem:s25], [sflag:$0x7], $0x80, s14, s20, $0xb8;
	[tilespmem:$0x1E800] =	vst v63  }
0xee: {  	_ =	swait.ge [sflag:s13], $0x2000  }
0xef: {  	[sflag:s13] =	ssyncset.done $0x0  }
0xf0: {  	s15 =	simm.s32 $0x300;
	[sflag:s13] =	ssyncadd.s32 $0xFFFFE000  }
0xf1: {  	[tilespmem:s25], [sflag:$0x3] =	stream.indirect.gather [hbm4b:s4+s20], $0x80, s15, s20, $0xb8;
	[tilespmem:$0x1E800] =	vst v63  }
0xf2: {  	_ =	swait.ge [sflag:s16], $0x2000  }
0xf3: {  	[sflag:s16] =	ssyncset.done $0x0  }
0xf4: {  	s14 =	simm.s32 $0x1580;
	[sflag:s16] =	ssyncadd.s32 $0xFFFFE000  }
0xf5: {  	[spmem:s1] =	stream.indirect.scatter.add.f32 [tilespmem:s28], [sflag:$0x8], $0x80, s14, s20, $0xb8;
	[tilespmem:$0x1E800] =	vst v63  }
0xf6: {  	_ =	swait.ge [sflag:s17], $0x2000  }
0xf7: {  	[sflag:s17] =	ssyncset.done $0x0  }
0xf8: {  	s15 =	simm.s32 $0x380;
	[sflag:s17] =	ssyncadd.s32 $0xFFFFE000  }
0xf9: {  	[tilespmem:s28], [sflag:$0x4] =	stream.indirect.gather [hbm4b:s4+s20], $0x80, s15, s20, $0xb8;
	[tilespmem:$0x1E800] =	vst v63  }
0xfa: {  	_ =	swait.ge [sflag:s29], $0x2000  }
0xfb: {  	[sflag:s29] =	ssyncset.done $0x0  }
0xfc: {  	s10 =	simm.s32 $0x1600;
	[sflag:s29] =	ssyncadd.s32 $0xFFFFE000  }
0xfd: {  	[spmem:s1] =	stream.indirect.scatter.add.f32 [tilespmem:s21], [sflag:$0x5], $0x80, s10, s20, $0xb8;
	[tilespmem:$0x1E800] =	vst v63  }
0xfe: {  	_ =	swait.ge [sflag:s30], $0x2000  }
0xff: {  	[sflag:s30] =	ssyncset.done $0x0  }
0x100: {  	s15 =	simm.s32 $0x400;
	[sflag:s30] =	ssyncadd.s32 $0xFFFFE000  }
0x101: {  	[tilespmem:s21], [sflag:$0x1] =	stream.indirect.gather [hbm4b:s4+s20], $0x80, s15, s20, $0xb8;
	[tilespmem:$0x1E800] =	vst v63  }
0x102: {  	_ =	swait.ge [sflag:s0], $0x2000  }
0x103: {  	[sflag:s0] =	ssyncset.done $0x0  }
0x104: {  	s10 =	simm.s32 $0x1680;
	[sflag:s0] =	ssyncadd.s32 $0xFFFFE000  }
0x105: {  	[spmem:s1] =	stream.indirect.scatter.add.f32 [tilespmem:s23], [sflag:$0x6], $0x80, s10, s20, $0xb8;
	[tilespmem:$0x1E800] =	vst v63  }
0x106: {  	_ =	swait.ge [sflag:s8], $0x2000  }
0x107: {  	[sflag:s8] =	ssyncset.done $0x0  }
0x108: {  	s15 =	simm.s32 $0x480;
	[sflag:s8] =	ssyncadd.s32 $0xFFFFE000  }
0x109: {  	[tilespmem:s23], [sflag:$0x2] =	stream.indirect.gather [hbm4b:s4+s20], $0x80, s15, s20, $0xb8;
	[tilespmem:$0x1E800] =	vst v63  }
0x10a: {  	_ =	swait.ge [sflag:s11], $0x2000  }
0x10b: {  	[sflag:s11] =	ssyncset.done $0x0  }
0x10c: {  	s10 =	simm.s32 $0x1700;
	[sflag:s11] =	ssyncadd.s32 $0xFFFFE000  }
0x10d: {  	[spmem:s1] =	stream.indirect.scatter.add.f32 [tilespmem:s25], [sflag:$0x7], $0x80, s10, s20, $0xb8;
	[tilespmem:$0x1E800] =	vst v63  }
0x10e: {  	_ =	swait.ge [sflag:s13], $0x2000  }
0x10f: {  	[sflag:s13] =	ssyncset.done $0x0  }
0x110: {  	s15 =	simm.s32 $0x500;
	[sflag:s13] =	ssyncadd.s32 $0xFFFFE000  }
0x111: {  	[tilespmem:s25], [sflag:$0x3] =	stream.indirect.gather [hbm4b:s4+s20], $0x80, s15, s20, $0xb8;
	[tilespmem:$0x1E800] =	vst v63  }
0x112: {  	_ =	swait.ge [sflag:s16], $0x2000  }
0x113: {  	[sflag:s16] =	ssyncset.done $0x0  }
0x114: {  	s14 =	simm.s32 $0x800;
	s15 =	simm.s32 $0x1780;
	[sflag:s16] =	ssyncadd.s32 $0xFFFFE000  }
.LBB2_4:
0x115: {  	[spmem:s1] =	stream.indirect.scatter.add.f32 [tilespmem:s28], [sflag:$0x8], $0x80, s15, s20, $0xb8;
	[tilespmem:$0x1E800] =	vst v63  }
0x116: {  	s15 =	smov.u32 s14  }
0x117: {  	p1 =	sne.s32 s14, $0x3800;
	s14 =	sadd.s32 $0x800, s14;
	_ =	swait.ge [sflag:s17], $0x2000  }
0x118: {  	s15 =	sshra.s32 s15, $0x2;
	[sflag:s17] =	ssyncset.done $0x0  }
0x119: {  	s10 =	sadd.s32 $0x380, s15;
	[sflag:s17] =	ssyncadd.s32 $0xFFFFE000  }
0x11a: {  	[tilespmem:s28], [sflag:$0x4] =	stream.indirect.gather [hbm4b:s4+s20], $0x80, s10, s20, $0xb8;
	[tilespmem:$0x1E800] =	vst v63  }
0x11b: {  	_ =	swait.ge [sflag:s29], $0x2000  }
0x11c: {  	[sflag:s29] =	ssyncset.done $0x0  }
0x11d: {  	s10 =	sadd.s32 $0x1600, s15;
	[sflag:s29] =	ssyncadd.s32 $0xFFFFE000  }
0x11e: {  	[spmem:s1] =	stream.indirect.scatter.add.f32 [tilespmem:s21], [sflag:$0x5], $0x80, s10, s20, $0xb8;
	[tilespmem:$0x1E800] =	vst v63  }
0x11f: {  	_ =	swait.ge [sflag:s30], $0x2000  }
0x120: {  	[sflag:s30] =	ssyncset.done $0x0  }
0x121: {  	s10 =	sadd.s32 $0x400, s15;
	[sflag:s30] =	ssyncadd.s32 $0xFFFFE000  }
0x122: {  	[tilespmem:s21], [sflag:$0x1] =	stream.indirect.gather [hbm4b:s4+s20], $0x80, s10, s20, $0xb8;
	[tilespmem:$0x1E800] =	vst v63  }
0x123: {  	_ =	swait.ge [sflag:s0], $0x2000  }
0x124: {  	[sflag:s0] =	ssyncset.done $0x0  }
0x125: {  	s10 =	sadd.s32 $0x1680, s15;
	[sflag:s0] =	ssyncadd.s32 $0xFFFFE000  }
0x126: {  	[spmem:s1] =	stream.indirect.scatter.add.f32 [tilespmem:s23], [sflag:$0x6], $0x80, s10, s20, $0xb8;
	[tilespmem:$0x1E800] =	vst v63  }
0x127: {  	_ =	swait.ge [sflag:s8], $0x2000  }
0x128: {  	[sflag:s8] =	ssyncset.done $0x0  }
0x129: {  	s10 =	sadd.s32 $0x480, s15;
	[sflag:s8] =	ssyncadd.s32 $0xFFFFE000  }
0x12a: {  	[tilespmem:s23], [sflag:$0x2] =	stream.indirect.gather [hbm4b:s4+s20], $0x80, s10, s20, $0xb8;
	[tilespmem:$0x1E800] =	vst v63  }
0x12b: {  	_ =	swait.ge [sflag:s11], $0x2000  }
0x12c: {  	[sflag:s11] =	ssyncset.done $0x0  }
0x12d: {  	s10 =	sadd.s32 $0x1700, s15;
	[sflag:s11] =	ssyncadd.s32 $0xFFFFE000  }
0x12e: {  	[spmem:s1] =	stream.indirect.scatter.add.f32 [tilespmem:s25], [sflag:$0x7], $0x80, s10, s20, $0xb8;
	[tilespmem:$0x1E800] =	vst v63  }
0x12f: {  	_ =	swait.ge [sflag:s13], $0x2000  }
0x130: {  	[sflag:s13] =	ssyncset.done $0x0  }
.Ltmp6:
0x131: {  	s10 =	sadd.s32 $0x500, s15;
	[sflag:s13] =	ssyncadd.s32 $0xFFFFE000;
	(pc) =	sbr.rel @p1 .LBB2_4-.Ltmp6, $4  }
0x132: {  	[tilespmem:s25], [sflag:$0x3] =	stream.indirect.gather [hbm4b:s4+s20], $0x80, s10, s20, $0xb8;
	[tilespmem:$0x1E800] =	vst v63  }
0x133: {  	_ =	swait.ge [sflag:s16], $0x2000  }
0x134: {  	[sflag:s16] =	ssyncset.done $0x0  }
0x135: {  	s15 =	sadd.s32 $0x1780, s15;
	[sflag:s16] =	ssyncadd.s32 $0xFFFFE000  }
0x136: {  	[spmem:s1] =	stream.indirect.scatter.add.f32 [tilespmem:s28], [sflag:$0x8], $0x80, s15, s20, $0xb8;
	[tilespmem:$0x1E800] =	vst v63  }
0x137: {  	_ =	swait.ge [sflag:s17], $0x2000  }
0x138: {  	[sflag:s17] =	ssyncset.done $0x0  }
0x139: {  	[sflag:s17] =	ssyncadd.s32 $0xFFFFE000  }
0x13a: {  	[tilespmem:s28], [sflag:$0x4] =	stream.indirect.gather [hbm4b:s4+s20], $0x80, s2, s20, $0xb8;
	[tilespmem:$0x1E800] =	vst v63  }
0x13b: {  	_ =	swait.ge [sflag:s29], $0x2000  }
0x13c: {  	[sflag:s29] =	ssyncset.done $0x0  }
0x13d: {  	[sflag:s29] =	ssyncadd.s32 $0xFFFFE000  }
0x13e: {  	[spmem:s1] =	stream.indirect.scatter.add.f32 [tilespmem:s21], [sflag:$0x5], $0x80, s22, s20, $0xb8;
	[tilespmem:$0x1E800] =	vst v63  }
0x13f: {  	_ =	swait.ge [sflag:s30], $0x2000  }
0x140: {  	[sflag:s30] =	ssyncset.done $0x0  }
0x141: {  	[sflag:s30] =	ssyncadd.s32 $0xFFFFE000  }
0x142: {  	_ =	swait.ge [sflag:s0], $0x2000  }
0x143: {  	[sflag:s0] =	ssyncset.done $0x0  }
0x144: {  	[sflag:s0] =	ssyncadd.s32 $0xFFFFE000  }
0x145: {  	[spmem:s1] =	stream.indirect.scatter.add.f32 [tilespmem:s23], [sflag:$0x6], $0x80, s24, s20, $0xb8;
	[tilespmem:$0x1E800] =	vst v63  }
0x146: {  	_ =	swait.ge [sflag:s8], $0x2000  }
0x147: {  	[sflag:s8] =	ssyncset.done $0x0  }
0x148: {  	[sflag:s8] =	ssyncadd.s32 $0xFFFFE000  }
0x149: {  	_ =	swait.ge [sflag:s11], $0x2000  }
0x14a: {  	[sflag:s11] =	ssyncset.done $0x0  }
0x14b: {  	[sflag:s11] =	ssyncadd.s32 $0xFFFFE000  }
0x14c: {  	[spmem:s1] =	stream.indirect.scatter.add.f32 [tilespmem:s25], [sflag:$0x7], $0x80, s26, s20, $0xb8;
	[tilespmem:$0x1E800] =	vst v63  }
0x14d: {  	_ =	swait.ge [sflag:s13], $0x2000  }
0x14e: {  	[sflag:s13] =	ssyncset.done $0x0  }
0x14f: {  	[sflag:s13] =	ssyncadd.s32 $0xFFFFE000  }
0x150: {  	s9 =	sadd.s32 $0x1, s9;
	_ =	swait.ge [sflag:s16], $0x2000  }
0x151: {  	p1 =	seq.s32 s9, $0x8;
	[sflag:s16] =	ssyncset.done $0x0  }
.Ltmp7:
0x152: {  	[sflag:s16] =	ssyncadd.s32 $0xFFFFE000;
	(pc) =	sbr.rel @!p1 .LBB2_3-.Ltmp7, $4  }
0x153: {  	[spmem:s1] =	stream.indirect.scatter.add.f32 [tilespmem:s28], [sflag:$0x8], $0x80, s31, s20, $0xb8;
	[tilespmem:$0x1E800] =	vst v63  }
0x154: {  	_ =	swait.ge [sflag:s17], $0x2000  }
0x155: {  	[sflag:s17] =	ssyncset.done $0x0  }
0x156: {  	[sflag:s17] =	ssyncadd.s32 $0xFFFFE000  }
.Ltmp8:
0x157: {  	(pc) =	sbr.rel .LBB2_12-.Ltmp8, $4  }
0x158: {  	_ = 	snop  }
0x159: {  	s3 =	rddreg [dreg:$0x4]  }
0x15a: {  	s9 =	rddreg [dreg:$0x3]  }
0x15b: {  	s14 =	rddreg [dreg:$0xd]  }
.LBB2_13:
0x15c: {  	_ =	sfence.sel $0x180000  }
0x15d: {  	[bflag:$0x0] =	sbarrier.arrive $0xFFFF  }
0x15e: {  	_ =	strace $0x90000050  }
0x15f: {  	s0 =	stileid.u32;
	[bflag:$0x2] =	sbarrier.arrive $0xFFFF  }
0x160: {  	p0 =	sne.s32 s0, $0x0;
	s0 =	rddreg [dreg:$0x2]  }
0x161: {  	s0 =	sadd.s32 @!p0 $0x100000, s0  }
0x162: {  	[sflag:s0] =	ssyncadd.tile.s32 @!p0 $0x1;
	_ =	shalt  }
.Lfunc_end2:
_tile_overlayer_lowered:
.L_overlay_start_2:
0x163: {  	(tag) =	ssettag $0x2  }
0x164: {  	s0 =	rddreg [dreg:$0x0];
	s2 =	stileid.u32  }
0x165: {  	s1 =	rddreg [dreg:$0x1];
	p0 =	sne.s32 s2, $0x0  }
0x166: {  	s3 =	rddreg [dreg:$0x2];
	[bflag:$0x3] =	sbarrier.arrive $0xFFFF;
	s2 =	simm.s32 @!p0 $0x1C09  }
0x167: {  	[timem:s3], [sflag:s2] =	dma.local @!p0 [hbm:s0], s1  }
0x168: {  	s0 =	simm.s32 @!p0 $0x9  }
0x169: {  	_ =	swait.ge @!p0 [sflag:s0], s1  }
0x16a: {  	s1 =	ssub.s32 @!p0 $0x0, s1;
	[sflag:s0] =	ssyncset.done @!p0 $0x0  }
0x16b: {  	[sflag:s0] =	ssyncadd.s32 @!p0 s1  }
0x16c: {  	[bflag:$0x3] =	sbarrier.arrive $0xFFFF  }
0x16d: {  	_ =	shalt  }

// kernel: kernel.9.cloned.1.call-start
scs
__scs_entry_jumppad:
0x0: {  	(pc) =	sbr.rel $0x88, $3  }
0x1: {  	(tag) =	ssettag $0x0;
	lr =	simm.s32 $0x1  }
0x2: {  	[smem:$0x3F94] =	sst lr;
	_ =	strace $0xD0000000  }
0x3: {  	_ = 	snop  }
0x4: {  	_ = 	snop  }
0x5: {  	_ = 	snop  }
0x6: {  	_ = 	snop  }
0x7: {  	_ = 	snop  }
__scs_overlays_trampoline_lowered:
0x8: {  	[smem:$0x3FA3] =	sst s0  }
0x9: {  	[smem:$0x3FA4] =	sst s1  }
0xa: {  	[smem:$0x3FA5] =	sst s2  }
0xb: {  	[smem:$0x3FA6] =	sst s3  }
0xc: {  	[smem:$0x3FA7] =	sst s4  }
0xd: {  	[smem:$0x3FA8] =	sst s5  }
0xe: {  	[smem:$0x3FA9] =	sst s6  }
0xf: {  	[smem:$0x3FAA] =	sst s7  }
0x10: {  	[smem:$0x3FAB] =	sst s8  }
0x11: {  	[smem:$0x3FAC] =	sst s9;
	s0 =	simm.s32 @!p0 $0x0  }
0x12: {  	s1 =	sld [smem:$0x3F92];
	s0 =	simm.s32 @p0 $0x1  }
0x13: {  	[smem:$0x3FAD] =	sst s0;
	s0 =	simm.s32 @!p1 $0x0  }
0x14: {  	s2 =	sld [smem:$0x3F91];
	s0 =	simm.s32 @p1 $0x1  }
0x15: {  	[smem:$0x3FAE] =	sst s0;
	s0 =	simm.s32 @!p2 $0x0  }
0x16: {  	s3 =	sld [smem:$0x3FDB];
	s0 =	simm.s32 @p2 $0x1  }
0x17: {  	s4 =	simm.s32 $0x1BF5;
	[smem:$0x3FB0] =	sst s0  }
0x18: {  	s0 =	sld [smem:$0x3F93];
	_ =	swait.ge [sflag:s4], $0x0  }
0x19: {  	s7 =	sld [smem:$0x3F94]  }
0x1a: {  	s8 =	sadd.s32 $0xFFFFE003, lr  }
0x1b: {  	s9 =	sadd.s32 $0xFFFFFEF7, lr;
	s5 =	simm.s32 $0xFFFFFFFF;
	p2 =	slt.u32 s8, $0xFFFFF086  }
0x1c: {  	p1 =	slt.u32 s9, $0xF7A;
	s5 =	simm.s32 @!p2 $0x0  }
0x1d: {  	s5 =	simm.s32 @p1 $0x1;
	p0 =	seq.s32 s7, s2  }
0x1e: {  	s7 =	smul.u32 @!p0 $0xF7A, s2;
	p2 =	seq.s32 @!p0 s5, $0x0  }
0x1f: {  	s9 =	smul.u32 $0xF7A, s1;
	s8 =	simm.s32 @!p0 $0x1BF5;
	p2 =	por !p2, p0  }
0x20: {  	[sflag:s8] =	ssyncset.s32 @!p0 $0xFFFFF086;
	s6 =	sadd.s32 @!p0 s3, s7;
	s7 =	simm.s32 @!p0 $0x108  }
0x21: {  	s3 =	sadd.s32 s3, s9;
	s6 =	sadd.s32 @!p0 $0x88, s6;
	s7 =	simm.s32 @p2 $0x1082  }
0x22: {  	[simem:s7], [sflag:s8] =	dma.local @!p0 [hbm:s6], $0xF7A  }
0x23: {  	s9 =	sor.u32 $0xD0000000, s2;
	s6 =	simm.s32 $0x108;
	_ =	swait.ge @!p0 [sflag:s8], $0x0  }
0x24: {  	s3 =	sadd.s32 $0x88, s3;
	s6 =	simm.s32 @!p1 $0x1082;
	[sflag:s4] =	ssyncset.s32 $0xFFFFF086  }
0x25: {  	[simem:s6], [sflag:s4] =	dma.local [hbm:s3], $0xF7A  }
0x26: {  	[smem:$0x3F94] =	sst s1;
	(tag) =	ssettag s2;
	_ =	strace s9  }
0x27: {  	s1 =	sld [smem:$0x3FA4]  }
0x28: {  	s2 =	sld [smem:$0x3FA5]  }
0x29: {  	s4 =	sld [smem:$0x3FA7]  }
0x2a: {  	p0 =	seq.s32 s5, $0x0;
	s5 =	sld [smem:$0x3FA8]  }
0x2b: {  	s6 =	sld [smem:$0x3FA9]  }
0x2c: {  	s7 =	sld [smem:$0x3FAA]  }
0x2d: {  	s3 =	simm.s32 $0x108;
	s8 =	sld [smem:$0x3FAB]  }
0x2e: {  	s3 =	simm.s32 @!p0 $0x1082;
	s9 =	sld [smem:$0x3FAC]  }
0x2f: {  	lr =	sadd.s32 s0, s3;
	s0 =	sld [smem:$0x3FA3]  }
0x30: {  	s3 =	sld [smem:$0x3FA6]  }
0x31: {  	[smem:$0x3FAF] =	sst s10  }
0x32: {  	s10 =	sld [smem:$0x3FAD];
	_ =	sdelay $0x3  }
0x33: {  	p0 =	seq.s32 s10, $0x1;
	s10 =	sld [smem:$0x3FAF];
	_ =	sdelay $0x3  }
0x34: {  	[smem:$0x3FAF] =	sst s10  }
0x35: {  	s10 =	sld [smem:$0x3FAE];
	_ =	sdelay $0x3  }
0x36: {  	p1 =	seq.s32 s10, $0x1;
	s10 =	sld [smem:$0x3FAF];
	_ =	sdelay $0x3  }
0x37: {  	[smem:$0x3FAF] =	sst s10  }
0x38: {  	s10 =	sld [smem:$0x3FB0]  }
0x39: {  	_ = 	snop;
	(pc) =	sbr.ind lr, $3  }
0x3a: {  	_ = 	snop  }
0x3b: {  	_ = 	snop  }
0x3c: {  	p2 =	seq.s32 s10, $0x1;
	s10 =	sld [smem:$0x3FAF]  }
0x3d: {  	_ =	shalt  }
0x3e: {  	_ =	shalt  }
0x3f: {  	_ =	shalt  }
0x40: {  	_ =	shalt  }
0x41: {  	_ =	shalt  }
0x42: {  	_ =	shalt  }
0x43: {  	_ =	shalt  }
0x44: {  	_ =	shalt  }
0x45: {  	_ =	shalt  }
0x46: {  	_ =	shalt  }
0x47: {  	_ =	shalt  }
0x48: {  	_ =	shalt  }
0x49: {  	_ =	shalt  }
0x4a: {  	_ =	shalt  }
0x4b: {  	_ =	shalt  }
0x4c: {  	_ =	shalt  }
0x4d: {  	_ =	shalt  }
0x4e: {  	_ =	shalt  }
0x4f: {  	_ =	shalt  }
0x50: {  	_ =	shalt  }
0x51: {  	_ =	shalt  }
0x52: {  	_ =	shalt  }
0x53: {  	_ =	shalt  }
0x54: {  	_ =	shalt  }
0x55: {  	_ =	shalt  }
0x56: {  	_ =	shalt  }
0x57: {  	_ =	shalt  }
0x58: {  	_ =	shalt  }
0x59: {  	_ =	shalt  }
0x5a: {  	_ =	shalt  }
0x5b: {  	_ =	shalt  }
0x5c: {  	_ =	shalt  }
0x5d: {  	_ =	shalt  }
0x5e: {  	_ =	shalt  }
0x5f: {  	_ =	shalt  }
0x60: {  	_ =	shalt  }
0x61: {  	_ =	shalt  }
0x62: {  	_ =	shalt  }
0x63: {  	_ =	shalt  }
0x64: {  	_ =	shalt  }
0x65: {  	_ =	shalt  }
0x66: {  	_ =	shalt  }
0x67: {  	_ =	shalt  }
0x68: {  	_ =	shalt  }
0x69: {  	_ =	shalt  }
0x6a: {  	_ =	shalt  }
0x6b: {  	_ =	shalt  }
0x6c: {  	_ =	shalt  }
0x6d: {  	_ =	shalt  }
0x6e: {  	_ =	shalt  }
0x6f: {  	_ =	shalt  }
0x70: {  	_ =	shalt  }
0x71: {  	_ =	shalt  }
0x72: {  	_ =	shalt  }
0x73: {  	_ =	shalt  }
0x74: {  	_ =	shalt  }
0x75: {  	_ =	shalt  }
0x76: {  	_ =	shalt  }
0x77: {  	_ =	shalt  }
0x78: {  	_ =	shalt  }
0x79: {  	_ =	shalt  }
0x7a: {  	_ =	shalt  }
0x7b: {  	_ =	shalt  }
0x7c: {  	_ =	shalt  }
0x7d: {  	_ =	shalt  }
0x7e: {  	_ =	shalt  }
0x7f: {  	_ =	shalt  }
0x80: {  	_ =	shalt  }
0x81: {  	_ =	shalt  }
0x82: {  	_ =	shalt  }
0x83: {  	_ =	shalt  }
0x84: {  	_ =	shalt  }
0x85: {  	_ =	shalt  }
0x86: {  	_ =	shalt  }
0x87: {  	_ =	shalt  }
.Lfunc_end0:
.L_simem_size_0:
called_computation_lowered:
.L_overlay_start_0:
0x88: {  	s2 =	sld [smem:$0x3FD9]  }
0x89: {  	s3 =	sld [smem:$0x3FFE];
	_ =	sdelay $0x1  }
0x8a: {  	s1 =	srdreg.scid  }
0x8b: {  	s0 =	sand.u32 $0x1, s1  }
0x8c: {  	s16 =	sshll.u32 s0, $0xA;
	s2 =	sadd.s32 s3, s2  }
0x8d: {  	s2 =	sadd.s32 s2, s16  }
0x8e: {  	[smem:$0x3FBB] =	sst s2  }
0x8f: {  	_ = 	snop  }
0x90: {  	(tm) =	ssettm $0x1  }
0x91: {  	s17 =	sld [smem:$0x3FFB];
	_ =	sdelay $0x3  }
0x92: {  	_ =	strace s17  }
0x93: {  	s2 =	sld [smem:$0x3FFC];
	_ =	sdelay $0x3  }
0x94: {  	_ =	strace s2  }
0x95: {  	s2 =	sld [smem:$0x3FFD];
	_ =	sdelay $0x3  }
0x96: {  	_ =	strace s2  }
0x97: {  	_ =	strace $0x8FFFFFFF  }
0x98: {  	s18 =	sld [smem:$0x3FDB];
	_ =	sdelay $0x1  }
0x99: {  	s19 =	simm.s32 $_scs_section_size  }
0x9a: {  	s4 =	simm.s32 $_size__tile_overlayer_lowered;
	s5 =	simm.s32 $_tile_overlayer_lowered  }
0x9b: {  	s22 =	simm.s32 $0x1BFF;
	s21 =	sshll.u32 s5, $0x1;
	s2 =	sadd.s32 s19, s18  }
0x9c: {  	s6 =	simm.s32 $0x0;
	s20 =	sshll.u32 s4, $0x1;
	s4 =	sadd.s32 s21, s2  }
0x9d: {  	[timem:s6], [sflag:s22] =	dma.local [hbm:s4], s20  }
0x9e: {  	_ =	swait.ge [sflag:s22], s20  }
0x9f: {  	s3 =	ssub.s32 $0x0, s20;
	[sflag:s22] =	ssyncset.done $0x0  }
0xa0: {  	[sflag:s22] =	ssyncadd.s32 s3;
	_ =	sdelay $0x1  }
0xa1: {  	s23 =	simm.s32 $0x1B8B  }
0xa2: {  	_ =	swait.ge [sflag:s23], $0x1  }
0xa3: {  	[sflag:s23] =	ssyncset.done $0x0  }
0xa4: {  	s25 =	simm.s32 $0x1B8E;
	s24 =	sld [smem:$0x3FFE];
	[sflag:s23] =	ssyncadd.s32 $0xFFFFFFFF  }
0xa5: {  	s26 =	simm.s32 $execute0_lowered;
	[smem:$0x3FD2] =	sst s25  }
0xa6: {  	s4 =	sshll.u32 s26, $0x1;
	_ =	strace $0x80000046;
	[dreg:$0x1] =	wrdreg $0xFFFFFFFF  }
0xa7: {  	s28 =	simm.s32 $_size_execute0_lowered;
	s2 =	sadd.s32 s2, s4;
	[dreg:$0x0] =	wrdreg $0x0  }
0xa8: {  	s4 =	sshll.u32 s28, $0x1;
	[dreg:$0x2] =	wrdreg s2  }
0xa9: {  	[dreg:$0x3] =	wrdreg s4  }
0xaa: {  	[dreg:$0x4] =	wrdreg $0xC0  }
0xab: {  	_ =	task [dreg:s6], $0x5FFFF  }
0xac: {  	[dreg:$0x1] =	wrdreg $0xFFFFFFFF  }
0xad: {  	[dreg:$0x0] =	wrdreg $0x60  }
0xae: {  	[dreg:$0x2] =	wrdreg s24  }
0xaf: {  	[dreg:$0x3] =	wrdreg $0x2B000  }
0xb0: {  	[dreg:$0x4] =	wrdreg $0x9  }
0xb1: {  	_ =	task.clear_ibuf [dreg:s6], $0x5FFFF;
	_ =	strace $0x90000046  }
0xb2: {  	s29 =	simm.s32 $0x9;
	_ =	strace $0x80000048  }
0xb3: {  	_ =	swait.ge [sflag:s29], $0x1  }
0xb4: {  	[sflag:s29] =	ssyncadd.s32 $0xFFFFFFFF  }
0xb5: {  	_ =	strace $0x90000048  }
0xb6: {  	_ =	sfence  }
0xb7: {  	s30 =	sld [smem:$0x0];
	_ =	sdelay $0x2  }
0xb8: {  	s31 =	sshll.u32 s1, $0xD;
	s1 =	sshrl.u32 s1, $0x2  }
0xb9: {  	s3 =	sand.u32 $0x4000, s31;
	s1 =	sadd.s32 s1, s30  }
0xba: {  	s0 =	sor.u32 s3, s0;
	s1 =	sshll.u32 s1, $0x11  }
0xbb: {  	s0 =	sor.u32 s1, s0  }
0xbc: {  	s0 =	sadd.s32 $0x8F2B, s0  }
0xbd: {  	[sflag:s0] =	ssyncadd.remote.s32 $0x1  }
0xbe: {  	_ =	sfence.sel $0xFFFF  }
0xbf: {  	[dreg:$0x0] =	wrdreg $0xFFFFFFFF;
	(pc) =	sbr.abs _section_cstart, $3  }
0xc0: {  	[dreg:$0x1] =	wrdreg $0xFFFFFFFF  }
0xc1: {  	_ =	task.clear_ibuf [dreg:s6], $0x2FFFF;
	_ =	strace $0x9FFFFFFF  }
0xc2: {  	(tm) =	ssettm $0x7FFFFFFF  }
0xc3: {  	_ =	shalt  }
tec
execute0_lowered:
.L_overlay_start_1:
0x0: {  	(tag) =	ssettag $0x1  }
0x1: {  	s4 =	rddreg [dreg:$0x0]  }
0x2: {  	s2 =	rddreg [dreg:$0x1];
	s3 =	srdreg.scid  }
0x3: {  	s1 =	stileid.u32;
	s0 =	rddreg [dreg:$0x2];
	s10 =	simm.s32 $0x80  }
0x4: {  	s11 =	simm.s32 $0x2800;
	s14 =	simm.s32 $0x0;
	s5 =	sand.u32 $0x1, s3  }
0x5: {  	s6 =	smul.u32 $0x280, s1;
	s3 =	simm.s32 $0x0;
	s12 =	sshll.u32 s1, $0x6  }
0x6: {  	s7 =	sshll.u32 s5, $0x4;
	s8 =	smul.u32 $0x2800, s5;
	[smem:$0x7FF] =	sst s3  }
0x7: {  	s5 =	ssub.s32 $0x2, s5;
	s12 =	sor.u32 $0x1C01, s12;
	s7 =	sor.u32 s1, s7  }
0x8: {  	s9 =	sshrl.u32 s5, $0x1;
	s7 =	smul.u32 $0x500, s7;
	s8 =	sadd.s32 s6, s8  }
0x9: {  	_ =	strace $0x80000047;
	s9 =	ssub.s32 s5, s9;
	s8 =	sshrl.u32 s8, $0x3  }
0xa: {  	s7 =	sadd.s32 s7, s4;
	s8 =	sadd.s32 s8, s4;
	s4 =	sadd.s32 s6, s2  }
0xb: {  	s5 =	sadd.s32 $0x5600, s7;
	s6 =	sadd.s32 $0xF600, s8;
	s7 =	smax.u32 s9, $0x1  }
0xc: {  	v0 =	vimm.f32 $1.000000000e+00;
	v1 =	vimm.f32 $0.0e+00;
	s8 =	simm.s32 $0x2880;
	s9 =	simm.s32 $0x1;
	s13 =	sshrl.u32 s4, $0x3  }
.LBB2_1:
0xd: {  	[tilespmem:$0x2800] =	vst v0  }
0xe: {  	[tilespmem:$0x2810] =	vst v0  }
0xf: {  	[tilespmem:$0x2820] =	vst v0  }
0x10: {  	[tilespmem:$0x2830] =	vst v0  }
0x11: {  	[tilespmem:$0x2840] =	vst v0  }
0x12: {  	[tilespmem:$0x2850] =	vst v0  }
0x13: {  	[tilespmem:$0x2860] =	vst v0  }
0x14: {  	[tilespmem:$0x2870] =	vst v0  }
0x15: {  	[tilespmem:$0x2880] =	vst v1  }
0x16: {  	[tilespmem:$0x2890] =	vst v1  }
0x17: {  	[tilespmem:$0x28A0] =	vst v1  }
0x18: {  	[tilespmem:$0x28B0] =	vst v1  }
0x19: {  	[tilespmem:$0x28C0] =	vst v1  }
0x1a: {  	[tilespmem:$0x28D0] =	vst v1  }
0x1b: {  	[tilespmem:$0x28E0] =	vst v1  }
0x1c: {  	[tilespmem:$0x28F0] =	vst v1  }
0x1d: {  	[tilespmem:$0x2900] =	vst v1  }
0x1e: {  	[tilespmem:$0x2910] =	vst v1  }
0x1f: {  	[tilespmem:$0x2920] =	vst v1  }
0x20: {  	[tilespmem:$0x2930] =	vst v1  }
0x21: {  	[tilespmem:$0x2940] =	vst v1  }
0x22: {  	[tilespmem:$0x2950] =	vst v1  }
0x23: {  	[tilespmem:$0x2960] =	vst v1  }
0x24: {  	[tilespmem:$0x2970] =	vst v1  }
0x25: {  	[tilespmem:$0x2980] =	vst v1  }
0x26: {  	[tilespmem:$0x2990] =	vst v1  }
0x27: {  	[tilespmem:$0x29A0] =	vst v1  }
0x28: {  	[tilespmem:$0x29B0] =	vst v1  }
0x29: {  	[tilespmem:$0x29C0] =	vst v1  }
0x2a: {  	[tilespmem:$0x29D0] =	vst v1  }
0x2b: {  	[tilespmem:$0x29E0] =	vst v1  }
0x2c: {  	[tilespmem:$0x29F0] =	vst v1  }
0x2d: {  	[tilespmem:$0x2A00] =	vst v1  }
0x2e: {  	[tilespmem:$0x2A10] =	vst v1  }
0x2f: {  	[tilespmem:$0x2A20] =	vst v1  }
0x30: {  	[tilespmem:$0x2A30] =	vst v1  }
0x31: {  	[tilespmem:$0x2A40] =	vst v1  }
0x32: {  	[tilespmem:$0x2A50] =	vst v1  }
0x33: {  	[tilespmem:$0x2A60] =	vst v1  }
0x34: {  	[tilespmem:$0x2A70] =	vst v1  }
0x35: {  	[tilespmem:$0x2A80] =	vst v1  }
0x36: {  	[tilespmem:$0x2A90] =	vst v1  }
0x37: {  	[tilespmem:$0x2AA0] =	vst v1  }
0x38: {  	[tilespmem:$0x2AB0] =	vst v1  }
0x39: {  	[tilespmem:$0x2AC0] =	vst v1  }
0x3a: {  	[tilespmem:$0x2AD0] =	vst v1  }
0x3b: {  	[tilespmem:$0x2AE0] =	vst v1  }
0x3c: {  	[tilespmem:$0x2AF0] =	vst v1  }
0x3d: {  	[spmem:s4] =	stream.linear.scatter [tilespmem:s8], [sflag:$0x1], $0x280, $0x38;
	[tilespmem:$0x2D80] =	vst v63  }
0x3e: {  	_ =	swait.ge [sflag:s9], $0x280  }
0x3f: {  	[sflag:s9] =	ssyncset.done $0x0  }
0x40: {  	[sflag:s9] =	ssyncadd.s32 $0xFFFFFD80  }
0x41: {  	[tilespmem:s3], [sflag:$0x1] =	stream.linear.gather [hbm4b:s5+s3], $0x2800, $0x38;
	[tilespmem:$0x2D80] =	vst v63  }
0x42: {  	_ =	swait.ge [sflag:s9], $0x2800  }
0x43: {  	[sflag:s9] =	ssyncset.done $0x0  }
0x44: {  	[sflag:s9] =	ssyncadd.s32 $0xFFFFD800  }
0x45: {  	s15 =	simm.s32 $0x0;
	[bflag:$0x0] =	sbarrier.arrive $0xFFFF  }
0x46: {  	[spmem:s2] =	stream.indirect.scatter.add.f32 [tilespmem:s11], [sflag:$0x1], $0x1, s15, s10, $0xb8;
	[tilespmem:$0x2D80] =	vst v63  }
0x47: {  	_ =	swait.ge [sflag:s9], $0x80  }
0x48: {  	s15 =	simm.s32 $0x200;
	[sflag:s9] =	ssyncset.done $0x0  }
.LBB2_2:
0x49: {  	s16 =	sshra.s32 s15, $0x2;
	[sflag:s9] =	ssyncadd.s32 $0xFFFFFF80;
	p0 =	sne.s32 s15, $0x9E00  }
0x4a: {  	[spmem:s2] =	stream.indirect.scatter.add.f32 [tilespmem:s11], [sflag:$0x1], $0x1, s16, s10, $0xb8;
	[tilespmem:$0x2D80] =	vst v63  }
.Ltmp0:
0x4b: {  	_ = 	snop;
	(pc) =	sbr.rel @p0 .LBB2_2-.Ltmp0, $4  }
0x4c: {  	_ = 	snop  }
0x4d: {  	s15 =	sadd.s32 $0x200, s15  }
0x4e: {  	_ =	swait.ge [sflag:s9], $0x80  }
0x4f: {  	[sflag:s9] =	ssyncset.done $0x0  }
0x50: {  	s14 =	sadd.s32 $0x1, s14  }
0x51: {  	[sflag:s9] =	ssyncadd.s32 $0xFFFFFF80;
	p0 =	sne.s32 s14, s7  }
.Ltmp1:
0x52: {  	[bflag:$0x0] =	sbarrier.arrive $0xFFFF;
	(pc) =	sbr.rel @p0 .LBB2_1-.Ltmp1, $4  }
0x53: {  	[hbm:s6], [sflag:s12] =	dma.local [spmem:s13], $0x50  }
0x54: {  	_ =	swait.ge [sflag:s9], $0x50  }
0x55: {  	[sflag:s9] =	ssyncset.done $0x0  }
0x56: {  	[sflag:s9] =	ssyncadd.s32 $0xFFFFFFB0  }
0x57: {  	_ =	sfence.sel $0x180000  }
0x58: {  	[bflag:$0x0] =	sbarrier.arrive $0xFFFF  }
0x59: {  	p0 =	sne.s32 s1, $0x0;
	_ =	strace $0x90000047  }
0x5a: {  	s0 =	sadd.s32 @!p0 $0x100000, s0;
	[bflag:$0x2] =	sbarrier.arrive $0xFFFF  }
0x5b: {  	[sflag:s0] =	ssyncadd.tile.s32 @!p0 $0x1;
	_ =	shalt  }
.Lfunc_end2:
_tile_overlayer_lowered:
.L_overlay_start_2:
0x5c: {  	(tag) =	ssettag $0x2  }
0x5d: {  	s0 =	rddreg [dreg:$0x0];
	s2 =	stileid.u32  }
0x5e: {  	s1 =	rddreg [dreg:$0x1];
	p0 =	sne.s32 s2, $0x0  }
0x5f: {  	s3 =	rddreg [dreg:$0x2];
	[bflag:$0x3] =	sbarrier.arrive $0xFFFF;
	s2 =	simm.s32 @!p0 $0x1C01  }
0x60: {  	[timem:s3], [sflag:s2] =	dma.local @!p0 [hbm:s0], s1  }
0x61: {  	s0 =	simm.s32 @!p0 $0x1  }
0x62: {  	_ =	swait.ge @!p0 [sflag:s0], s1  }
0x63: {  	s1 =	ssub.s32 @!p0 $0x0, s1;
	[sflag:s0] =	ssyncset.done @!p0 $0x0  }
0x64: {  	[sflag:s0] =	ssyncadd.s32 @!p0 s1  }
0x65: {  	[bflag:$0x3] =	sbarrier.arrive $0xFFFF  }
0x66: {  	_ =	shalt  }

</sc_bundles>
